<compile_context>
chip_gen: v7x
topology: tpu7x:2x2x1
jax: 0.10.2.dev20260603
libtpu: 0.0.44.dev20260713+nightly
codegen_flags: <defaults>
</compile_context>

<pallas_src>
import functools

import jax
import jax.numpy as jnp
from jax import lax
from jax.experimental import pallas as pl
from jax.experimental.pallas import tpu as pltpu
from jax.experimental.pallas import tpu_sc as plsc

NC = 2
NS = 16
NW = NC * NS

K = 8
H = 4


@functools.lru_cache(maxsize=None)
def _build(B, V, D):
    bpw = B // NW
    chunks = bpw // K
    assert B % (NW * K) == 0 and chunks >= 4 and chunks % 2 == 0

    mesh = plsc.VectorSubcoreMesh(core_axis_name="c", subcore_axis_name="s")

    @functools.partial(
        pl.kernel,
        mesh=mesh,
        out_type=jax.ShapeDtypeStruct((B, D), jnp.float32),
        scratch_types=(
            [pltpu.VMEM((bpw,), jnp.int32),
             pltpu.VMEM((2, K, D), jnp.float32),
             pltpu.MemorySpace.VMEM_SHARED((NS, 2, H, D), jnp.float32)]
            + [pltpu.SemaphoreType.DMA] * 5
        ),
    )
    def emb(idx_hbm, tab_hbm, out_hbm, idx_v, bufs, shr, *sems):
        gsems = sems[0:2]
        xsem = sems[2]
        wsems = sems[3:5]
        wid = lax.axis_index("s") * NC + lax.axis_index("c")
        sid = lax.axis_index("s")
        base = wid * bpw
        pltpu.sync_copy(idx_hbm.at[pl.ds(base, bpw)], idx_v)

        def start_gather(b, g):
            off = pl.multiple_of(g * K, 8)
            pltpu.async_copy(
                tab_hbm.at[idx_v.at[pl.ds(off, K)]], bufs.at[b], gsems[b])

        def wait_gather(b):
            pltpu.make_async_copy(
                tab_hbm.at[idx_v.at[pl.ds(0, K)]], bufs.at[b], gsems[b]).wait()

        def do_x(b, h):
            src = bufs.at[b].at[pl.ds(h * H, H)]
            pltpu.async_copy(src, shr.at[sid, h], xsem)
            pltpu.make_async_copy(src, shr.at[sid, h], xsem).wait()

        def start_write(h, g):
            off = pl.multiple_of(base + g * K + h * H, H)
            pltpu.async_copy(shr.at[sid, h], out_hbm.at[pl.ds(off, H)],
                             wsems[h])

        def wait_write(h):
            pltpu.make_async_copy(shr.at[sid, h],
                                  out_hbm.at[pl.ds(0, H)], wsems[h]).wait()

        def process(b, g, first=False, nxt=True):
            wait_gather(b)
            for h in range(K // H):
                if not first:
                    wait_write(h)
                do_x(b, h)
                start_write(h, g)
            if nxt:
                start_gather(b, g + 2)

        start_gather(0, 0)
        start_gather(1, 1)
        process(0, 0, first=True)

        @pl.loop(0, (chunks - 4) // 2)
        def _(i):
            process(1, 2 * i + 1)
            process(0, 2 * i + 2)

        process(1, chunks - 3)
        process(0, chunks - 2, nxt=False)
        process(1, chunks - 1, nxt=False)
        for h in range(K // H):
            wait_write(h)

    return emb


def kernel(input_ids, embed_weight):
    V, D = embed_weight.shape
    idx = input_ids.reshape(-1).astype(jnp.int32)
    B = idx.shape[0]
    out = _build(B, V, D)(idx, embed_weight)
    return out.reshape(input_ids.shape + (D,))

# --- scband reference (transcript-rebuilt; emitter-appended) ---
"""Pipeline reference for scband-llama-embeddings-82617990906249 (READ-ONLY COPY).

The authoritative reference and input builder live on the scoring server;
editing this copy changes nothing except your own understanding.
"""

import jax, jax.numpy as jnp
import numpy as np

VOCAB = 33000
HIDDEN = 4096
BATCH = 4
SEQ = 4096

def setup_inputs(seed: int = 0) -> dict:
    key = jax.random.key(seed)
    k_ids, k_tab = jax.random.split(key)
    input_ids = jax.random.randint(k_ids, (BATCH, SEQ), 0, VOCAB, dtype=jnp.int64 if jax.config.jax_enable_x64 else jnp.int32)
    embed_weight = jax.random.normal(k_tab, (VOCAB, HIDDEN), dtype=jnp.float32) * 0.02
    return {"input_ids": input_ids, "embed_weight": embed_weight}

def reference(input_ids, embed_weight):
    # nn.Embedding forward: gather rows of the table by token id
    return jnp.take(embed_weight, input_ids, axis=0)

if __name__ == "__main__":
    import jax
    _d = setup_inputs()
    print(jax.jit(kernel)(*tuple(_d.values())))

</pallas_src>

<mosaic_0001>
#map = affine_map<(d0, d1) -> (0)>
#map1 = affine_map<(d0, d1) -> (0, 0)>
module attributes {stable_mosaic.version = 14 : i64} {
  func.func @emb(%arg0: i32, %arg1: i32, %arg2: memref<16384xi32, #tpu.memory_space<hbm>>, %arg3: memref<33000x4096xf32, #tpu.memory_space<hbm>>, %arg4: memref<16384x4096xf32, #tpu.memory_space<hbm>>, %arg5: memref<512xi32, #tpu.memory_space<vmem>>, %arg6: memref<2x8x4096xf32, #tpu.memory_space<vmem>>, %arg7: memref<16x2x4x4096xf32, #tpu.memory_space<vmem_shared>>, %arg8: memref<!tpu.dma_semaphore, #tpu.memory_space<semaphore_mem>>, %arg9: memref<!tpu.dma_semaphore, #tpu.memory_space<semaphore_mem>>, %arg10: memref<!tpu.dma_semaphore, #tpu.memory_space<semaphore_mem>>, %arg11: memref<!tpu.dma_semaphore, #tpu.memory_space<semaphore_mem>>, %arg12: memref<!tpu.dma_semaphore, #tpu.memory_space<semaphore_mem>>) attributes {dimension_semantics = [#tpu.dimension_semantics<core_parallel>, #tpu.dimension_semantics<subcore_parallel>], iteration_bounds = array<i64: 2, 16>, scalar_prefetch = 0 : i64, scratch_operands = 8 : i64, tpu.core_type = #tpu.core_type<sc_vector_subcore>, window_params = [{transform_indices = #map}, {transform_indices = #map1}, {transform_indices = #map1}]} {
    %mul3A = arith.constant 2 : i32
    %mul3A_0 = arith.muli %arg1, %mul3A : i32
    %add3A = arith.addi %mul3A_0, %arg0 : i32
    %mul3A_1 = arith.constant 512 : i32
    %mul3A_2 = arith.muli %add3A, %mul3A_1 : i32
    "tpu.region"() ({
      %run_scoped3A = tpu.sem_alloc : memref<!tpu.dma_semaphore, #tpu.memory_space<semaphore_mem>>
      %dma_start3A_632 = tpu.memref_slice %arg2[%mul3A_2] : memref<16384xi32, #tpu.memory_space<hbm>> -> memref<512xi32, #tpu.memory_space<hbm>>
      %dma_start3A_633 = tpu.memref_slice %arg2[%mul3A_2] : memref<16384xi32, #tpu.memory_space<hbm>> -> memref<512xi32, #tpu.memory_space<hbm>>
      tpu.enqueue_dma source(%dma_start3A_633 : memref<512xi32, #tpu.memory_space<hbm>>) target(%arg5 : memref<512xi32, #tpu.memory_space<vmem>>) target_semaphore(%run_scoped3A : memref<!tpu.dma_semaphore, #tpu.memory_space<semaphore_mem>>)
      %dma_wait3A_634 = tpu.memref_slice %arg2[%mul3A_2] : memref<16384xi32, #tpu.memory_space<hbm>> -> memref<512xi32, #tpu.memory_space<hbm>>
      %dma_wait3A_635 = tpu.memref_slice %arg2[%mul3A_2] : memref<16384xi32, #tpu.memory_space<hbm>> -> memref<512xi32, #tpu.memory_space<hbm>>
      tpu.wait_dma2 semaphore(%run_scoped3A : memref<!tpu.dma_semaphore, #tpu.memory_space<semaphore_mem>>) src(%dma_wait3A_635 : memref<512xi32, #tpu.memory_space<hbm>>) dst(%arg5 : memref<512xi32, #tpu.memory_space<vmem>>)
      tpu.yield
    }) : () -> ()
    %multiple_of3A = arith.constant 0 : i32
    %multiple_of3A_3 = tpu.assume_multiple %multiple_of3A, 8 : i32
    %dma_start3A = arith.constant 0 : i32
    %dma_start3A_4 = arith.constant 0 : i32
    %dma_start3A_5 = arith.constant 0 : i32
    %dma_start3A_6 = tpu.memref_slice %arg6[%dma_start3A, %dma_start3A_4, %dma_start3A_5] : memref<2x8x4096xf32, #tpu.memory_space<vmem>> -> memref<1x8x4096xf32, #tpu.memory_space<vmem>>
    %dma_start3A_7 = tpu.memref_squeeze %dma_start3A_6 : memref<1x8x4096xf32, #tpu.memory_space<vmem>> -> memref<8x4096xf32, #tpu.memory_space<vmem>>
    %dma_start3A_8 = tpu.memref_slice %arg5[%multiple_of3A_3] : memref<512xi32, #tpu.memory_space<vmem>> -> memref<8xi32, #tpu.memory_space<vmem>>
    %dma_start3A_9 = arith.constant 0 : i32
    %dma_start3A_10 = arith.constant 0 : i32
    %dma_start3A_11 = tpu.memref_slice %arg3[%dma_start3A_9, %dma_start3A_10] : memref<33000x4096xf32, #tpu.memory_space<hbm>> -> memref<33000x4096xf32, #tpu.memory_space<hbm>>
    tpu.enqueue_indirect_dma source(%dma_start3A_11 : memref<33000x4096xf32, #tpu.memory_space<hbm>>) target(%dma_start3A_7 : memref<8x4096xf32, #tpu.memory_space<vmem>>) offsets(%dma_start3A_8 : memref<8xi32, #tpu.memory_space<vmem>>) semaphore(%arg8 : memref<!tpu.dma_semaphore, #tpu.memory_space<semaphore_mem>>)
    %multiple_of3A_12 = arith.constant 8 : i32
    %multiple_of3A_13 = tpu.assume_multiple %multiple_of3A_12, 8 : i32
    %dma_start3A_14 = arith.constant 1 : i32
    %dma_start3A_15 = arith.constant 0 : i32
    %dma_start3A_16 = arith.constant 0 : i32
    %dma_start3A_17 = tpu.memref_slice %arg6[%dma_start3A_14, %dma_start3A_15, %dma_start3A_16] : memref<2x8x4096xf32, #tpu.memory_space<vmem>> -> memref<1x8x4096xf32, #tpu.memory_space<vmem>>
    %dma_start3A_18 = tpu.memref_squeeze %dma_start3A_17 : memref<1x8x4096xf32, #tpu.memory_space<vmem>> -> memref<8x4096xf32, #tpu.memory_space<vmem>>
    %dma_start3A_19 = tpu.memref_slice %arg5[%multiple_of3A_13] : memref<512xi32, #tpu.memory_space<vmem>> -> memref<8xi32, #tpu.memory_space<vmem>>
    %dma_start3A_20 = arith.constant 0 : i32
    %dma_start3A_21 = arith.constant 0 : i32
    %dma_start3A_22 = tpu.memref_slice %arg3[%dma_start3A_20, %dma_start3A_21] : memref<33000x4096xf32, #tpu.memory_space<hbm>> -> memref<33000x4096xf32, #tpu.memory_space<hbm>>
    tpu.enqueue_indirect_dma source(%dma_start3A_22 : memref<33000x4096xf32, #tpu.memory_space<hbm>>) target(%dma_start3A_18 : memref<8x4096xf32, #tpu.memory_space<vmem>>) offsets(%dma_start3A_19 : memref<8xi32, #tpu.memory_space<vmem>>) semaphore(%arg9 : memref<!tpu.dma_semaphore, #tpu.memory_space<semaphore_mem>>)
    %dma_wait3A = arith.constant 0 : i32
    %dma_wait3A_23 = arith.constant 0 : i32
    %dma_wait3A_24 = arith.constant 0 : i32
    %dma_wait3A_25 = tpu.memref_slice %arg6[%dma_wait3A, %dma_wait3A_23, %dma_wait3A_24] : memref<2x8x4096xf32, #tpu.memory_space<vmem>> -> memref<1x8x4096xf32, #tpu.memory_space<vmem>>
    %dma_wait3A_26 = tpu.memref_squeeze %dma_wait3A_25 : memref<1x8x4096xf32, #tpu.memory_space<vmem>> -> memref<8x4096xf32, #tpu.memory_space<vmem>>
    %dma_wait3A_27 = arith.constant 0 : i32
    %dma_wait3A_28 = tpu.memref_slice %arg5[%dma_wait3A_27] : memref<512xi32, #tpu.memory_space<vmem>> -> memref<8xi32, #tpu.memory_space<vmem>>
    %dma_wait3A_29 = arith.constant 0 : i32
    %dma_wait3A_30 = arith.constant 0 : i32
    %dma_wait3A_31 = tpu.memref_slice %arg3[%dma_wait3A_29, %dma_wait3A_30] : memref<33000x4096xf32, #tpu.memory_space<hbm>> -> memref<33000x4096xf32, #tpu.memory_space<hbm>>
    tpu.wait_indirect_dma semaphore(%arg8 : memref<!tpu.dma_semaphore, #tpu.memory_space<semaphore_mem>>) src(%dma_wait3A_31 : memref<33000x4096xf32, #tpu.memory_space<hbm>>) dst(%dma_wait3A_26 : memref<8x4096xf32, #tpu.memory_space<vmem>>)
    %dma_start3A_32 = arith.constant 0 : i32
    %dma_start3A_33 = arith.constant 0 : i32
    %dma_start3A_34 = arith.constant 0 : i32
    %dma_start3A_35 = arith.constant 0 : i32
    %dma_start3A_36 = tpu.memref_slice %arg6[%dma_start3A_32, %dma_start3A_34, %dma_start3A_35] : memref<2x8x4096xf32, #tpu.memory_space<vmem>> -> memref<1x8x4096xf32, #tpu.memory_space<vmem>>
    %dma_start3A_37 = tpu.memref_squeeze %dma_start3A_36 : memref<1x8x4096xf32, #tpu.memory_space<vmem>> -> memref<8x4096xf32, #tpu.memory_space<vmem>>
    %dma_start3A_38 = arith.constant 0 : i32
    %dma_start3A_39 = arith.constant 0 : i32
    %dma_start3A_40 = tpu.memref_slice %dma_start3A_37[%dma_start3A_38, %dma_start3A_39] : memref<8x4096xf32, #tpu.memory_space<vmem>> -> memref<4x4096xf32, #tpu.memory_space<vmem>>
    %dma_start3A_41 = arith.constant 0 : i32
    %dma_start3A_42 = arith.constant 0 : i32
    %dma_start3A_43 = tpu.memref_slice %arg7[%arg1, %dma_start3A_33, %dma_start3A_41, %dma_start3A_42] : memref<16x2x4x4096xf32, #tpu.memory_space<vmem_shared>> -> memref<1x1x4x4096xf32, #tpu.memory_space<vmem_shared>>
    %dma_start3A_44 = tpu.memref_squeeze %dma_start3A_43 : memref<1x1x4x4096xf32, #tpu.memory_space<vmem_shared>> -> memref<4x4096xf32, #tpu.memory_space<vmem_shared>>
    %dma_start3A_45 = arith.constant 0 : i32
    %dma_start3A_46 = arith.constant 0 : i32
    %dma_start3A_47 = tpu.memref_slice %arg7[%arg1, %dma_start3A_33, %dma_start3A_45, %dma_start3A_46] : memref<16x2x4x4096xf32, #tpu.memory_space<vmem_shared>> -> memref<1x1x4x4096xf32, #tpu.memory_space<vmem_shared>>
    %dma_start3A_48 = tpu.memref_squeeze %dma_start3A_47 : memref<1x1x4x4096xf32, #tpu.memory_space<vmem_shared>> -> memref<4x4096xf32, #tpu.memory_space<vmem_shared>>
    %dma_start3A_49 = arith.constant 0 : i32
    %dma_start3A_50 = arith.constant 0 : i32
    %dma_start3A_51 = tpu.memref_slice %arg6[%dma_start3A_32, %dma_start3A_49, %dma_start3A_50] : memref<2x8x4096xf32, #tpu.memory_space<vmem>> -> memref<1x8x4096xf32, #tpu.memory_space<vmem>>
    %dma_start3A_52 = tpu.memref_squeeze %dma_start3A_51 : memref<1x8x4096xf32, #tpu.memory_space<vmem>> -> memref<8x4096xf32, #tpu.memory_space<vmem>>
    %dma_start3A_53 = arith.constant 0 : i32
    %dma_start3A_54 = arith.constant 0 : i32
    %dma_start3A_55 = tpu.memref_slice %dma_start3A_52[%dma_start3A_53, %dma_start3A_54] : memref<8x4096xf32, #tpu.memory_space<vmem>> -> memref<4x4096xf32, #tpu.memory_space<vmem>>
    tpu.enqueue_dma source(%dma_start3A_55 : memref<4x4096xf32, #tpu.memory_space<vmem>>) target(%dma_start3A_48 : memref<4x4096xf32, #tpu.memory_space<vmem_shared>>) target_semaphore(%arg10 : memref<!tpu.dma_semaphore, #tpu.memory_space<semaphore_mem>>)
    %dma_wait3A_56 = arith.constant 0 : i32
    %dma_wait3A_57 = arith.constant 0 : i32
    %dma_wait3A_58 = arith.constant 0 : i32
    %dma_wait3A_59 = arith.constant 0 : i32
    %dma_wait3A_60 = tpu.memref_slice %arg6[%dma_wait3A_56, %dma_wait3A_58, %dma_wait3A_59] : memref<2x8x4096xf32, #tpu.memory_space<vmem>> -> memref<1x8x4096xf32, #tpu.memory_space<vmem>>
    %dma_wait3A_61 = tpu.memref_squeeze %dma_wait3A_60 : memref<1x8x4096xf32, #tpu.memory_space<vmem>> -> memref<8x4096xf32, #tpu.memory_space<vmem>>
    %dma_wait3A_62 = arith.constant 0 : i32
    %dma_wait3A_63 = arith.constant 0 : i32
    %dma_wait3A_64 = tpu.memref_slice %dma_wait3A_61[%dma_wait3A_62, %dma_wait3A_63] : memref<8x4096xf32, #tpu.memory_space<vmem>> -> memref<4x4096xf32, #tpu.memory_space<vmem>>
    %dma_wait3A_65 = arith.constant 0 : i32
    %dma_wait3A_66 = arith.constant 0 : i32
    %dma_wait3A_67 = tpu.memref_slice %arg7[%arg1, %dma_wait3A_57, %dma_wait3A_65, %dma_wait3A_66] : memref<16x2x4x4096xf32, #tpu.memory_space<vmem_shared>> -> memref<1x1x4x4096xf32, #tpu.memory_space<vmem_shared>>
    %dma_wait3A_68 = tpu.memref_squeeze %dma_wait3A_67 : memref<1x1x4x4096xf32, #tpu.memory_space<vmem_shared>> -> memref<4x4096xf32, #tpu.memory_space<vmem_shared>>
    %dma_wait3A_69 = arith.constant 0 : i32
    %dma_wait3A_70 = arith.constant 0 : i32
    %dma_wait3A_71 = tpu.memref_slice %arg7[%arg1, %dma_wait3A_57, %dma_wait3A_69, %dma_wait3A_70] : memref<16x2x4x4096xf32, #tpu.memory_space<vmem_shared>> -> memref<1x1x4x4096xf32, #tpu.memory_space<vmem_shared>>
    %dma_wait3A_72 = tpu.memref_squeeze %dma_wait3A_71 : memref<1x1x4x4096xf32, #tpu.memory_space<vmem_shared>> -> memref<4x4096xf32, #tpu.memory_space<vmem_shared>>
    %dma_wait3A_73 = arith.constant 0 : i32
    %dma_wait3A_74 = arith.constant 0 : i32
    %dma_wait3A_75 = tpu.memref_slice %arg6[%dma_wait3A_56, %dma_wait3A_73, %dma_wait3A_74] : memref<2x8x4096xf32, #tpu.memory_space<vmem>> -> memref<1x8x4096xf32, #tpu.memory_space<vmem>>
    %dma_wait3A_76 = tpu.memref_squeeze %dma_wait3A_75 : memref<1x8x4096xf32, #tpu.memory_space<vmem>> -> memref<8x4096xf32, #tpu.memory_space<vmem>>
    %dma_wait3A_77 = arith.constant 0 : i32
    %dma_wait3A_78 = arith.constant 0 : i32
    %dma_wait3A_79 = tpu.memref_slice %dma_wait3A_76[%dma_wait3A_77, %dma_wait3A_78] : memref<8x4096xf32, #tpu.memory_space<vmem>> -> memref<4x4096xf32, #tpu.memory_space<vmem>>
    tpu.wait_dma2 semaphore(%arg10 : memref<!tpu.dma_semaphore, #tpu.memory_space<semaphore_mem>>) src(%dma_wait3A_79 : memref<4x4096xf32, #tpu.memory_space<vmem>>) dst(%dma_wait3A_72 : memref<4x4096xf32, #tpu.memory_space<vmem_shared>>)
    %add3A_80 = arith.constant 0 : i32
    %add3A_81 = arith.addi %mul3A_2, %add3A_80 : i32
    %add3A_82 = arith.constant 0 : i32
    %add3A_83 = arith.addi %add3A_81, %add3A_82 : i32
    %multiple_of3A_84 = tpu.assume_multiple %add3A_83, 4 : i32
    %dma_start3A_85 = arith.constant 0 : i32
    %dma_start3A_86 = arith.constant 0 : i32
    %dma_start3A_87 = tpu.memref_slice %arg4[%multiple_of3A_84, %dma_start3A_86] : memref<16384x4096xf32, #tpu.memory_space<hbm>> -> memref<4x4096xf32, #tpu.memory_space<hbm>>
    %dma_start3A_88 = arith.constant 0 : i32
    %dma_start3A_89 = arith.constant 0 : i32
    %dma_start3A_90 = tpu.memref_slice %arg7[%arg1, %dma_start3A_85, %dma_start3A_88, %dma_start3A_89] : memref<16x2x4x4096xf32, #tpu.memory_space<vmem_shared>> -> memref<1x1x4x4096xf32, #tpu.memory_space<vmem_shared>>
    %dma_start3A_91 = tpu.memref_squeeze %dma_start3A_90 : memref<1x1x4x4096xf32, #tpu.memory_space<vmem_shared>> -> memref<4x4096xf32, #tpu.memory_space<vmem_shared>>
    tpu.enqueue_dma source(%dma_start3A_91 : memref<4x4096xf32, #tpu.memory_space<vmem_shared>>) target(%dma_start3A_87 : memref<4x4096xf32, #tpu.memory_space<hbm>>) target_semaphore(%arg11 : memref<!tpu.dma_semaphore, #tpu.memory_space<semaphore_mem>>)
    %dma_start3A_92 = arith.constant 0 : i32
    %dma_start3A_93 = arith.constant 1 : i32
    %dma_start3A_94 = arith.constant 0 : i32
    %dma_start3A_95 = arith.constant 0 : i32
    %dma_start3A_96 = tpu.memref_slice %arg6[%dma_start3A_92, %dma_start3A_94, %dma_start3A_95] : memref<2x8x4096xf32, #tpu.memory_space<vmem>> -> memref<1x8x4096xf32, #tpu.memory_space<vmem>>
    %dma_start3A_97 = tpu.memref_squeeze %dma_start3A_96 : memref<1x8x4096xf32, #tpu.memory_space<vmem>> -> memref<8x4096xf32, #tpu.memory_space<vmem>>
    %dma_start3A_98 = arith.constant 4 : i32
    %dma_start3A_99 = arith.constant 0 : i32
    %dma_start3A_100 = tpu.memref_slice %dma_start3A_97[%dma_start3A_98, %dma_start3A_99] : memref<8x4096xf32, #tpu.memory_space<vmem>> -> memref<4x4096xf32, #tpu.memory_space<vmem>>
    %dma_start3A_101 = arith.constant 0 : i32
    %dma_start3A_102 = arith.constant 0 : i32
    %dma_start3A_103 = tpu.memref_slice %arg7[%arg1, %dma_start3A_93, %dma_start3A_101, %dma_start3A_102] : memref<16x2x4x4096xf32, #tpu.memory_space<vmem_shared>> -> memref<1x1x4x4096xf32, #tpu.memory_space<vmem_shared>>
    %dma_start3A_104 = tpu.memref_squeeze %dma_start3A_103 : memref<1x1x4x4096xf32, #tpu.memory_space<vmem_shared>> -> memref<4x4096xf32, #tpu.memory_space<vmem_shared>>
    %dma_start3A_105 = arith.constant 0 : i32
    %dma_start3A_106 = arith.constant 0 : i32
    %dma_start3A_107 = tpu.memref_slice %arg7[%arg1, %dma_start3A_93, %dma_start3A_105, %dma_start3A_106] : memref<16x2x4x4096xf32, #tpu.memory_space<vmem_shared>> -> memref<1x1x4x4096xf32, #tpu.memory_space<vmem_shared>>
    %dma_start3A_108 = tpu.memref_squeeze %dma_start3A_107 : memref<1x1x4x4096xf32, #tpu.memory_space<vmem_shared>> -> memref<4x4096xf32, #tpu.memory_space<vmem_shared>>
    %dma_start3A_109 = arith.constant 0 : i32
    %dma_start3A_110 = arith.constant 0 : i32
    %dma_start3A_111 = tpu.memref_slice %arg6[%dma_start3A_92, %dma_start3A_109, %dma_start3A_110] : memref<2x8x4096xf32, #tpu.memory_space<vmem>> -> memref<1x8x4096xf32, #tpu.memory_space<vmem>>
    %dma_start3A_112 = tpu.memref_squeeze %dma_start3A_111 : memref<1x8x4096xf32, #tpu.memory_space<vmem>> -> memref<8x4096xf32, #tpu.memory_space<vmem>>
    %dma_start3A_113 = arith.constant 4 : i32
    %dma_start3A_114 = arith.constant 0 : i32
    %dma_start3A_115 = tpu.memref_slice %dma_start3A_112[%dma_start3A_113, %dma_start3A_114] : memref<8x4096xf32, #tpu.memory_space<vmem>> -> memref<4x4096xf32, #tpu.memory_space<vmem>>
    tpu.enqueue_dma source(%dma_start3A_115 : memref<4x4096xf32, #tpu.memory_space<vmem>>) target(%dma_start3A_108 : memref<4x4096xf32, #tpu.memory_space<vmem_shared>>) target_semaphore(%arg10 : memref<!tpu.dma_semaphore, #tpu.memory_space<semaphore_mem>>)
    %dma_wait3A_116 = arith.constant 0 : i32
    %dma_wait3A_117 = arith.constant 1 : i32
    %dma_wait3A_118 = arith.constant 0 : i32
    %dma_wait3A_119 = arith.constant 0 : i32
    %dma_wait3A_120 = tpu.memref_slice %arg6[%dma_wait3A_116, %dma_wait3A_118, %dma_wait3A_119] : memref<2x8x4096xf32, #tpu.memory_space<vmem>> -> memref<1x8x4096xf32, #tpu.memory_space<vmem>>
    %dma_wait3A_121 = tpu.memref_squeeze %dma_wait3A_120 : memref<1x8x4096xf32, #tpu.memory_space<vmem>> -> memref<8x4096xf32, #tpu.memory_space<vmem>>
    %dma_wait3A_122 = arith.constant 4 : i32
    %dma_wait3A_123 = arith.constant 0 : i32
    %dma_wait3A_124 = tpu.memref_slice %dma_wait3A_121[%dma_wait3A_122, %dma_wait3A_123] : memref<8x4096xf32, #tpu.memory_space<vmem>> -> memref<4x4096xf32, #tpu.memory_space<vmem>>
    %dma_wait3A_125 = arith.constant 0 : i32
    %dma_wait3A_126 = arith.constant 0 : i32
    %dma_wait3A_127 = tpu.memref_slice %arg7[%arg1, %dma_wait3A_117, %dma_wait3A_125, %dma_wait3A_126] : memref<16x2x4x4096xf32, #tpu.memory_space<vmem_shared>> -> memref<1x1x4x4096xf32, #tpu.memory_space<vmem_shared>>
    %dma_wait3A_128 = tpu.memref_squeeze %dma_wait3A_127 : memref<1x1x4x4096xf32, #tpu.memory_space<vmem_shared>> -> memref<4x4096xf32, #tpu.memory_space<vmem_shared>>
    %dma_wait3A_129 = arith.constant 0 : i32
    %dma_wait3A_130 = arith.constant 0 : i32
    %dma_wait3A_131 = tpu.memref_slice %arg7[%arg1, %dma_wait3A_117, %dma_wait3A_129, %dma_wait3A_130] : memref<16x2x4x4096xf32, #tpu.memory_space<vmem_shared>> -> memref<1x1x4x4096xf32, #tpu.memory_space<vmem_shared>>
    %dma_wait3A_132 = tpu.memref_squeeze %dma_wait3A_131 : memref<1x1x4x4096xf32, #tpu.memory_space<vmem_shared>> -> memref<4x4096xf32, #tpu.memory_space<vmem_shared>>
    %dma_wait3A_133 = arith.constant 0 : i32
    %dma_wait3A_134 = arith.constant 0 : i32
    %dma_wait3A_135 = tpu.memref_slice %arg6[%dma_wait3A_116, %dma_wait3A_133, %dma_wait3A_134] : memref<2x8x4096xf32, #tpu.memory_space<vmem>> -> memref<1x8x4096xf32, #tpu.memory_space<vmem>>
    %dma_wait3A_136 = tpu.memref_squeeze %dma_wait3A_135 : memref<1x8x4096xf32, #tpu.memory_space<vmem>> -> memref<8x4096xf32, #tpu.memory_space<vmem>>
    %dma_wait3A_137 = arith.constant 4 : i32
    %dma_wait3A_138 = arith.constant 0 : i32
    %dma_wait3A_139 = tpu.memref_slice %dma_wait3A_136[%dma_wait3A_137, %dma_wait3A_138] : memref<8x4096xf32, #tpu.memory_space<vmem>> -> memref<4x4096xf32, #tpu.memory_space<vmem>>
    tpu.wait_dma2 semaphore(%arg10 : memref<!tpu.dma_semaphore, #tpu.memory_space<semaphore_mem>>) src(%dma_wait3A_139 : memref<4x4096xf32, #tpu.memory_space<vmem>>) dst(%dma_wait3A_132 : memref<4x4096xf32, #tpu.memory_space<vmem_shared>>)
    %add3A_140 = arith.constant 0 : i32
    %add3A_141 = arith.addi %mul3A_2, %add3A_140 : i32
    %add3A_142 = arith.constant 4 : i32
    %add3A_143 = arith.addi %add3A_141, %add3A_142 : i32
    %multiple_of3A_144 = tpu.assume_multiple %add3A_143, 4 : i32
    %dma_start3A_145 = arith.constant 1 : i32
    %dma_start3A_146 = arith.constant 0 : i32
    %dma_start3A_147 = tpu.memref_slice %arg4[%multiple_of3A_144, %dma_start3A_146] : memref<16384x4096xf32, #tpu.memory_space<hbm>> -> memref<4x4096xf32, #tpu.memory_space<hbm>>
    %dma_start3A_148 = arith.constant 0 : i32
    %dma_start3A_149 = arith.constant 0 : i32
    %dma_start3A_150 = tpu.memref_slice %arg7[%arg1, %dma_start3A_145, %dma_start3A_148, %dma_start3A_149] : memref<16x2x4x4096xf32, #tpu.memory_space<vmem_shared>> -> memref<1x1x4x4096xf32, #tpu.memory_space<vmem_shared>>
    %dma_start3A_151 = tpu.memref_squeeze %dma_start3A_150 : memref<1x1x4x4096xf32, #tpu.memory_space<vmem_shared>> -> memref<4x4096xf32, #tpu.memory_space<vmem_shared>>
    tpu.enqueue_dma source(%dma_start3A_151 : memref<4x4096xf32, #tpu.memory_space<vmem_shared>>) target(%dma_start3A_147 : memref<4x4096xf32, #tpu.memory_space<hbm>>) target_semaphore(%arg12 : memref<!tpu.dma_semaphore, #tpu.memory_space<semaphore_mem>>)
    %multiple_of3A_152 = arith.constant 16 : i32
    %multiple_of3A_153 = tpu.assume_multiple %multiple_of3A_152, 8 : i32
    %dma_start3A_154 = arith.constant 0 : i32
    %dma_start3A_155 = arith.constant 0 : i32
    %dma_start3A_156 = arith.constant 0 : i32
    %dma_start3A_157 = tpu.memref_slice %arg6[%dma_start3A_154, %dma_start3A_155, %dma_start3A_156] : memref<2x8x4096xf32, #tpu.memory_space<vmem>> -> memref<1x8x4096xf32, #tpu.memory_space<vmem>>
    %dma_start3A_158 = tpu.memref_squeeze %dma_start3A_157 : memref<1x8x4096xf32, #tpu.memory_space<vmem>> -> memref<8x4096xf32, #tpu.memory_space<vmem>>
    %dma_start3A_159 = tpu.memref_slice %arg5[%multiple_of3A_153] : memref<512xi32, #tpu.memory_space<vmem>> -> memref<8xi32, #tpu.memory_space<vmem>>
    %dma_start3A_160 = arith.constant 0 : i32
    %dma_start3A_161 = arith.constant 0 : i32
    %dma_start3A_162 = tpu.memref_slice %arg3[%dma_start3A_160, %dma_start3A_161] : memref<33000x4096xf32, #tpu.memory_space<hbm>> -> memref<33000x4096xf32, #tpu.memory_space<hbm>>
    tpu.enqueue_indirect_dma source(%dma_start3A_162 : memref<33000x4096xf32, #tpu.memory_space<hbm>>) target(%dma_start3A_158 : memref<8x4096xf32, #tpu.memory_space<vmem>>) offsets(%dma_start3A_159 : memref<8xi32, #tpu.memory_space<vmem>>) semaphore(%arg8 : memref<!tpu.dma_semaphore, #tpu.memory_space<semaphore_mem>>)
    %scan3A = arith.constant 0 : i32
    %scan3A_163 = arith.constant 30 : i32
    %scan3A_164 = arith.addi %scan3A, %scan3A_163 : i32
    %scan3A_165 = arith.constant 1 : i32
    scf.for %scan3A_632 = %scan3A to %scan3A_164 step %scan3A_165  : i32 {
      %mul3A_633 = arith.constant 1 : i32
      %mul3A_634 = arith.muli %scan3A_632, %mul3A_633 : i32
      %add3A_635 = arith.constant 0 : i32
      %add3A_636 = arith.addi %add3A_635, %mul3A_634 : i32
      %mul3A_637 = arith.constant 2 : i32
      %mul3A_638 = arith.muli %mul3A_637, %add3A_636 : i32
      %add3A_639 = arith.constant 1 : i32
      %add3A_640 = arith.addi %mul3A_638, %add3A_639 : i32
      %dma_wait3A_641 = arith.constant 1 : i32
      %dma_wait3A_642 = arith.constant 0 : i32
      %dma_wait3A_643 = arith.constant 0 : i32
      %dma_wait3A_644 = tpu.memref_slice %arg6[%dma_wait3A_641, %dma_wait3A_642, %dma_wait3A_643] : memref<2x8x4096xf32, #tpu.memory_space<vmem>> -> memref<1x8x4096xf32, #tpu.memory_space<vmem>>
      %dma_wait3A_645 = tpu.memref_squeeze %dma_wait3A_644 : memref<1x8x4096xf32, #tpu.memory_space<vmem>> -> memref<8x4096xf32, #tpu.memory_space<vmem>>
      %dma_wait3A_646 = arith.constant 0 : i32
      %dma_wait3A_647 = tpu.memref_slice %arg5[%dma_wait3A_646] : memref<512xi32, #tpu.memory_space<vmem>> -> memref<8xi32, #tpu.memory_space<vmem>>
      %dma_wait3A_648 = arith.constant 0 : i32
      %dma_wait3A_649 = arith.constant 0 : i32
      %dma_wait3A_650 = tpu.memref_slice %arg3[%dma_wait3A_648, %dma_wait3A_649] : memref<33000x4096xf32, #tpu.memory_space<hbm>> -> memref<33000x4096xf32, #tpu.memory_space<hbm>>
      tpu.wait_indirect_dma semaphore(%arg9 : memref<!tpu.dma_semaphore, #tpu.memory_space<semaphore_mem>>) src(%dma_wait3A_650 : memref<33000x4096xf32, #tpu.memory_space<hbm>>) dst(%dma_wait3A_645 : memref<8x4096xf32, #tpu.memory_space<vmem>>)
      %dma_wait3A_651 = arith.constant 0 : i32
      %dma_wait3A_652 = arith.constant 0 : i32
      %dma_wait3A_653 = arith.constant 0 : i32
      %dma_wait3A_654 = tpu.memref_slice %arg4[%dma_wait3A_652, %dma_wait3A_653] : memref<16384x4096xf32, #tpu.memory_space<hbm>> -> memref<4x4096xf32, #tpu.memory_space<hbm>>
      %dma_wait3A_655 = arith.constant 0 : i32
      %dma_wait3A_656 = arith.constant 0 : i32
      %dma_wait3A_657 = tpu.memref_slice %arg7[%arg1, %dma_wait3A_651, %dma_wait3A_655, %dma_wait3A_656] : memref<16x2x4x4096xf32, #tpu.memory_space<vmem_shared>> -> memref<1x1x4x4096xf32, #tpu.memory_space<vmem_shared>>
      %dma_wait3A_658 = tpu.memref_squeeze %dma_wait3A_657 : memref<1x1x4x4096xf32, #tpu.memory_space<vmem_shared>> -> memref<4x4096xf32, #tpu.memory_space<vmem_shared>>
      tpu.wait_dma2 semaphore(%arg11 : memref<!tpu.dma_semaphore, #tpu.memory_space<semaphore_mem>>) src(%dma_wait3A_658 : memref<4x4096xf32, #tpu.memory_space<vmem_shared>>) dst(%dma_wait3A_654 : memref<4x4096xf32, #tpu.memory_space<hbm>>)
      %dma_start3A_659 = arith.constant 1 : i32
      %dma_start3A_660 = arith.constant 0 : i32
      %dma_start3A_661 = arith.constant 0 : i32
      %dma_start3A_662 = arith.constant 0 : i32
      %dma_start3A_663 = tpu.memref_slice %arg6[%dma_start3A_659, %dma_start3A_661, %dma_start3A_662] : memref<2x8x4096xf32, #tpu.memory_space<vmem>> -> memref<1x8x4096xf32, #tpu.memory_space<vmem>>
      %dma_start3A_664 = tpu.memref_squeeze %dma_start3A_663 : memref<1x8x4096xf32, #tpu.memory_space<vmem>> -> memref<8x4096xf32, #tpu.memory_space<vmem>>
      %dma_start3A_665 = arith.constant 0 : i32
      %dma_start3A_666 = arith.constant 0 : i32
      %dma_start3A_667 = tpu.memref_slice %dma_start3A_664[%dma_start3A_665, %dma_start3A_666] : memref<8x4096xf32, #tpu.memory_space<vmem>> -> memref<4x4096xf32, #tpu.memory_space<vmem>>
      %dma_start3A_668 = arith.constant 0 : i32
      %dma_start3A_669 = arith.constant 0 : i32
      %dma_start3A_670 = tpu.memref_slice %arg7[%arg1, %dma_start3A_660, %dma_start3A_668, %dma_start3A_669] : memref<16x2x4x4096xf32, #tpu.memory_space<vmem_shared>> -> memref<1x1x4x4096xf32, #tpu.memory_space<vmem_shared>>
      %dma_start3A_671 = tpu.memref_squeeze %dma_start3A_670 : memref<1x1x4x4096xf32, #tpu.memory_space<vmem_shared>> -> memref<4x4096xf32, #tpu.memory_space<vmem_shared>>
      %dma_start3A_672 = arith.constant 0 : i32
      %dma_start3A_673 = arith.constant 0 : i32
      %dma_start3A_674 = tpu.memref_slice %arg7[%arg1, %dma_start3A_660, %dma_start3A_672, %dma_start3A_673] : memref<16x2x4x4096xf32, #tpu.memory_space<vmem_shared>> -> memref<1x1x4x4096xf32, #tpu.memory_space<vmem_shared>>
      %dma_start3A_675 = tpu.memref_squeeze %dma_start3A_674 : memref<1x1x4x4096xf32, #tpu.memory_space<vmem_shared>> -> memref<4x4096xf32, #tpu.memory_space<vmem_shared>>
      %dma_start3A_676 = arith.constant 0 : i32
      %dma_start3A_677 = arith.constant 0 : i32
      %dma_start3A_678 = tpu.memref_slice %arg6[%dma_start3A_659, %dma_start3A_676, %dma_start3A_677] : memref<2x8x4096xf32, #tpu.memory_space<vmem>> -> memref<1x8x4096xf32, #tpu.memory_space<vmem>>
      %dma_start3A_679 = tpu.memref_squeeze %dma_start3A_678 : memref<1x8x4096xf32, #tpu.memory_space<vmem>> -> memref<8x4096xf32, #tpu.memory_space<vmem>>
      %dma_start3A_680 = arith.constant 0 : i32
      %dma_start3A_681 = arith.constant 0 : i32
      %dma_start3A_682 = tpu.memref_slice %dma_start3A_679[%dma_start3A_680, %dma_start3A_681] : memref<8x4096xf32, #tpu.memory_space<vmem>> -> memref<4x4096xf32, #tpu.memory_space<vmem>>
      tpu.enqueue_dma source(%dma_start3A_682 : memref<4x4096xf32, #tpu.memory_space<vmem>>) target(%dma_start3A_675 : memref<4x4096xf32, #tpu.memory_space<vmem_shared>>) target_semaphore(%arg10 : memref<!tpu.dma_semaphore, #tpu.memory_space<semaphore_mem>>)
      %dma_wait3A_683 = arith.constant 1 : i32
      %dma_wait3A_684 = arith.constant 0 : i32
      %dma_wait3A_685 = arith.constant 0 : i32
      %dma_wait3A_686 = arith.constant 0 : i32
      %dma_wait3A_687 = tpu.memref_slice %arg6[%dma_wait3A_683, %dma_wait3A_685, %dma_wait3A_686] : memref<2x8x4096xf32, #tpu.memory_space<vmem>> -> memref<1x8x4096xf32, #tpu.memory_space<vmem>>
      %dma_wait3A_688 = tpu.memref_squeeze %dma_wait3A_687 : memref<1x8x4096xf32, #tpu.memory_space<vmem>> -> memref<8x4096xf32, #tpu.memory_space<vmem>>
      %dma_wait3A_689 = arith.constant 0 : i32
      %dma_wait3A_690 = arith.constant 0 : i32
      %dma_wait3A_691 = tpu.memref_slice %dma_wait3A_688[%dma_wait3A_689, %dma_wait3A_690] : memref<8x4096xf32, #tpu.memory_space<vmem>> -> memref<4x4096xf32, #tpu.memory_space<vmem>>
      %dma_wait3A_692 = arith.constant 0 : i32
      %dma_wait3A_693 = arith.constant 0 : i32
      %dma_wait3A_694 = tpu.memref_slice %arg7[%arg1, %dma_wait3A_684, %dma_wait3A_692, %dma_wait3A_693] : memref<16x2x4x4096xf32, #tpu.memory_space<vmem_shared>> -> memref<1x1x4x4096xf32, #tpu.memory_space<vmem_shared>>
      %dma_wait3A_695 = tpu.memref_squeeze %dma_wait3A_694 : memref<1x1x4x4096xf32, #tpu.memory_space<vmem_shared>> -> memref<4x4096xf32, #tpu.memory_space<vmem_shared>>
      %dma_wait3A_696 = arith.constant 0 : i32
      %dma_wait3A_697 = arith.constant 0 : i32
      %dma_wait3A_698 = tpu.memref_slice %arg7[%arg1, %dma_wait3A_684, %dma_wait3A_696, %dma_wait3A_697] : memref<16x2x4x4096xf32, #tpu.memory_space<vmem_shared>> -> memref<1x1x4x4096xf32, #tpu.memory_space<vmem_shared>>
      %dma_wait3A_699 = tpu.memref_squeeze %dma_wait3A_698 : memref<1x1x4x4096xf32, #tpu.memory_space<vmem_shared>> -> memref<4x4096xf32, #tpu.memory_space<vmem_shared>>
      %dma_wait3A_700 = arith.constant 0 : i32
      %dma_wait3A_701 = arith.constant 0 : i32
      %dma_wait3A_702 = tpu.memref_slice %arg6[%dma_wait3A_683, %dma_wait3A_700, %dma_wait3A_701] : memref<2x8x4096xf32, #tpu.memory_space<vmem>> -> memref<1x8x4096xf32, #tpu.memory_space<vmem>>
      %dma_wait3A_703 = tpu.memref_squeeze %dma_wait3A_702 : memref<1x8x4096xf32, #tpu.memory_space<vmem>> -> memref<8x4096xf32, #tpu.memory_space<vmem>>
      %dma_wait3A_704 = arith.constant 0 : i32
      %dma_wait3A_705 = arith.constant 0 : i32
      %dma_wait3A_706 = tpu.memref_slice %dma_wait3A_703[%dma_wait3A_704, %dma_wait3A_705] : memref<8x4096xf32, #tpu.memory_space<vmem>> -> memref<4x4096xf32, #tpu.memory_space<vmem>>
      tpu.wait_dma2 semaphore(%arg10 : memref<!tpu.dma_semaphore, #tpu.memory_space<semaphore_mem>>) src(%dma_wait3A_706 : memref<4x4096xf32, #tpu.memory_space<vmem>>) dst(%dma_wait3A_699 : memref<4x4096xf32, #tpu.memory_space<vmem_shared>>)
      %mul3A_707 = arith.constant 8 : i32
      %mul3A_708 = arith.muli %add3A_640, %mul3A_707 : i32
      %add3A_709 = arith.addi %mul3A_2, %mul3A_708 : i32
      %add3A_710 = arith.constant 0 : i32
      %add3A_711 = arith.addi %add3A_709, %add3A_710 : i32
      %multiple_of3A_712 = tpu.assume_multiple %add3A_711, 4 : i32
      %dma_start3A_713 = arith.constant 0 : i32
      %dma_start3A_714 = arith.constant 0 : i32
      %dma_start3A_715 = tpu.memref_slice %arg4[%multiple_of3A_712, %dma_start3A_714] : memref<16384x4096xf32, #tpu.memory_space<hbm>> -> memref<4x4096xf32, #tpu.memory_space<hbm>>
      %dma_start3A_716 = arith.constant 0 : i32
      %dma_start3A_717 = arith.constant 0 : i32
      %dma_start3A_718 = tpu.memref_slice %arg7[%arg1, %dma_start3A_713, %dma_start3A_716, %dma_start3A_717] : memref<16x2x4x4096xf32, #tpu.memory_space<vmem_shared>> -> memref<1x1x4x4096xf32, #tpu.memory_space<vmem_shared>>
      %dma_start3A_719 = tpu.memref_squeeze %dma_start3A_718 : memref<1x1x4x4096xf32, #tpu.memory_space<vmem_shared>> -> memref<4x4096xf32, #tpu.memory_space<vmem_shared>>
      tpu.enqueue_dma source(%dma_start3A_719 : memref<4x4096xf32, #tpu.memory_space<vmem_shared>>) target(%dma_start3A_715 : memref<4x4096xf32, #tpu.memory_space<hbm>>) target_semaphore(%arg11 : memref<!tpu.dma_semaphore, #tpu.memory_space<semaphore_mem>>)
      %dma_wait3A_720 = arith.constant 1 : i32
      %dma_wait3A_721 = arith.constant 0 : i32
      %dma_wait3A_722 = arith.constant 0 : i32
      %dma_wait3A_723 = tpu.memref_slice %arg4[%dma_wait3A_721, %dma_wait3A_722] : memref<16384x4096xf32, #tpu.memory_space<hbm>> -> memref<4x4096xf32, #tpu.memory_space<hbm>>
      %dma_wait3A_724 = arith.constant 0 : i32
      %dma_wait3A_725 = arith.constant 0 : i32
      %dma_wait3A_726 = tpu.memref_slice %arg7[%arg1, %dma_wait3A_720, %dma_wait3A_724, %dma_wait3A_725] : memref<16x2x4x4096xf32, #tpu.memory_space<vmem_shared>> -> memref<1x1x4x4096xf32, #tpu.memory_space<vmem_shared>>
      %dma_wait3A_727 = tpu.memref_squeeze %dma_wait3A_726 : memref<1x1x4x4096xf32, #tpu.memory_space<vmem_shared>> -> memref<4x4096xf32, #tpu.memory_space<vmem_shared>>
      tpu.wait_dma2 semaphore(%arg12 : memref<!tpu.dma_semaphore, #tpu.memory_space<semaphore_mem>>) src(%dma_wait3A_727 : memref<4x4096xf32, #tpu.memory_space<vmem_shared>>) dst(%dma_wait3A_723 : memref<4x4096xf32, #tpu.memory_space<hbm>>)
      %dma_start3A_728 = arith.constant 1 : i32
      %dma_start3A_729 = arith.constant 1 : i32
      %dma_start3A_730 = arith.constant 0 : i32
      %dma_start3A_731 = arith.constant 0 : i32
      %dma_start3A_732 = tpu.memref_slice %arg6[%dma_start3A_728, %dma_start3A_730, %dma_start3A_731] : memref<2x8x4096xf32, #tpu.memory_space<vmem>> -> memref<1x8x4096xf32, #tpu.memory_space<vmem>>
      %dma_start3A_733 = tpu.memref_squeeze %dma_start3A_732 : memref<1x8x4096xf32, #tpu.memory_space<vmem>> -> memref<8x4096xf32, #tpu.memory_space<vmem>>
      %dma_start3A_734 = arith.constant 4 : i32
      %dma_start3A_735 = arith.constant 0 : i32
      %dma_start3A_736 = tpu.memref_slice %dma_start3A_733[%dma_start3A_734, %dma_start3A_735] : memref<8x4096xf32, #tpu.memory_space<vmem>> -> memref<4x4096xf32, #tpu.memory_space<vmem>>
      %dma_start3A_737 = arith.constant 0 : i32
      %dma_start3A_738 = arith.constant 0 : i32
      %dma_start3A_739 = tpu.memref_slice %arg7[%arg1, %dma_start3A_729, %dma_start3A_737, %dma_start3A_738] : memref<16x2x4x4096xf32, #tpu.memory_space<vmem_shared>> -> memref<1x1x4x4096xf32, #tpu.memory_space<vmem_shared>>
      %dma_start3A_740 = tpu.memref_squeeze %dma_start3A_739 : memref<1x1x4x4096xf32, #tpu.memory_space<vmem_shared>> -> memref<4x4096xf32, #tpu.memory_space<vmem_shared>>
      %dma_start3A_741 = arith.constant 0 : i32
      %dma_start3A_742 = arith.constant 0 : i32
      %dma_start3A_743 = tpu.memref_slice %arg7[%arg1, %dma_start3A_729, %dma_start3A_741, %dma_start3A_742] : memref<16x2x4x4096xf32, #tpu.memory_space<vmem_shared>> -> memref<1x1x4x4096xf32, #tpu.memory_space<vmem_shared>>
      %dma_start3A_744 = tpu.memref_squeeze %dma_start3A_743 : memref<1x1x4x4096xf32, #tpu.memory_space<vmem_shared>> -> memref<4x4096xf32, #tpu.memory_space<vmem_shared>>
      %dma_start3A_745 = arith.constant 0 : i32
      %dma_start3A_746 = arith.constant 0 : i32
      %dma_start3A_747 = tpu.memref_slice %arg6[%dma_start3A_728, %dma_start3A_745, %dma_start3A_746] : memref<2x8x4096xf32, #tpu.memory_space<vmem>> -> memref<1x8x4096xf32, #tpu.memory_space<vmem>>
      %dma_start3A_748 = tpu.memref_squeeze %dma_start3A_747 : memref<1x8x4096xf32, #tpu.memory_space<vmem>> -> memref<8x4096xf32, #tpu.memory_space<vmem>>
      %dma_start3A_749 = arith.constant 4 : i32
      %dma_start3A_750 = arith.constant 0 : i32
      %dma_start3A_751 = tpu.memref_slice %dma_start3A_748[%dma_start3A_749, %dma_start3A_750] : memref<8x4096xf32, #tpu.memory_space<vmem>> -> memref<4x4096xf32, #tpu.memory_space<vmem>>
      tpu.enqueue_dma source(%dma_start3A_751 : memref<4x4096xf32, #tpu.memory_space<vmem>>) target(%dma_start3A_744 : memref<4x4096xf32, #tpu.memory_space<vmem_shared>>) target_semaphore(%arg10 : memref<!tpu.dma_semaphore, #tpu.memory_space<semaphore_mem>>)
      %dma_wait3A_752 = arith.constant 1 : i32
      %dma_wait3A_753 = arith.constant 1 : i32
      %dma_wait3A_754 = arith.constant 0 : i32
      %dma_wait3A_755 = arith.constant 0 : i32
      %dma_wait3A_756 = tpu.memref_slice %arg6[%dma_wait3A_752, %dma_wait3A_754, %dma_wait3A_755] : memref<2x8x4096xf32, #tpu.memory_space<vmem>> -> memref<1x8x4096xf32, #tpu.memory_space<vmem>>
      %dma_wait3A_757 = tpu.memref_squeeze %dma_wait3A_756 : memref<1x8x4096xf32, #tpu.memory_space<vmem>> -> memref<8x4096xf32, #tpu.memory_space<vmem>>
      %dma_wait3A_758 = arith.constant 4 : i32
      %dma_wait3A_759 = arith.constant 0 : i32
      %dma_wait3A_760 = tpu.memref_slice %dma_wait3A_757[%dma_wait3A_758, %dma_wait3A_759] : memref<8x4096xf32, #tpu.memory_space<vmem>> -> memref<4x4096xf32, #tpu.memory_space<vmem>>
      %dma_wait3A_761 = arith.constant 0 : i32
      %dma_wait3A_762 = arith.constant 0 : i32
      %dma_wait3A_763 = tpu.memref_slice %arg7[%arg1, %dma_wait3A_753, %dma_wait3A_761, %dma_wait3A_762] : memref<16x2x4x4096xf32, #tpu.memory_space<vmem_shared>> -> memref<1x1x4x4096xf32, #tpu.memory_space<vmem_shared>>
      %dma_wait3A_764 = tpu.memref_squeeze %dma_wait3A_763 : memref<1x1x4x4096xf32, #tpu.memory_space<vmem_shared>> -> memref<4x4096xf32, #tpu.memory_space<vmem_shared>>
      %dma_wait3A_765 = arith.constant 0 : i32
      %dma_wait3A_766 = arith.constant 0 : i32
      %dma_wait3A_767 = tpu.memref_slice %arg7[%arg1, %dma_wait3A_753, %dma_wait3A_765, %dma_wait3A_766] : memref<16x2x4x4096xf32, #tpu.memory_space<vmem_shared>> -> memref<1x1x4x4096xf32, #tpu.memory_space<vmem_shared>>
      %dma_wait3A_768 = tpu.memref_squeeze %dma_wait3A_767 : memref<1x1x4x4096xf32, #tpu.memory_space<vmem_shared>> -> memref<4x4096xf32, #tpu.memory_space<vmem_shared>>
      %dma_wait3A_769 = arith.constant 0 : i32
      %dma_wait3A_770 = arith.constant 0 : i32
      %dma_wait3A_771 = tpu.memref_slice %arg6[%dma_wait3A_752, %dma_wait3A_769, %dma_wait3A_770] : memref<2x8x4096xf32, #tpu.memory_space<vmem>> -> memref<1x8x4096xf32, #tpu.memory_space<vmem>>
      %dma_wait3A_772 = tpu.memref_squeeze %dma_wait3A_771 : memref<1x8x4096xf32, #tpu.memory_space<vmem>> -> memref<8x4096xf32, #tpu.memory_space<vmem>>
      %dma_wait3A_773 = arith.constant 4 : i32
      %dma_wait3A_774 = arith.constant 0 : i32
      %dma_wait3A_775 = tpu.memref_slice %dma_wait3A_772[%dma_wait3A_773, %dma_wait3A_774] : memref<8x4096xf32, #tpu.memory_space<vmem>> -> memref<4x4096xf32, #tpu.memory_space<vmem>>
      tpu.wait_dma2 semaphore(%arg10 : memref<!tpu.dma_semaphore, #tpu.memory_space<semaphore_mem>>) src(%dma_wait3A_775 : memref<4x4096xf32, #tpu.memory_space<vmem>>) dst(%dma_wait3A_768 : memref<4x4096xf32, #tpu.memory_space<vmem_shared>>)
      %mul3A_776 = arith.constant 8 : i32
      %mul3A_777 = arith.muli %add3A_640, %mul3A_776 : i32
      %add3A_778 = arith.addi %mul3A_2, %mul3A_777 : i32
      %add3A_779 = arith.constant 4 : i32
      %add3A_780 = arith.addi %add3A_778, %add3A_779 : i32
      %multiple_of3A_781 = tpu.assume_multiple %add3A_780, 4 : i32
      %dma_start3A_782 = arith.constant 1 : i32
      %dma_start3A_783 = arith.constant 0 : i32
      %dma_start3A_784 = tpu.memref_slice %arg4[%multiple_of3A_781, %dma_start3A_783] : memref<16384x4096xf32, #tpu.memory_space<hbm>> -> memref<4x4096xf32, #tpu.memory_space<hbm>>
      %dma_start3A_785 = arith.constant 0 : i32
      %dma_start3A_786 = arith.constant 0 : i32
      %dma_start3A_787 = tpu.memref_slice %arg7[%arg1, %dma_start3A_782, %dma_start3A_785, %dma_start3A_786] : memref<16x2x4x4096xf32, #tpu.memory_space<vmem_shared>> -> memref<1x1x4x4096xf32, #tpu.memory_space<vmem_shared>>
      %dma_start3A_788 = tpu.memref_squeeze %dma_start3A_787 : memref<1x1x4x4096xf32, #tpu.memory_space<vmem_shared>> -> memref<4x4096xf32, #tpu.memory_space<vmem_shared>>
      tpu.enqueue_dma source(%dma_start3A_788 : memref<4x4096xf32, #tpu.memory_space<vmem_shared>>) target(%dma_start3A_784 : memref<4x4096xf32, #tpu.memory_space<hbm>>) target_semaphore(%arg12 : memref<!tpu.dma_semaphore, #tpu.memory_space<semaphore_mem>>)
      %add3A_789 = arith.constant 2 : i32
      %add3A_790 = arith.addi %add3A_640, %add3A_789 : i32
      %mul3A_791 = arith.constant 8 : i32
      %mul3A_792 = arith.muli %add3A_790, %mul3A_791 : i32
      %multiple_of3A_793 = tpu.assume_multiple %mul3A_792, 8 : i32
      %dma_start3A_794 = arith.constant 1 : i32
      %dma_start3A_795 = arith.constant 0 : i32
      %dma_start3A_796 = arith.constant 0 : i32
      %dma_start3A_797 = tpu.memref_slice %arg6[%dma_start3A_794, %dma_start3A_795, %dma_start3A_796] : memref<2x8x4096xf32, #tpu.memory_space<vmem>> -> memref<1x8x4096xf32, #tpu.memory_space<vmem>>
      %dma_start3A_798 = tpu.memref_squeeze %dma_start3A_797 : memref<1x8x4096xf32, #tpu.memory_space<vmem>> -> memref<8x4096xf32, #tpu.memory_space<vmem>>
      %dma_start3A_799 = tpu.memref_slice %arg5[%multiple_of3A_793] : memref<512xi32, #tpu.memory_space<vmem>> -> memref<8xi32, #tpu.memory_space<vmem>>
      %dma_start3A_800 = arith.constant 0 : i32
      %dma_start3A_801 = arith.constant 0 : i32
      %dma_start3A_802 = tpu.memref_slice %arg3[%dma_start3A_800, %dma_start3A_801] : memref<33000x4096xf32, #tpu.memory_space<hbm>> -> memref<33000x4096xf32, #tpu.memory_space<hbm>>
      tpu.enqueue_indirect_dma source(%dma_start3A_802 : memref<33000x4096xf32, #tpu.memory_space<hbm>>) target(%dma_start3A_798 : memref<8x4096xf32, #tpu.memory_space<vmem>>) offsets(%dma_start3A_799 : memref<8xi32, #tpu.memory_space<vmem>>) semaphore(%arg9 : memref<!tpu.dma_semaphore, #tpu.memory_space<semaphore_mem>>)
      %mul3A_803 = arith.constant 2 : i32
      %mul3A_804 = arith.muli %mul3A_803, %add3A_636 : i32
      %add3A_805 = arith.constant 2 : i32
      %add3A_806 = arith.addi %mul3A_804, %add3A_805 : i32
      %dma_wait3A_807 = arith.constant 0 : i32
      %dma_wait3A_808 = arith.constant 0 : i32
      %dma_wait3A_809 = arith.constant 0 : i32
      %dma_wait3A_810 = tpu.memref_slice %arg6[%dma_wait3A_807, %dma_wait3A_808, %dma_wait3A_809] : memref<2x8x4096xf32, #tpu.memory_space<vmem>> -> memref<1x8x4096xf32, #tpu.memory_space<vmem>>
      %dma_wait3A_811 = tpu.memref_squeeze %dma_wait3A_810 : memref<1x8x4096xf32, #tpu.memory_space<vmem>> -> memref<8x4096xf32, #tpu.memory_space<vmem>>
      %dma_wait3A_812 = arith.constant 0 : i32
      %dma_wait3A_813 = tpu.memref_slice %arg5[%dma_wait3A_812] : memref<512xi32, #tpu.memory_space<vmem>> -> memref<8xi32, #tpu.memory_space<vmem>>
      %dma_wait3A_814 = arith.constant 0 : i32
      %dma_wait3A_815 = arith.constant 0 : i32
      %dma_wait3A_816 = tpu.memref_slice %arg3[%dma_wait3A_814, %dma_wait3A_815] : memref<33000x4096xf32, #tpu.memory_space<hbm>> -> memref<33000x4096xf32, #tpu.memory_space<hbm>>
      tpu.wait_indirect_dma semaphore(%arg8 : memref<!tpu.dma_semaphore, #tpu.memory_space<semaphore_mem>>) src(%dma_wait3A_816 : memref<33000x4096xf32, #tpu.memory_space<hbm>>) dst(%dma_wait3A_811 : memref<8x4096xf32, #tpu.memory_space<vmem>>)
      %dma_wait3A_817 = arith.constant 0 : i32
      %dma_wait3A_818 = arith.constant 0 : i32
      %dma_wait3A_819 = arith.constant 0 : i32
      %dma_wait3A_820 = tpu.memref_slice %arg4[%dma_wait3A_818, %dma_wait3A_819] : memref<16384x4096xf32, #tpu.memory_space<hbm>> -> memref<4x4096xf32, #tpu.memory_space<hbm>>
      %dma_wait3A_821 = arith.constant 0 : i32
      %dma_wait3A_822 = arith.constant 0 : i32
      %dma_wait3A_823 = tpu.memref_slice %arg7[%arg1, %dma_wait3A_817, %dma_wait3A_821, %dma_wait3A_822] : memref<16x2x4x4096xf32, #tpu.memory_space<vmem_shared>> -> memref<1x1x4x4096xf32, #tpu.memory_space<vmem_shared>>
      %dma_wait3A_824 = tpu.memref_squeeze %dma_wait3A_823 : memref<1x1x4x4096xf32, #tpu.memory_space<vmem_shared>> -> memref<4x4096xf32, #tpu.memory_space<vmem_shared>>
      tpu.wait_dma2 semaphore(%arg11 : memref<!tpu.dma_semaphore, #tpu.memory_space<semaphore_mem>>) src(%dma_wait3A_824 : memref<4x4096xf32, #tpu.memory_space<vmem_shared>>) dst(%dma_wait3A_820 : memref<4x4096xf32, #tpu.memory_space<hbm>>)
      %dma_start3A_825 = arith.constant 0 : i32
      %dma_start3A_826 = arith.constant 0 : i32
      %dma_start3A_827 = arith.constant 0 : i32
      %dma_start3A_828 = arith.constant 0 : i32
      %dma_start3A_829 = tpu.memref_slice %arg6[%dma_start3A_825, %dma_start3A_827, %dma_start3A_828] : memref<2x8x4096xf32, #tpu.memory_space<vmem>> -> memref<1x8x4096xf32, #tpu.memory_space<vmem>>
      %dma_start3A_830 = tpu.memref_squeeze %dma_start3A_829 : memref<1x8x4096xf32, #tpu.memory_space<vmem>> -> memref<8x4096xf32, #tpu.memory_space<vmem>>
      %dma_start3A_831 = arith.constant 0 : i32
      %dma_start3A_832 = arith.constant 0 : i32
      %dma_start3A_833 = tpu.memref_slice %dma_start3A_830[%dma_start3A_831, %dma_start3A_832] : memref<8x4096xf32, #tpu.memory_space<vmem>> -> memref<4x4096xf32, #tpu.memory_space<vmem>>
      %dma_start3A_834 = arith.constant 0 : i32
      %dma_start3A_835 = arith.constant 0 : i32
      %dma_start3A_836 = tpu.memref_slice %arg7[%arg1, %dma_start3A_826, %dma_start3A_834, %dma_start3A_835] : memref<16x2x4x4096xf32, #tpu.memory_space<vmem_shared>> -> memref<1x1x4x4096xf32, #tpu.memory_space<vmem_shared>>
      %dma_start3A_837 = tpu.memref_squeeze %dma_start3A_836 : memref<1x1x4x4096xf32, #tpu.memory_space<vmem_shared>> -> memref<4x4096xf32, #tpu.memory_space<vmem_shared>>
      %dma_start3A_838 = arith.constant 0 : i32
      %dma_start3A_839 = arith.constant 0 : i32
      %dma_start3A_840 = tpu.memref_slice %arg7[%arg1, %dma_start3A_826, %dma_start3A_838, %dma_start3A_839] : memref<16x2x4x4096xf32, #tpu.memory_space<vmem_shared>> -> memref<1x1x4x4096xf32, #tpu.memory_space<vmem_shared>>
      %dma_start3A_841 = tpu.memref_squeeze %dma_start3A_840 : memref<1x1x4x4096xf32, #tpu.memory_space<vmem_shared>> -> memref<4x4096xf32, #tpu.memory_space<vmem_shared>>
      %dma_start3A_842 = arith.constant 0 : i32
      %dma_start3A_843 = arith.constant 0 : i32
      %dma_start3A_844 = tpu.memref_slice %arg6[%dma_start3A_825, %dma_start3A_842, %dma_start3A_843] : memref<2x8x4096xf32, #tpu.memory_space<vmem>> -> memref<1x8x4096xf32, #tpu.memory_space<vmem>>
      %dma_start3A_845 = tpu.memref_squeeze %dma_start3A_844 : memref<1x8x4096xf32, #tpu.memory_space<vmem>> -> memref<8x4096xf32, #tpu.memory_space<vmem>>
      %dma_start3A_846 = arith.constant 0 : i32
      %dma_start3A_847 = arith.constant 0 : i32
      %dma_start3A_848 = tpu.memref_slice %dma_start3A_845[%dma_start3A_846, %dma_start3A_847] : memref<8x4096xf32, #tpu.memory_space<vmem>> -> memref<4x4096xf32, #tpu.memory_space<vmem>>
      tpu.enqueue_dma source(%dma_start3A_848 : memref<4x4096xf32, #tpu.memory_space<vmem>>) target(%dma_start3A_841 : memref<4x4096xf32, #tpu.memory_space<vmem_shared>>) target_semaphore(%arg10 : memref<!tpu.dma_semaphore, #tpu.memory_space<semaphore_mem>>)
      %dma_wait3A_849 = arith.constant 0 : i32
      %dma_wait3A_850 = arith.constant 0 : i32
      %dma_wait3A_851 = arith.constant 0 : i32
      %dma_wait3A_852 = arith.constant 0 : i32
      %dma_wait3A_853 = tpu.memref_slice %arg6[%dma_wait3A_849, %dma_wait3A_851, %dma_wait3A_852] : memref<2x8x4096xf32, #tpu.memory_space<vmem>> -> memref<1x8x4096xf32, #tpu.memory_space<vmem>>
      %dma_wait3A_854 = tpu.memref_squeeze %dma_wait3A_853 : memref<1x8x4096xf32, #tpu.memory_space<vmem>> -> memref<8x4096xf32, #tpu.memory_space<vmem>>
      %dma_wait3A_855 = arith.constant 0 : i32
      %dma_wait3A_856 = arith.constant 0 : i32
      %dma_wait3A_857 = tpu.memref_slice %dma_wait3A_854[%dma_wait3A_855, %dma_wait3A_856] : memref<8x4096xf32, #tpu.memory_space<vmem>> -> memref<4x4096xf32, #tpu.memory_space<vmem>>
      %dma_wait3A_858 = arith.constant 0 : i32
      %dma_wait3A_859 = arith.constant 0 : i32
      %dma_wait3A_860 = tpu.memref_slice %arg7[%arg1, %dma_wait3A_850, %dma_wait3A_858, %dma_wait3A_859] : memref<16x2x4x4096xf32, #tpu.memory_space<vmem_shared>> -> memref<1x1x4x4096xf32, #tpu.memory_space<vmem_shared>>
      %dma_wait3A_861 = tpu.memref_squeeze %dma_wait3A_860 : memref<1x1x4x4096xf32, #tpu.memory_space<vmem_shared>> -> memref<4x4096xf32, #tpu.memory_space<vmem_shared>>
      %dma_wait3A_862 = arith.constant 0 : i32
      %dma_wait3A_863 = arith.constant 0 : i32
      %dma_wait3A_864 = tpu.memref_slice %arg7[%arg1, %dma_wait3A_850, %dma_wait3A_862, %dma_wait3A_863] : memref<16x2x4x4096xf32, #tpu.memory_space<vmem_shared>> -> memref<1x1x4x4096xf32, #tpu.memory_space<vmem_shared>>
      %dma_wait3A_865 = tpu.memref_squeeze %dma_wait3A_864 : memref<1x1x4x4096xf32, #tpu.memory_space<vmem_shared>> -> memref<4x4096xf32, #tpu.memory_space<vmem_shared>>
      %dma_wait3A_866 = arith.constant 0 : i32
      %dma_wait3A_867 = arith.constant 0 : i32
      %dma_wait3A_868 = tpu.memref_slice %arg6[%dma_wait3A_849, %dma_wait3A_866, %dma_wait3A_867] : memref<2x8x4096xf32, #tpu.memory_space<vmem>> -> memref<1x8x4096xf32, #tpu.memory_space<vmem>>
      %dma_wait3A_869 = tpu.memref_squeeze %dma_wait3A_868 : memref<1x8x4096xf32, #tpu.memory_space<vmem>> -> memref<8x4096xf32, #tpu.memory_space<vmem>>
      %dma_wait3A_870 = arith.constant 0 : i32
      %dma_wait3A_871 = arith.constant 0 : i32
      %dma_wait3A_872 = tpu.memref_slice %dma_wait3A_869[%dma_wait3A_870, %dma_wait3A_871] : memref<8x4096xf32, #tpu.memory_space<vmem>> -> memref<4x4096xf32, #tpu.memory_space<vmem>>
      tpu.wait_dma2 semaphore(%arg10 : memref<!tpu.dma_semaphore, #tpu.memory_space<semaphore_mem>>) src(%dma_wait3A_872 : memref<4x4096xf32, #tpu.memory_space<vmem>>) dst(%dma_wait3A_865 : memref<4x4096xf32, #tpu.memory_space<vmem_shared>>)
      %mul3A_873 = arith.constant 8 : i32
      %mul3A_874 = arith.muli %add3A_806, %mul3A_873 : i32
      %add3A_875 = arith.addi %mul3A_2, %mul3A_874 : i32
      %add3A_876 = arith.constant 0 : i32
      %add3A_877 = arith.addi %add3A_875, %add3A_876 : i32
      %multiple_of3A_878 = tpu.assume_multiple %add3A_877, 4 : i32
      %dma_start3A_879 = arith.constant 0 : i32
      %dma_start3A_880 = arith.constant 0 : i32
      %dma_start3A_881 = tpu.memref_slice %arg4[%multiple_of3A_878, %dma_start3A_880] : memref<16384x4096xf32, #tpu.memory_space<hbm>> -> memref<4x4096xf32, #tpu.memory_space<hbm>>
      %dma_start3A_882 = arith.constant 0 : i32
      %dma_start3A_883 = arith.constant 0 : i32
      %dma_start3A_884 = tpu.memref_slice %arg7[%arg1, %dma_start3A_879, %dma_start3A_882, %dma_start3A_883] : memref<16x2x4x4096xf32, #tpu.memory_space<vmem_shared>> -> memref<1x1x4x4096xf32, #tpu.memory_space<vmem_shared>>
      %dma_start3A_885 = tpu.memref_squeeze %dma_start3A_884 : memref<1x1x4x4096xf32, #tpu.memory_space<vmem_shared>> -> memref<4x4096xf32, #tpu.memory_space<vmem_shared>>
      tpu.enqueue_dma source(%dma_start3A_885 : memref<4x4096xf32, #tpu.memory_space<vmem_shared>>) target(%dma_start3A_881 : memref<4x4096xf32, #tpu.memory_space<hbm>>) target_semaphore(%arg11 : memref<!tpu.dma_semaphore, #tpu.memory_space<semaphore_mem>>)
      %dma_wait3A_886 = arith.constant 1 : i32
      %dma_wait3A_887 = arith.constant 0 : i32
      %dma_wait3A_888 = arith.constant 0 : i32
      %dma_wait3A_889 = tpu.memref_slice %arg4[%dma_wait3A_887, %dma_wait3A_888] : memref<16384x4096xf32, #tpu.memory_space<hbm>> -> memref<4x4096xf32, #tpu.memory_space<hbm>>
      %dma_wait3A_890 = arith.constant 0 : i32
      %dma_wait3A_891 = arith.constant 0 : i32
      %dma_wait3A_892 = tpu.memref_slice %arg7[%arg1, %dma_wait3A_886, %dma_wait3A_890, %dma_wait3A_891] : memref<16x2x4x4096xf32, #tpu.memory_space<vmem_shared>> -> memref<1x1x4x4096xf32, #tpu.memory_space<vmem_shared>>
      %dma_wait3A_893 = tpu.memref_squeeze %dma_wait3A_892 : memref<1x1x4x4096xf32, #tpu.memory_space<vmem_shared>> -> memref<4x4096xf32, #tpu.memory_space<vmem_shared>>
      tpu.wait_dma2 semaphore(%arg12 : memref<!tpu.dma_semaphore, #tpu.memory_space<semaphore_mem>>) src(%dma_wait3A_893 : memref<4x4096xf32, #tpu.memory_space<vmem_shared>>) dst(%dma_wait3A_889 : memref<4x4096xf32, #tpu.memory_space<hbm>>)
      %dma_start3A_894 = arith.constant 0 : i32
      %dma_start3A_895 = arith.constant 1 : i32
      %dma_start3A_896 = arith.constant 0 : i32
      %dma_start3A_897 = arith.constant 0 : i32
      %dma_start3A_898 = tpu.memref_slice %arg6[%dma_start3A_894, %dma_start3A_896, %dma_start3A_897] : memref<2x8x4096xf32, #tpu.memory_space<vmem>> -> memref<1x8x4096xf32, #tpu.memory_space<vmem>>
      %dma_start3A_899 = tpu.memref_squeeze %dma_start3A_898 : memref<1x8x4096xf32, #tpu.memory_space<vmem>> -> memref<8x4096xf32, #tpu.memory_space<vmem>>
      %dma_start3A_900 = arith.constant 4 : i32
      %dma_start3A_901 = arith.constant 0 : i32
      %dma_start3A_902 = tpu.memref_slice %dma_start3A_899[%dma_start3A_900, %dma_start3A_901] : memref<8x4096xf32, #tpu.memory_space<vmem>> -> memref<4x4096xf32, #tpu.memory_space<vmem>>
      %dma_start3A_903 = arith.constant 0 : i32
      %dma_start3A_904 = arith.constant 0 : i32
      %dma_start3A_905 = tpu.memref_slice %arg7[%arg1, %dma_start3A_895, %dma_start3A_903, %dma_start3A_904] : memref<16x2x4x4096xf32, #tpu.memory_space<vmem_shared>> -> memref<1x1x4x4096xf32, #tpu.memory_space<vmem_shared>>
      %dma_start3A_906 = tpu.memref_squeeze %dma_start3A_905 : memref<1x1x4x4096xf32, #tpu.memory_space<vmem_shared>> -> memref<4x4096xf32, #tpu.memory_space<vmem_shared>>
      %dma_start3A_907 = arith.constant 0 : i32
      %dma_start3A_908 = arith.constant 0 : i32
      %dma_start3A_909 = tpu.memref_slice %arg7[%arg1, %dma_start3A_895, %dma_start3A_907, %dma_start3A_908] : memref<16x2x4x4096xf32, #tpu.memory_space<vmem_shared>> -> memref<1x1x4x4096xf32, #tpu.memory_space<vmem_shared>>
      %dma_start3A_910 = tpu.memref_squeeze %dma_start3A_909 : memref<1x1x4x4096xf32, #tpu.memory_space<vmem_shared>> -> memref<4x4096xf32, #tpu.memory_space<vmem_shared>>
      %dma_start3A_911 = arith.constant 0 : i32
      %dma_start3A_912 = arith.constant 0 : i32
      %dma_start3A_913 = tpu.memref_slice %arg6[%dma_start3A_894, %dma_start3A_911, %dma_start3A_912] : memref<2x8x4096xf32, #tpu.memory_space<vmem>> -> memref<1x8x4096xf32, #tpu.memory_space<vmem>>
      %dma_start3A_914 = tpu.memref_squeeze %dma_start3A_913 : memref<1x8x4096xf32, #tpu.memory_space<vmem>> -> memref<8x4096xf32, #tpu.memory_space<vmem>>
      %dma_start3A_915 = arith.constant 4 : i32
      %dma_start3A_916 = arith.constant 0 : i32
      %dma_start3A_917 = tpu.memref_slice %dma_start3A_914[%dma_start3A_915, %dma_start3A_916] : memref<8x4096xf32, #tpu.memory_space<vmem>> -> memref<4x4096xf32, #tpu.memory_space<vmem>>
      tpu.enqueue_dma source(%dma_start3A_917 : memref<4x4096xf32, #tpu.memory_space<vmem>>) target(%dma_start3A_910 : memref<4x4096xf32, #tpu.memory_space<vmem_shared>>) target_semaphore(%arg10 : memref<!tpu.dma_semaphore, #tpu.memory_space<semaphore_mem>>)
      %dma_wait3A_918 = arith.constant 0 : i32
      %dma_wait3A_919 = arith.constant 1 : i32
      %dma_wait3A_920 = arith.constant 0 : i32
      %dma_wait3A_921 = arith.constant 0 : i32
      %dma_wait3A_922 = tpu.memref_slice %arg6[%dma_wait3A_918, %dma_wait3A_920, %dma_wait3A_921] : memref<2x8x4096xf32, #tpu.memory_space<vmem>> -> memref<1x8x4096xf32, #tpu.memory_space<vmem>>
      %dma_wait3A_923 = tpu.memref_squeeze %dma_wait3A_922 : memref<1x8x4096xf32, #tpu.memory_space<vmem>> -> memref<8x4096xf32, #tpu.memory_space<vmem>>
      %dma_wait3A_924 = arith.constant 4 : i32
      %dma_wait3A_925 = arith.constant 0 : i32
      %dma_wait3A_926 = tpu.memref_slice %dma_wait3A_923[%dma_wait3A_924, %dma_wait3A_925] : memref<8x4096xf32, #tpu.memory_space<vmem>> -> memref<4x4096xf32, #tpu.memory_space<vmem>>
      %dma_wait3A_927 = arith.constant 0 : i32
      %dma_wait3A_928 = arith.constant 0 : i32
      %dma_wait3A_929 = tpu.memref_slice %arg7[%arg1, %dma_wait3A_919, %dma_wait3A_927, %dma_wait3A_928] : memref<16x2x4x4096xf32, #tpu.memory_space<vmem_shared>> -> memref<1x1x4x4096xf32, #tpu.memory_space<vmem_shared>>
      %dma_wait3A_930 = tpu.memref_squeeze %dma_wait3A_929 : memref<1x1x4x4096xf32, #tpu.memory_space<vmem_shared>> -> memref<4x4096xf32, #tpu.memory_space<vmem_shared>>
      %dma_wait3A_931 = arith.constant 0 : i32
      %dma_wait3A_932 = arith.constant 0 : i32
      %dma_wait3A_933 = tpu.memref_slice %arg7[%arg1, %dma_wait3A_919, %dma_wait3A_931, %dma_wait3A_932] : memref<16x2x4x4096xf32, #tpu.memory_space<vmem_shared>> -> memref<1x1x4x4096xf32, #tpu.memory_space<vmem_shared>>
      %dma_wait3A_934 = tpu.memref_squeeze %dma_wait3A_933 : memref<1x1x4x4096xf32, #tpu.memory_space<vmem_shared>> -> memref<4x4096xf32, #tpu.memory_space<vmem_shared>>
      %dma_wait3A_935 = arith.constant 0 : i32
      %dma_wait3A_936 = arith.constant 0 : i32
      %dma_wait3A_937 = tpu.memref_slice %arg6[%dma_wait3A_918, %dma_wait3A_935, %dma_wait3A_936] : memref<2x8x4096xf32, #tpu.memory_space<vmem>> -> memref<1x8x4096xf32, #tpu.memory_space<vmem>>
      %dma_wait3A_938 = tpu.memref_squeeze %dma_wait3A_937 : memref<1x8x4096xf32, #tpu.memory_space<vmem>> -> memref<8x4096xf32, #tpu.memory_space<vmem>>
      %dma_wait3A_939 = arith.constant 4 : i32
      %dma_wait3A_940 = arith.constant 0 : i32
      %dma_wait3A_941 = tpu.memref_slice %dma_wait3A_938[%dma_wait3A_939, %dma_wait3A_940] : memref<8x4096xf32, #tpu.memory_space<vmem>> -> memref<4x4096xf32, #tpu.memory_space<vmem>>
      tpu.wait_dma2 semaphore(%arg10 : memref<!tpu.dma_semaphore, #tpu.memory_space<semaphore_mem>>) src(%dma_wait3A_941 : memref<4x4096xf32, #tpu.memory_space<vmem>>) dst(%dma_wait3A_934 : memref<4x4096xf32, #tpu.memory_space<vmem_shared>>)
      %mul3A_942 = arith.constant 8 : i32
      %mul3A_943 = arith.muli %add3A_806, %mul3A_942 : i32
      %add3A_944 = arith.addi %mul3A_2, %mul3A_943 : i32
      %add3A_945 = arith.constant 4 : i32
      %add3A_946 = arith.addi %add3A_944, %add3A_945 : i32
      %multiple_of3A_947 = tpu.assume_multiple %add3A_946, 4 : i32
      %dma_start3A_948 = arith.constant 1 : i32
      %dma_start3A_949 = arith.constant 0 : i32
      %dma_start3A_950 = tpu.memref_slice %arg4[%multiple_of3A_947, %dma_start3A_949] : memref<16384x4096xf32, #tpu.memory_space<hbm>> -> memref<4x4096xf32, #tpu.memory_space<hbm>>
      %dma_start3A_951 = arith.constant 0 : i32
      %dma_start3A_952 = arith.constant 0 : i32
      %dma_start3A_953 = tpu.memref_slice %arg7[%arg1, %dma_start3A_948, %dma_start3A_951, %dma_start3A_952] : memref<16x2x4x4096xf32, #tpu.memory_space<vmem_shared>> -> memref<1x1x4x4096xf32, #tpu.memory_space<vmem_shared>>
      %dma_start3A_954 = tpu.memref_squeeze %dma_start3A_953 : memref<1x1x4x4096xf32, #tpu.memory_space<vmem_shared>> -> memref<4x4096xf32, #tpu.memory_space<vmem_shared>>
      tpu.enqueue_dma source(%dma_start3A_954 : memref<4x4096xf32, #tpu.memory_space<vmem_shared>>) target(%dma_start3A_950 : memref<4x4096xf32, #tpu.memory_space<hbm>>) target_semaphore(%arg12 : memref<!tpu.dma_semaphore, #tpu.memory_space<semaphore_mem>>)
      %add3A_955 = arith.constant 2 : i32
      %add3A_956 = arith.addi %add3A_806, %add3A_955 : i32
      %mul3A_957 = arith.constant 8 : i32
      %mul3A_958 = arith.muli %add3A_956, %mul3A_957 : i32
      %multiple_of3A_959 = tpu.assume_multiple %mul3A_958, 8 : i32
      %dma_start3A_960 = arith.constant 0 : i32
      %dma_start3A_961 = arith.constant 0 : i32
      %dma_start3A_962 = arith.constant 0 : i32
      %dma_start3A_963 = tpu.memref_slice %arg6[%dma_start3A_960, %dma_start3A_961, %dma_start3A_962] : memref<2x8x4096xf32, #tpu.memory_space<vmem>> -> memref<1x8x4096xf32, #tpu.memory_space<vmem>>
      %dma_start3A_964 = tpu.memref_squeeze %dma_start3A_963 : memref<1x8x4096xf32, #tpu.memory_space<vmem>> -> memref<8x4096xf32, #tpu.memory_space<vmem>>
      %dma_start3A_965 = tpu.memref_slice %arg5[%multiple_of3A_959] : memref<512xi32, #tpu.memory_space<vmem>> -> memref<8xi32, #tpu.memory_space<vmem>>
      %dma_start3A_966 = arith.constant 0 : i32
      %dma_start3A_967 = arith.constant 0 : i32
      %dma_start3A_968 = tpu.memref_slice %arg3[%dma_start3A_966, %dma_start3A_967] : memref<33000x4096xf32, #tpu.memory_space<hbm>> -> memref<33000x4096xf32, #tpu.memory_space<hbm>>
      tpu.enqueue_indirect_dma source(%dma_start3A_968 : memref<33000x4096xf32, #tpu.memory_space<hbm>>) target(%dma_start3A_964 : memref<8x4096xf32, #tpu.memory_space<vmem>>) offsets(%dma_start3A_965 : memref<8xi32, #tpu.memory_space<vmem>>) semaphore(%arg8 : memref<!tpu.dma_semaphore, #tpu.memory_space<semaphore_mem>>)
    }
    %scan3A_166 = arith.constant 30 : i32
    %dma_wait3A_167 = arith.constant 1 : i32
    %dma_wait3A_168 = arith.constant 0 : i32
    %dma_wait3A_169 = arith.constant 0 : i32
    %dma_wait3A_170 = tpu.memref_slice %arg6[%dma_wait3A_167, %dma_wait3A_168, %dma_wait3A_169] : memref<2x8x4096xf32, #tpu.memory_space<vmem>> -> memref<1x8x4096xf32, #tpu.memory_space<vmem>>
    %dma_wait3A_171 = tpu.memref_squeeze %dma_wait3A_170 : memref<1x8x4096xf32, #tpu.memory_space<vmem>> -> memref<8x4096xf32, #tpu.memory_space<vmem>>
    %dma_wait3A_172 = arith.constant 0 : i32
    %dma_wait3A_173 = tpu.memref_slice %arg5[%dma_wait3A_172] : memref<512xi32, #tpu.memory_space<vmem>> -> memref<8xi32, #tpu.memory_space<vmem>>
    %dma_wait3A_174 = arith.constant 0 : i32
    %dma_wait3A_175 = arith.constant 0 : i32
    %dma_wait3A_176 = tpu.memref_slice %arg3[%dma_wait3A_174, %dma_wait3A_175] : memref<33000x4096xf32, #tpu.memory_space<hbm>> -> memref<33000x4096xf32, #tpu.memory_space<hbm>>
    tpu.wait_indirect_dma semaphore(%arg9 : memref<!tpu.dma_semaphore, #tpu.memory_space<semaphore_mem>>) src(%dma_wait3A_176 : memref<33000x4096xf32, #tpu.memory_space<hbm>>) dst(%dma_wait3A_171 : memref<8x4096xf32, #tpu.memory_space<vmem>>)
    %dma_wait3A_177 = arith.constant 0 : i32
    %dma_wait3A_178 = arith.constant 0 : i32
    %dma_wait3A_179 = arith.constant 0 : i32
    %dma_wait3A_180 = tpu.memref_slice %arg4[%dma_wait3A_178, %dma_wait3A_179] : memref<16384x4096xf32, #tpu.memory_space<hbm>> -> memref<4x4096xf32, #tpu.memory_space<hbm>>
    %dma_wait3A_181 = arith.constant 0 : i32
    %dma_wait3A_182 = arith.constant 0 : i32
    %dma_wait3A_183 = tpu.memref_slice %arg7[%arg1, %dma_wait3A_177, %dma_wait3A_181, %dma_wait3A_182] : memref<16x2x4x4096xf32, #tpu.memory_space<vmem_shared>> -> memref<1x1x4x4096xf32, #tpu.memory_space<vmem_shared>>
    %dma_wait3A_184 = tpu.memref_squeeze %dma_wait3A_183 : memref<1x1x4x4096xf32, #tpu.memory_space<vmem_shared>> -> memref<4x4096xf32, #tpu.memory_space<vmem_shared>>
    tpu.wait_dma2 semaphore(%arg11 : memref<!tpu.dma_semaphore, #tpu.memory_space<semaphore_mem>>) src(%dma_wait3A_184 : memref<4x4096xf32, #tpu.memory_space<vmem_shared>>) dst(%dma_wait3A_180 : memref<4x4096xf32, #tpu.memory_space<hbm>>)
    %dma_start3A_185 = arith.constant 1 : i32
    %dma_start3A_186 = arith.constant 0 : i32
    %dma_start3A_187 = arith.constant 0 : i32
    %dma_start3A_188 = arith.constant 0 : i32
    %dma_start3A_189 = tpu.memref_slice %arg6[%dma_start3A_185, %dma_start3A_187, %dma_start3A_188] : memref<2x8x4096xf32, #tpu.memory_space<vmem>> -> memref<1x8x4096xf32, #tpu.memory_space<vmem>>
    %dma_start3A_190 = tpu.memref_squeeze %dma_start3A_189 : memref<1x8x4096xf32, #tpu.memory_space<vmem>> -> memref<8x4096xf32, #tpu.memory_space<vmem>>
    %dma_start3A_191 = arith.constant 0 : i32
    %dma_start3A_192 = arith.constant 0 : i32
    %dma_start3A_193 = tpu.memref_slice %dma_start3A_190[%dma_start3A_191, %dma_start3A_192] : memref<8x4096xf32, #tpu.memory_space<vmem>> -> memref<4x4096xf32, #tpu.memory_space<vmem>>
    %dma_start3A_194 = arith.constant 0 : i32
    %dma_start3A_195 = arith.constant 0 : i32
    %dma_start3A_196 = tpu.memref_slice %arg7[%arg1, %dma_start3A_186, %dma_start3A_194, %dma_start3A_195] : memref<16x2x4x4096xf32, #tpu.memory_space<vmem_shared>> -> memref<1x1x4x4096xf32, #tpu.memory_space<vmem_shared>>
    %dma_start3A_197 = tpu.memref_squeeze %dma_start3A_196 : memref<1x1x4x4096xf32, #tpu.memory_space<vmem_shared>> -> memref<4x4096xf32, #tpu.memory_space<vmem_shared>>
    %dma_start3A_198 = arith.constant 0 : i32
    %dma_start3A_199 = arith.constant 0 : i32
    %dma_start3A_200 = tpu.memref_slice %arg7[%arg1, %dma_start3A_186, %dma_start3A_198, %dma_start3A_199] : memref<16x2x4x4096xf32, #tpu.memory_space<vmem_shared>> -> memref<1x1x4x4096xf32, #tpu.memory_space<vmem_shared>>
    %dma_start3A_201 = tpu.memref_squeeze %dma_start3A_200 : memref<1x1x4x4096xf32, #tpu.memory_space<vmem_shared>> -> memref<4x4096xf32, #tpu.memory_space<vmem_shared>>
    %dma_start3A_202 = arith.constant 0 : i32
    %dma_start3A_203 = arith.constant 0 : i32
    %dma_start3A_204 = tpu.memref_slice %arg6[%dma_start3A_185, %dma_start3A_202, %dma_start3A_203] : memref<2x8x4096xf32, #tpu.memory_space<vmem>> -> memref<1x8x4096xf32, #tpu.memory_space<vmem>>
    %dma_start3A_205 = tpu.memref_squeeze %dma_start3A_204 : memref<1x8x4096xf32, #tpu.memory_space<vmem>> -> memref<8x4096xf32, #tpu.memory_space<vmem>>
    %dma_start3A_206 = arith.constant 0 : i32
    %dma_start3A_207 = arith.constant 0 : i32
    %dma_start3A_208 = tpu.memref_slice %dma_start3A_205[%dma_start3A_206, %dma_start3A_207] : memref<8x4096xf32, #tpu.memory_space<vmem>> -> memref<4x4096xf32, #tpu.memory_space<vmem>>
    tpu.enqueue_dma source(%dma_start3A_208 : memref<4x4096xf32, #tpu.memory_space<vmem>>) target(%dma_start3A_201 : memref<4x4096xf32, #tpu.memory_space<vmem_shared>>) target_semaphore(%arg10 : memref<!tpu.dma_semaphore, #tpu.memory_space<semaphore_mem>>)
    %dma_wait3A_209 = arith.constant 1 : i32
    %dma_wait3A_210 = arith.constant 0 : i32
    %dma_wait3A_211 = arith.constant 0 : i32
    %dma_wait3A_212 = arith.constant 0 : i32
    %dma_wait3A_213 = tpu.memref_slice %arg6[%dma_wait3A_209, %dma_wait3A_211, %dma_wait3A_212] : memref<2x8x4096xf32, #tpu.memory_space<vmem>> -> memref<1x8x4096xf32, #tpu.memory_space<vmem>>
    %dma_wait3A_214 = tpu.memref_squeeze %dma_wait3A_213 : memref<1x8x4096xf32, #tpu.memory_space<vmem>> -> memref<8x4096xf32, #tpu.memory_space<vmem>>
    %dma_wait3A_215 = arith.constant 0 : i32
    %dma_wait3A_216 = arith.constant 0 : i32
    %dma_wait3A_217 = tpu.memref_slice %dma_wait3A_214[%dma_wait3A_215, %dma_wait3A_216] : memref<8x4096xf32, #tpu.memory_space<vmem>> -> memref<4x4096xf32, #tpu.memory_space<vmem>>
    %dma_wait3A_218 = arith.constant 0 : i32
    %dma_wait3A_219 = arith.constant 0 : i32
    %dma_wait3A_220 = tpu.memref_slice %arg7[%arg1, %dma_wait3A_210, %dma_wait3A_218, %dma_wait3A_219] : memref<16x2x4x4096xf32, #tpu.memory_space<vmem_shared>> -> memref<1x1x4x4096xf32, #tpu.memory_space<vmem_shared>>
    %dma_wait3A_221 = tpu.memref_squeeze %dma_wait3A_220 : memref<1x1x4x4096xf32, #tpu.memory_space<vmem_shared>> -> memref<4x4096xf32, #tpu.memory_space<vmem_shared>>
    %dma_wait3A_222 = arith.constant 0 : i32
    %dma_wait3A_223 = arith.constant 0 : i32
    %dma_wait3A_224 = tpu.memref_slice %arg7[%arg1, %dma_wait3A_210, %dma_wait3A_222, %dma_wait3A_223] : memref<16x2x4x4096xf32, #tpu.memory_space<vmem_shared>> -> memref<1x1x4x4096xf32, #tpu.memory_space<vmem_shared>>
    %dma_wait3A_225 = tpu.memref_squeeze %dma_wait3A_224 : memref<1x1x4x4096xf32, #tpu.memory_space<vmem_shared>> -> memref<4x4096xf32, #tpu.memory_space<vmem_shared>>
    %dma_wait3A_226 = arith.constant 0 : i32
    %dma_wait3A_227 = arith.constant 0 : i32
    %dma_wait3A_228 = tpu.memref_slice %arg6[%dma_wait3A_209, %dma_wait3A_226, %dma_wait3A_227] : memref<2x8x4096xf32, #tpu.memory_space<vmem>> -> memref<1x8x4096xf32, #tpu.memory_space<vmem>>
    %dma_wait3A_229 = tpu.memref_squeeze %dma_wait3A_228 : memref<1x8x4096xf32, #tpu.memory_space<vmem>> -> memref<8x4096xf32, #tpu.memory_space<vmem>>
    %dma_wait3A_230 = arith.constant 0 : i32
    %dma_wait3A_231 = arith.constant 0 : i32
    %dma_wait3A_232 = tpu.memref_slice %dma_wait3A_229[%dma_wait3A_230, %dma_wait3A_231] : memref<8x4096xf32, #tpu.memory_space<vmem>> -> memref<4x4096xf32, #tpu.memory_space<vmem>>
    tpu.wait_dma2 semaphore(%arg10 : memref<!tpu.dma_semaphore, #tpu.memory_space<semaphore_mem>>) src(%dma_wait3A_232 : memref<4x4096xf32, #tpu.memory_space<vmem>>) dst(%dma_wait3A_225 : memref<4x4096xf32, #tpu.memory_space<vmem_shared>>)
    %add3A_233 = arith.constant 488 : i32
    %add3A_234 = arith.addi %mul3A_2, %add3A_233 : i32
    %add3A_235 = arith.constant 0 : i32
    %add3A_236 = arith.addi %add3A_234, %add3A_235 : i32
    %multiple_of3A_237 = tpu.assume_multiple %add3A_236, 4 : i32
    %dma_start3A_238 = arith.constant 0 : i32
    %dma_start3A_239 = arith.constant 0 : i32
    %dma_start3A_240 = tpu.memref_slice %arg4[%multiple_of3A_237, %dma_start3A_239] : memref<16384x4096xf32, #tpu.memory_space<hbm>> -> memref<4x4096xf32, #tpu.memory_space<hbm>>
    %dma_start3A_241 = arith.constant 0 : i32
    %dma_start3A_242 = arith.constant 0 : i32
    %dma_start3A_243 = tpu.memref_slice %arg7[%arg1, %dma_start3A_238, %dma_start3A_241, %dma_start3A_242] : memref<16x2x4x4096xf32, #tpu.memory_space<vmem_shared>> -> memref<1x1x4x4096xf32, #tpu.memory_space<vmem_shared>>
    %dma_start3A_244 = tpu.memref_squeeze %dma_start3A_243 : memref<1x1x4x4096xf32, #tpu.memory_space<vmem_shared>> -> memref<4x4096xf32, #tpu.memory_space<vmem_shared>>
    tpu.enqueue_dma source(%dma_start3A_244 : memref<4x4096xf32, #tpu.memory_space<vmem_shared>>) target(%dma_start3A_240 : memref<4x4096xf32, #tpu.memory_space<hbm>>) target_semaphore(%arg11 : memref<!tpu.dma_semaphore, #tpu.memory_space<semaphore_mem>>)
    %dma_wait3A_245 = arith.constant 1 : i32
    %dma_wait3A_246 = arith.constant 0 : i32
    %dma_wait3A_247 = arith.constant 0 : i32
    %dma_wait3A_248 = tpu.memref_slice %arg4[%dma_wait3A_246, %dma_wait3A_247] : memref<16384x4096xf32, #tpu.memory_space<hbm>> -> memref<4x4096xf32, #tpu.memory_space<hbm>>
    %dma_wait3A_249 = arith.constant 0 : i32
    %dma_wait3A_250 = arith.constant 0 : i32
    %dma_wait3A_251 = tpu.memref_slice %arg7[%arg1, %dma_wait3A_245, %dma_wait3A_249, %dma_wait3A_250] : memref<16x2x4x4096xf32, #tpu.memory_space<vmem_shared>> -> memref<1x1x4x4096xf32, #tpu.memory_space<vmem_shared>>
    %dma_wait3A_252 = tpu.memref_squeeze %dma_wait3A_251 : memref<1x1x4x4096xf32, #tpu.memory_space<vmem_shared>> -> memref<4x4096xf32, #tpu.memory_space<vmem_shared>>
    tpu.wait_dma2 semaphore(%arg12 : memref<!tpu.dma_semaphore, #tpu.memory_space<semaphore_mem>>) src(%dma_wait3A_252 : memref<4x4096xf32, #tpu.memory_space<vmem_shared>>) dst(%dma_wait3A_248 : memref<4x4096xf32, #tpu.memory_space<hbm>>)
    %dma_start3A_253 = arith.constant 1 : i32
    %dma_start3A_254 = arith.constant 1 : i32
    %dma_start3A_255 = arith.constant 0 : i32
    %dma_start3A_256 = arith.constant 0 : i32
    %dma_start3A_257 = tpu.memref_slice %arg6[%dma_start3A_253, %dma_start3A_255, %dma_start3A_256] : memref<2x8x4096xf32, #tpu.memory_space<vmem>> -> memref<1x8x4096xf32, #tpu.memory_space<vmem>>
    %dma_start3A_258 = tpu.memref_squeeze %dma_start3A_257 : memref<1x8x4096xf32, #tpu.memory_space<vmem>> -> memref<8x4096xf32, #tpu.memory_space<vmem>>
    %dma_start3A_259 = arith.constant 4 : i32
    %dma_start3A_260 = arith.constant 0 : i32
    %dma_start3A_261 = tpu.memref_slice %dma_start3A_258[%dma_start3A_259, %dma_start3A_260] : memref<8x4096xf32, #tpu.memory_space<vmem>> -> memref<4x4096xf32, #tpu.memory_space<vmem>>
    %dma_start3A_262 = arith.constant 0 : i32
    %dma_start3A_263 = arith.constant 0 : i32
    %dma_start3A_264 = tpu.memref_slice %arg7[%arg1, %dma_start3A_254, %dma_start3A_262, %dma_start3A_263] : memref<16x2x4x4096xf32, #tpu.memory_space<vmem_shared>> -> memref<1x1x4x4096xf32, #tpu.memory_space<vmem_shared>>
    %dma_start3A_265 = tpu.memref_squeeze %dma_start3A_264 : memref<1x1x4x4096xf32, #tpu.memory_space<vmem_shared>> -> memref<4x4096xf32, #tpu.memory_space<vmem_shared>>
    %dma_start3A_266 = arith.constant 0 : i32
    %dma_start3A_267 = arith.constant 0 : i32
    %dma_start3A_268 = tpu.memref_slice %arg7[%arg1, %dma_start3A_254, %dma_start3A_266, %dma_start3A_267] : memref<16x2x4x4096xf32, #tpu.memory_space<vmem_shared>> -> memref<1x1x4x4096xf32, #tpu.memory_space<vmem_shared>>
    %dma_start3A_269 = tpu.memref_squeeze %dma_start3A_268 : memref<1x1x4x4096xf32, #tpu.memory_space<vmem_shared>> -> memref<4x4096xf32, #tpu.memory_space<vmem_shared>>
    %dma_start3A_270 = arith.constant 0 : i32
    %dma_start3A_271 = arith.constant 0 : i32
    %dma_start3A_272 = tpu.memref_slice %arg6[%dma_start3A_253, %dma_start3A_270, %dma_start3A_271] : memref<2x8x4096xf32, #tpu.memory_space<vmem>> -> memref<1x8x4096xf32, #tpu.memory_space<vmem>>
    %dma_start3A_273 = tpu.memref_squeeze %dma_start3A_272 : memref<1x8x4096xf32, #tpu.memory_space<vmem>> -> memref<8x4096xf32, #tpu.memory_space<vmem>>
    %dma_start3A_274 = arith.constant 4 : i32
    %dma_start3A_275 = arith.constant 0 : i32
    %dma_start3A_276 = tpu.memref_slice %dma_start3A_273[%dma_start3A_274, %dma_start3A_275] : memref<8x4096xf32, #tpu.memory_space<vmem>> -> memref<4x4096xf32, #tpu.memory_space<vmem>>
    tpu.enqueue_dma source(%dma_start3A_276 : memref<4x4096xf32, #tpu.memory_space<vmem>>) target(%dma_start3A_269 : memref<4x4096xf32, #tpu.memory_space<vmem_shared>>) target_semaphore(%arg10 : memref<!tpu.dma_semaphore, #tpu.memory_space<semaphore_mem>>)
    %dma_wait3A_277 = arith.constant 1 : i32
    %dma_wait3A_278 = arith.constant 1 : i32
    %dma_wait3A_279 = arith.constant 0 : i32
    %dma_wait3A_280 = arith.constant 0 : i32
    %dma_wait3A_281 = tpu.memref_slice %arg6[%dma_wait3A_277, %dma_wait3A_279, %dma_wait3A_280] : memref<2x8x4096xf32, #tpu.memory_space<vmem>> -> memref<1x8x4096xf32, #tpu.memory_space<vmem>>
    %dma_wait3A_282 = tpu.memref_squeeze %dma_wait3A_281 : memref<1x8x4096xf32, #tpu.memory_space<vmem>> -> memref<8x4096xf32, #tpu.memory_space<vmem>>
    %dma_wait3A_283 = arith.constant 4 : i32
    %dma_wait3A_284 = arith.constant 0 : i32
    %dma_wait3A_285 = tpu.memref_slice %dma_wait3A_282[%dma_wait3A_283, %dma_wait3A_284] : memref<8x4096xf32, #tpu.memory_space<vmem>> -> memref<4x4096xf32, #tpu.memory_space<vmem>>
    %dma_wait3A_286 = arith.constant 0 : i32
    %dma_wait3A_287 = arith.constant 0 : i32
    %dma_wait3A_288 = tpu.memref_slice %arg7[%arg1, %dma_wait3A_278, %dma_wait3A_286, %dma_wait3A_287] : memref<16x2x4x4096xf32, #tpu.memory_space<vmem_shared>> -> memref<1x1x4x4096xf32, #tpu.memory_space<vmem_shared>>
    %dma_wait3A_289 = tpu.memref_squeeze %dma_wait3A_288 : memref<1x1x4x4096xf32, #tpu.memory_space<vmem_shared>> -> memref<4x4096xf32, #tpu.memory_space<vmem_shared>>
    %dma_wait3A_290 = arith.constant 0 : i32
    %dma_wait3A_291 = arith.constant 0 : i32
    %dma_wait3A_292 = tpu.memref_slice %arg7[%arg1, %dma_wait3A_278, %dma_wait3A_290, %dma_wait3A_291] : memref<16x2x4x4096xf32, #tpu.memory_space<vmem_shared>> -> memref<1x1x4x4096xf32, #tpu.memory_space<vmem_shared>>
    %dma_wait3A_293 = tpu.memref_squeeze %dma_wait3A_292 : memref<1x1x4x4096xf32, #tpu.memory_space<vmem_shared>> -> memref<4x4096xf32, #tpu.memory_space<vmem_shared>>
    %dma_wait3A_294 = arith.constant 0 : i32
    %dma_wait3A_295 = arith.constant 0 : i32
    %dma_wait3A_296 = tpu.memref_slice %arg6[%dma_wait3A_277, %dma_wait3A_294, %dma_wait3A_295] : memref<2x8x4096xf32, #tpu.memory_space<vmem>> -> memref<1x8x4096xf32, #tpu.memory_space<vmem>>
    %dma_wait3A_297 = tpu.memref_squeeze %dma_wait3A_296 : memref<1x8x4096xf32, #tpu.memory_space<vmem>> -> memref<8x4096xf32, #tpu.memory_space<vmem>>
    %dma_wait3A_298 = arith.constant 4 : i32
    %dma_wait3A_299 = arith.constant 0 : i32
    %dma_wait3A_300 = tpu.memref_slice %dma_wait3A_297[%dma_wait3A_298, %dma_wait3A_299] : memref<8x4096xf32, #tpu.memory_space<vmem>> -> memref<4x4096xf32, #tpu.memory_space<vmem>>
    tpu.wait_dma2 semaphore(%arg10 : memref<!tpu.dma_semaphore, #tpu.memory_space<semaphore_mem>>) src(%dma_wait3A_300 : memref<4x4096xf32, #tpu.memory_space<vmem>>) dst(%dma_wait3A_293 : memref<4x4096xf32, #tpu.memory_space<vmem_shared>>)
    %add3A_301 = arith.constant 488 : i32
    %add3A_302 = arith.addi %mul3A_2, %add3A_301 : i32
    %add3A_303 = arith.constant 4 : i32
    %add3A_304 = arith.addi %add3A_302, %add3A_303 : i32
    %multiple_of3A_305 = tpu.assume_multiple %add3A_304, 4 : i32
    %dma_start3A_306 = arith.constant 1 : i32
    %dma_start3A_307 = arith.constant 0 : i32
    %dma_start3A_308 = tpu.memref_slice %arg4[%multiple_of3A_305, %dma_start3A_307] : memref<16384x4096xf32, #tpu.memory_space<hbm>> -> memref<4x4096xf32, #tpu.memory_space<hbm>>
    %dma_start3A_309 = arith.constant 0 : i32
    %dma_start3A_310 = arith.constant 0 : i32
    %dma_start3A_311 = tpu.memref_slice %arg7[%arg1, %dma_start3A_306, %dma_start3A_309, %dma_start3A_310] : memref<16x2x4x4096xf32, #tpu.memory_space<vmem_shared>> -> memref<1x1x4x4096xf32, #tpu.memory_space<vmem_shared>>
    %dma_start3A_312 = tpu.memref_squeeze %dma_start3A_311 : memref<1x1x4x4096xf32, #tpu.memory_space<vmem_shared>> -> memref<4x4096xf32, #tpu.memory_space<vmem_shared>>
    tpu.enqueue_dma source(%dma_start3A_312 : memref<4x4096xf32, #tpu.memory_space<vmem_shared>>) target(%dma_start3A_308 : memref<4x4096xf32, #tpu.memory_space<hbm>>) target_semaphore(%arg12 : memref<!tpu.dma_semaphore, #tpu.memory_space<semaphore_mem>>)
    %multiple_of3A_313 = arith.constant 504 : i32
    %multiple_of3A_314 = tpu.assume_multiple %multiple_of3A_313, 8 : i32
    %dma_start3A_315 = arith.constant 1 : i32
    %dma_start3A_316 = arith.constant 0 : i32
    %dma_start3A_317 = arith.constant 0 : i32
    %dma_start3A_318 = tpu.memref_slice %arg6[%dma_start3A_315, %dma_start3A_316, %dma_start3A_317] : memref<2x8x4096xf32, #tpu.memory_space<vmem>> -> memref<1x8x4096xf32, #tpu.memory_space<vmem>>
    %dma_start3A_319 = tpu.memref_squeeze %dma_start3A_318 : memref<1x8x4096xf32, #tpu.memory_space<vmem>> -> memref<8x4096xf32, #tpu.memory_space<vmem>>
    %dma_start3A_320 = tpu.memref_slice %arg5[%multiple_of3A_314] : memref<512xi32, #tpu.memory_space<vmem>> -> memref<8xi32, #tpu.memory_space<vmem>>
    %dma_start3A_321 = arith.constant 0 : i32
    %dma_start3A_322 = arith.constant 0 : i32
    %dma_start3A_323 = tpu.memref_slice %arg3[%dma_start3A_321, %dma_start3A_322] : memref<33000x4096xf32, #tpu.memory_space<hbm>> -> memref<33000x4096xf32, #tpu.memory_space<hbm>>
    tpu.enqueue_indirect_dma source(%dma_start3A_323 : memref<33000x4096xf32, #tpu.memory_space<hbm>>) target(%dma_start3A_319 : memref<8x4096xf32, #tpu.memory_space<vmem>>) offsets(%dma_start3A_320 : memref<8xi32, #tpu.memory_space<vmem>>) semaphore(%arg9 : memref<!tpu.dma_semaphore, #tpu.memory_space<semaphore_mem>>)
    %dma_wait3A_324 = arith.constant 0 : i32
    %dma_wait3A_325 = arith.constant 0 : i32
    %dma_wait3A_326 = arith.constant 0 : i32
    %dma_wait3A_327 = tpu.memref_slice %arg6[%dma_wait3A_324, %dma_wait3A_325, %dma_wait3A_326] : memref<2x8x4096xf32, #tpu.memory_space<vmem>> -> memref<1x8x4096xf32, #tpu.memory_space<vmem>>
    %dma_wait3A_328 = tpu.memref_squeeze %dma_wait3A_327 : memref<1x8x4096xf32, #tpu.memory_space<vmem>> -> memref<8x4096xf32, #tpu.memory_space<vmem>>
    %dma_wait3A_329 = arith.constant 0 : i32
    %dma_wait3A_330 = tpu.memref_slice %arg5[%dma_wait3A_329] : memref<512xi32, #tpu.memory_space<vmem>> -> memref<8xi32, #tpu.memory_space<vmem>>
    %dma_wait3A_331 = arith.constant 0 : i32
    %dma_wait3A_332 = arith.constant 0 : i32
    %dma_wait3A_333 = tpu.memref_slice %arg3[%dma_wait3A_331, %dma_wait3A_332] : memref<33000x4096xf32, #tpu.memory_space<hbm>> -> memref<33000x4096xf32, #tpu.memory_space<hbm>>
    tpu.wait_indirect_dma semaphore(%arg8 : memref<!tpu.dma_semaphore, #tpu.memory_space<semaphore_mem>>) src(%dma_wait3A_333 : memref<33000x4096xf32, #tpu.memory_space<hbm>>) dst(%dma_wait3A_328 : memref<8x4096xf32, #tpu.memory_space<vmem>>)
    %dma_wait3A_334 = arith.constant 0 : i32
    %dma_wait3A_335 = arith.constant 0 : i32
    %dma_wait3A_336 = arith.constant 0 : i32
    %dma_wait3A_337 = tpu.memref_slice %arg4[%dma_wait3A_335, %dma_wait3A_336] : memref<16384x4096xf32, #tpu.memory_space<hbm>> -> memref<4x4096xf32, #tpu.memory_space<hbm>>
    %dma_wait3A_338 = arith.constant 0 : i32
    %dma_wait3A_339 = arith.constant 0 : i32
    %dma_wait3A_340 = tpu.memref_slice %arg7[%arg1, %dma_wait3A_334, %dma_wait3A_338, %dma_wait3A_339] : memref<16x2x4x4096xf32, #tpu.memory_space<vmem_shared>> -> memref<1x1x4x4096xf32, #tpu.memory_space<vmem_shared>>
    %dma_wait3A_341 = tpu.memref_squeeze %dma_wait3A_340 : memref<1x1x4x4096xf32, #tpu.memory_space<vmem_shared>> -> memref<4x4096xf32, #tpu.memory_space<vmem_shared>>
    tpu.wait_dma2 semaphore(%arg11 : memref<!tpu.dma_semaphore, #tpu.memory_space<semaphore_mem>>) src(%dma_wait3A_341 : memref<4x4096xf32, #tpu.memory_space<vmem_shared>>) dst(%dma_wait3A_337 : memref<4x4096xf32, #tpu.memory_space<hbm>>)
    %dma_start3A_342 = arith.constant 0 : i32
    %dma_start3A_343 = arith.constant 0 : i32
    %dma_start3A_344 = arith.constant 0 : i32
    %dma_start3A_345 = arith.constant 0 : i32
    %dma_start3A_346 = tpu.memref_slice %arg6[%dma_start3A_342, %dma_start3A_344, %dma_start3A_345] : memref<2x8x4096xf32, #tpu.memory_space<vmem>> -> memref<1x8x4096xf32, #tpu.memory_space<vmem>>
    %dma_start3A_347 = tpu.memref_squeeze %dma_start3A_346 : memref<1x8x4096xf32, #tpu.memory_space<vmem>> -> memref<8x4096xf32, #tpu.memory_space<vmem>>
    %dma_start3A_348 = arith.constant 0 : i32
    %dma_start3A_349 = arith.constant 0 : i32
    %dma_start3A_350 = tpu.memref_slice %dma_start3A_347[%dma_start3A_348, %dma_start3A_349] : memref<8x4096xf32, #tpu.memory_space<vmem>> -> memref<4x4096xf32, #tpu.memory_space<vmem>>
    %dma_start3A_351 = arith.constant 0 : i32
    %dma_start3A_352 = arith.constant 0 : i32
    %dma_start3A_353 = tpu.memref_slice %arg7[%arg1, %dma_start3A_343, %dma_start3A_351, %dma_start3A_352] : memref<16x2x4x4096xf32, #tpu.memory_space<vmem_shared>> -> memref<1x1x4x4096xf32, #tpu.memory_space<vmem_shared>>
    %dma_start3A_354 = tpu.memref_squeeze %dma_start3A_353 : memref<1x1x4x4096xf32, #tpu.memory_space<vmem_shared>> -> memref<4x4096xf32, #tpu.memory_space<vmem_shared>>
    %dma_start3A_355 = arith.constant 0 : i32
    %dma_start3A_356 = arith.constant 0 : i32
    %dma_start3A_357 = tpu.memref_slice %arg7[%arg1, %dma_start3A_343, %dma_start3A_355, %dma_start3A_356] : memref<16x2x4x4096xf32, #tpu.memory_space<vmem_shared>> -> memref<1x1x4x4096xf32, #tpu.memory_space<vmem_shared>>
    %dma_start3A_358 = tpu.memref_squeeze %dma_start3A_357 : memref<1x1x4x4096xf32, #tpu.memory_space<vmem_shared>> -> memref<4x4096xf32, #tpu.memory_space<vmem_shared>>
    %dma_start3A_359 = arith.constant 0 : i32
    %dma_start3A_360 = arith.constant 0 : i32
    %dma_start3A_361 = tpu.memref_slice %arg6[%dma_start3A_342, %dma_start3A_359, %dma_start3A_360] : memref<2x8x4096xf32, #tpu.memory_space<vmem>> -> memref<1x8x4096xf32, #tpu.memory_space<vmem>>
    %dma_start3A_362 = tpu.memref_squeeze %dma_start3A_361 : memref<1x8x4096xf32, #tpu.memory_space<vmem>> -> memref<8x4096xf32, #tpu.memory_space<vmem>>
    %dma_start3A_363 = arith.constant 0 : i32
    %dma_start3A_364 = arith.constant 0 : i32
    %dma_start3A_365 = tpu.memref_slice %dma_start3A_362[%dma_start3A_363, %dma_start3A_364] : memref<8x4096xf32, #tpu.memory_space<vmem>> -> memref<4x4096xf32, #tpu.memory_space<vmem>>
    tpu.enqueue_dma source(%dma_start3A_365 : memref<4x4096xf32, #tpu.memory_space<vmem>>) target(%dma_start3A_358 : memref<4x4096xf32, #tpu.memory_space<vmem_shared>>) target_semaphore(%arg10 : memref<!tpu.dma_semaphore, #tpu.memory_space<semaphore_mem>>)
    %dma_wait3A_366 = arith.constant 0 : i32
    %dma_wait3A_367 = arith.constant 0 : i32
    %dma_wait3A_368 = arith.constant 0 : i32
    %dma_wait3A_369 = arith.constant 0 : i32
    %dma_wait3A_370 = tpu.memref_slice %arg6[%dma_wait3A_366, %dma_wait3A_368, %dma_wait3A_369] : memref<2x8x4096xf32, #tpu.memory_space<vmem>> -> memref<1x8x4096xf32, #tpu.memory_space<vmem>>
    %dma_wait3A_371 = tpu.memref_squeeze %dma_wait3A_370 : memref<1x8x4096xf32, #tpu.memory_space<vmem>> -> memref<8x4096xf32, #tpu.memory_space<vmem>>
    %dma_wait3A_372 = arith.constant 0 : i32
    %dma_wait3A_373 = arith.constant 0 : i32
    %dma_wait3A_374 = tpu.memref_slice %dma_wait3A_371[%dma_wait3A_372, %dma_wait3A_373] : memref<8x4096xf32, #tpu.memory_space<vmem>> -> memref<4x4096xf32, #tpu.memory_space<vmem>>
    %dma_wait3A_375 = arith.constant 0 : i32
    %dma_wait3A_376 = arith.constant 0 : i32
    %dma_wait3A_377 = tpu.memref_slice %arg7[%arg1, %dma_wait3A_367, %dma_wait3A_375, %dma_wait3A_376] : memref<16x2x4x4096xf32, #tpu.memory_space<vmem_shared>> -> memref<1x1x4x4096xf32, #tpu.memory_space<vmem_shared>>
    %dma_wait3A_378 = tpu.memref_squeeze %dma_wait3A_377 : memref<1x1x4x4096xf32, #tpu.memory_space<vmem_shared>> -> memref<4x4096xf32, #tpu.memory_space<vmem_shared>>
    %dma_wait3A_379 = arith.constant 0 : i32
    %dma_wait3A_380 = arith.constant 0 : i32
    %dma_wait3A_381 = tpu.memref_slice %arg7[%arg1, %dma_wait3A_367, %dma_wait3A_379, %dma_wait3A_380] : memref<16x2x4x4096xf32, #tpu.memory_space<vmem_shared>> -> memref<1x1x4x4096xf32, #tpu.memory_space<vmem_shared>>
    %dma_wait3A_382 = tpu.memref_squeeze %dma_wait3A_381 : memref<1x1x4x4096xf32, #tpu.memory_space<vmem_shared>> -> memref<4x4096xf32, #tpu.memory_space<vmem_shared>>
    %dma_wait3A_383 = arith.constant 0 : i32
    %dma_wait3A_384 = arith.constant 0 : i32
    %dma_wait3A_385 = tpu.memref_slice %arg6[%dma_wait3A_366, %dma_wait3A_383, %dma_wait3A_384] : memref<2x8x4096xf32, #tpu.memory_space<vmem>> -> memref<1x8x4096xf32, #tpu.memory_space<vmem>>
    %dma_wait3A_386 = tpu.memref_squeeze %dma_wait3A_385 : memref<1x8x4096xf32, #tpu.memory_space<vmem>> -> memref<8x4096xf32, #tpu.memory_space<vmem>>
    %dma_wait3A_387 = arith.constant 0 : i32
    %dma_wait3A_388 = arith.constant 0 : i32
    %dma_wait3A_389 = tpu.memref_slice %dma_wait3A_386[%dma_wait3A_387, %dma_wait3A_388] : memref<8x4096xf32, #tpu.memory_space<vmem>> -> memref<4x4096xf32, #tpu.memory_space<vmem>>
    tpu.wait_dma2 semaphore(%arg10 : memref<!tpu.dma_semaphore, #tpu.memory_space<semaphore_mem>>) src(%dma_wait3A_389 : memref<4x4096xf32, #tpu.memory_space<vmem>>) dst(%dma_wait3A_382 : memref<4x4096xf32, #tpu.memory_space<vmem_shared>>)
    %add3A_390 = arith.constant 496 : i32
    %add3A_391 = arith.addi %mul3A_2, %add3A_390 : i32
    %add3A_392 = arith.constant 0 : i32
    %add3A_393 = arith.addi %add3A_391, %add3A_392 : i32
    %multiple_of3A_394 = tpu.assume_multiple %add3A_393, 4 : i32
    %dma_start3A_395 = arith.constant 0 : i32
    %dma_start3A_396 = arith.constant 0 : i32
    %dma_start3A_397 = tpu.memref_slice %arg4[%multiple_of3A_394, %dma_start3A_396] : memref<16384x4096xf32, #tpu.memory_space<hbm>> -> memref<4x4096xf32, #tpu.memory_space<hbm>>
    %dma_start3A_398 = arith.constant 0 : i32
    %dma_start3A_399 = arith.constant 0 : i32
    %dma_start3A_400 = tpu.memref_slice %arg7[%arg1, %dma_start3A_395, %dma_start3A_398, %dma_start3A_399] : memref<16x2x4x4096xf32, #tpu.memory_space<vmem_shared>> -> memref<1x1x4x4096xf32, #tpu.memory_space<vmem_shared>>
    %dma_start3A_401 = tpu.memref_squeeze %dma_start3A_400 : memref<1x1x4x4096xf32, #tpu.memory_space<vmem_shared>> -> memref<4x4096xf32, #tpu.memory_space<vmem_shared>>
    tpu.enqueue_dma source(%dma_start3A_401 : memref<4x4096xf32, #tpu.memory_space<vmem_shared>>) target(%dma_start3A_397 : memref<4x4096xf32, #tpu.memory_space<hbm>>) target_semaphore(%arg11 : memref<!tpu.dma_semaphore, #tpu.memory_space<semaphore_mem>>)
    %dma_wait3A_402 = arith.constant 1 : i32
    %dma_wait3A_403 = arith.constant 0 : i32
    %dma_wait3A_404 = arith.constant 0 : i32
    %dma_wait3A_405 = tpu.memref_slice %arg4[%dma_wait3A_403, %dma_wait3A_404] : memref<16384x4096xf32, #tpu.memory_space<hbm>> -> memref<4x4096xf32, #tpu.memory_space<hbm>>
    %dma_wait3A_406 = arith.constant 0 : i32
    %dma_wait3A_407 = arith.constant 0 : i32
    %dma_wait3A_408 = tpu.memref_slice %arg7[%arg1, %dma_wait3A_402, %dma_wait3A_406, %dma_wait3A_407] : memref<16x2x4x4096xf32, #tpu.memory_space<vmem_shared>> -> memref<1x1x4x4096xf32, #tpu.memory_space<vmem_shared>>
    %dma_wait3A_409 = tpu.memref_squeeze %dma_wait3A_408 : memref<1x1x4x4096xf32, #tpu.memory_space<vmem_shared>> -> memref<4x4096xf32, #tpu.memory_space<vmem_shared>>
    tpu.wait_dma2 semaphore(%arg12 : memref<!tpu.dma_semaphore, #tpu.memory_space<semaphore_mem>>) src(%dma_wait3A_409 : memref<4x4096xf32, #tpu.memory_space<vmem_shared>>) dst(%dma_wait3A_405 : memref<4x4096xf32, #tpu.memory_space<hbm>>)
    %dma_start3A_410 = arith.constant 0 : i32
    %dma_start3A_411 = arith.constant 1 : i32
    %dma_start3A_412 = arith.constant 0 : i32
    %dma_start3A_413 = arith.constant 0 : i32
    %dma_start3A_414 = tpu.memref_slice %arg6[%dma_start3A_410, %dma_start3A_412, %dma_start3A_413] : memref<2x8x4096xf32, #tpu.memory_space<vmem>> -> memref<1x8x4096xf32, #tpu.memory_space<vmem>>
    %dma_start3A_415 = tpu.memref_squeeze %dma_start3A_414 : memref<1x8x4096xf32, #tpu.memory_space<vmem>> -> memref<8x4096xf32, #tpu.memory_space<vmem>>
    %dma_start3A_416 = arith.constant 4 : i32
    %dma_start3A_417 = arith.constant 0 : i32
    %dma_start3A_418 = tpu.memref_slice %dma_start3A_415[%dma_start3A_416, %dma_start3A_417] : memref<8x4096xf32, #tpu.memory_space<vmem>> -> memref<4x4096xf32, #tpu.memory_space<vmem>>
    %dma_start3A_419 = arith.constant 0 : i32
    %dma_start3A_420 = arith.constant 0 : i32
    %dma_start3A_421 = tpu.memref_slice %arg7[%arg1, %dma_start3A_411, %dma_start3A_419, %dma_start3A_420] : memref<16x2x4x4096xf32, #tpu.memory_space<vmem_shared>> -> memref<1x1x4x4096xf32, #tpu.memory_space<vmem_shared>>
    %dma_start3A_422 = tpu.memref_squeeze %dma_start3A_421 : memref<1x1x4x4096xf32, #tpu.memory_space<vmem_shared>> -> memref<4x4096xf32, #tpu.memory_space<vmem_shared>>
    %dma_start3A_423 = arith.constant 0 : i32
    %dma_start3A_424 = arith.constant 0 : i32
    %dma_start3A_425 = tpu.memref_slice %arg7[%arg1, %dma_start3A_411, %dma_start3A_423, %dma_start3A_424] : memref<16x2x4x4096xf32, #tpu.memory_space<vmem_shared>> -> memref<1x1x4x4096xf32, #tpu.memory_space<vmem_shared>>
    %dma_start3A_426 = tpu.memref_squeeze %dma_start3A_425 : memref<1x1x4x4096xf32, #tpu.memory_space<vmem_shared>> -> memref<4x4096xf32, #tpu.memory_space<vmem_shared>>
    %dma_start3A_427 = arith.constant 0 : i32
    %dma_start3A_428 = arith.constant 0 : i32
    %dma_start3A_429 = tpu.memref_slice %arg6[%dma_start3A_410, %dma_start3A_427, %dma_start3A_428] : memref<2x8x4096xf32, #tpu.memory_space<vmem>> -> memref<1x8x4096xf32, #tpu.memory_space<vmem>>
    %dma_start3A_430 = tpu.memref_squeeze %dma_start3A_429 : memref<1x8x4096xf32, #tpu.memory_space<vmem>> -> memref<8x4096xf32, #tpu.memory_space<vmem>>
    %dma_start3A_431 = arith.constant 4 : i32
    %dma_start3A_432 = arith.constant 0 : i32
    %dma_start3A_433 = tpu.memref_slice %dma_start3A_430[%dma_start3A_431, %dma_start3A_432] : memref<8x4096xf32, #tpu.memory_space<vmem>> -> memref<4x4096xf32, #tpu.memory_space<vmem>>
    tpu.enqueue_dma source(%dma_start3A_433 : memref<4x4096xf32, #tpu.memory_space<vmem>>) target(%dma_start3A_426 : memref<4x4096xf32, #tpu.memory_space<vmem_shared>>) target_semaphore(%arg10 : memref<!tpu.dma_semaphore, #tpu.memory_space<semaphore_mem>>)
    %dma_wait3A_434 = arith.constant 0 : i32
    %dma_wait3A_435 = arith.constant 1 : i32
    %dma_wait3A_436 = arith.constant 0 : i32
    %dma_wait3A_437 = arith.constant 0 : i32
    %dma_wait3A_438 = tpu.memref_slice %arg6[%dma_wait3A_434, %dma_wait3A_436, %dma_wait3A_437] : memref<2x8x4096xf32, #tpu.memory_space<vmem>> -> memref<1x8x4096xf32, #tpu.memory_space<vmem>>
    %dma_wait3A_439 = tpu.memref_squeeze %dma_wait3A_438 : memref<1x8x4096xf32, #tpu.memory_space<vmem>> -> memref<8x4096xf32, #tpu.memory_space<vmem>>
    %dma_wait3A_440 = arith.constant 4 : i32
    %dma_wait3A_441 = arith.constant 0 : i32
    %dma_wait3A_442 = tpu.memref_slice %dma_wait3A_439[%dma_wait3A_440, %dma_wait3A_441] : memref<8x4096xf32, #tpu.memory_space<vmem>> -> memref<4x4096xf32, #tpu.memory_space<vmem>>
    %dma_wait3A_443 = arith.constant 0 : i32
    %dma_wait3A_444 = arith.constant 0 : i32
    %dma_wait3A_445 = tpu.memref_slice %arg7[%arg1, %dma_wait3A_435, %dma_wait3A_443, %dma_wait3A_444] : memref<16x2x4x4096xf32, #tpu.memory_space<vmem_shared>> -> memref<1x1x4x4096xf32, #tpu.memory_space<vmem_shared>>
    %dma_wait3A_446 = tpu.memref_squeeze %dma_wait3A_445 : memref<1x1x4x4096xf32, #tpu.memory_space<vmem_shared>> -> memref<4x4096xf32, #tpu.memory_space<vmem_shared>>
    %dma_wait3A_447 = arith.constant 0 : i32
    %dma_wait3A_448 = arith.constant 0 : i32
    %dma_wait3A_449 = tpu.memref_slice %arg7[%arg1, %dma_wait3A_435, %dma_wait3A_447, %dma_wait3A_448] : memref<16x2x4x4096xf32, #tpu.memory_space<vmem_shared>> -> memref<1x1x4x4096xf32, #tpu.memory_space<vmem_shared>>
    %dma_wait3A_450 = tpu.memref_squeeze %dma_wait3A_449 : memref<1x1x4x4096xf32, #tpu.memory_space<vmem_shared>> -> memref<4x4096xf32, #tpu.memory_space<vmem_shared>>
    %dma_wait3A_451 = arith.constant 0 : i32
    %dma_wait3A_452 = arith.constant 0 : i32
    %dma_wait3A_453 = tpu.memref_slice %arg6[%dma_wait3A_434, %dma_wait3A_451, %dma_wait3A_452] : memref<2x8x4096xf32, #tpu.memory_space<vmem>> -> memref<1x8x4096xf32, #tpu.memory_space<vmem>>
    %dma_wait3A_454 = tpu.memref_squeeze %dma_wait3A_453 : memref<1x8x4096xf32, #tpu.memory_space<vmem>> -> memref<8x4096xf32, #tpu.memory_space<vmem>>
    %dma_wait3A_455 = arith.constant 4 : i32
    %dma_wait3A_456 = arith.constant 0 : i32
    %dma_wait3A_457 = tpu.memref_slice %dma_wait3A_454[%dma_wait3A_455, %dma_wait3A_456] : memref<8x4096xf32, #tpu.memory_space<vmem>> -> memref<4x4096xf32, #tpu.memory_space<vmem>>
    tpu.wait_dma2 semaphore(%arg10 : memref<!tpu.dma_semaphore, #tpu.memory_space<semaphore_mem>>) src(%dma_wait3A_457 : memref<4x4096xf32, #tpu.memory_space<vmem>>) dst(%dma_wait3A_450 : memref<4x4096xf32, #tpu.memory_space<vmem_shared>>)
    %add3A_458 = arith.constant 496 : i32
    %add3A_459 = arith.addi %mul3A_2, %add3A_458 : i32
    %add3A_460 = arith.constant 4 : i32
    %add3A_461 = arith.addi %add3A_459, %add3A_460 : i32
    %multiple_of3A_462 = tpu.assume_multiple %add3A_461, 4 : i32
    %dma_start3A_463 = arith.constant 1 : i32
    %dma_start3A_464 = arith.constant 0 : i32
    %dma_start3A_465 = tpu.memref_slice %arg4[%multiple_of3A_462, %dma_start3A_464] : memref<16384x4096xf32, #tpu.memory_space<hbm>> -> memref<4x4096xf32, #tpu.memory_space<hbm>>
    %dma_start3A_466 = arith.constant 0 : i32
    %dma_start3A_467 = arith.constant 0 : i32
    %dma_start3A_468 = tpu.memref_slice %arg7[%arg1, %dma_start3A_463, %dma_start3A_466, %dma_start3A_467] : memref<16x2x4x4096xf32, #tpu.memory_space<vmem_shared>> -> memref<1x1x4x4096xf32, #tpu.memory_space<vmem_shared>>
    %dma_start3A_469 = tpu.memref_squeeze %dma_start3A_468 : memref<1x1x4x4096xf32, #tpu.memory_space<vmem_shared>> -> memref<4x4096xf32, #tpu.memory_space<vmem_shared>>
    tpu.enqueue_dma source(%dma_start3A_469 : memref<4x4096xf32, #tpu.memory_space<vmem_shared>>) target(%dma_start3A_465 : memref<4x4096xf32, #tpu.memory_space<hbm>>) target_semaphore(%arg12 : memref<!tpu.dma_semaphore, #tpu.memory_space<semaphore_mem>>)
    %dma_wait3A_470 = arith.constant 1 : i32
    %dma_wait3A_471 = arith.constant 0 : i32
    %dma_wait3A_472 = arith.constant 0 : i32
    %dma_wait3A_473 = tpu.memref_slice %arg6[%dma_wait3A_470, %dma_wait3A_471, %dma_wait3A_472] : memref<2x8x4096xf32, #tpu.memory_space<vmem>> -> memref<1x8x4096xf32, #tpu.memory_space<vmem>>
    %dma_wait3A_474 = tpu.memref_squeeze %dma_wait3A_473 : memref<1x8x4096xf32, #tpu.memory_space<vmem>> -> memref<8x4096xf32, #tpu.memory_space<vmem>>
    %dma_wait3A_475 = arith.constant 0 : i32
    %dma_wait3A_476 = tpu.memref_slice %arg5[%dma_wait3A_475] : memref<512xi32, #tpu.memory_space<vmem>> -> memref<8xi32, #tpu.memory_space<vmem>>
    %dma_wait3A_477 = arith.constant 0 : i32
    %dma_wait3A_478 = arith.constant 0 : i32
    %dma_wait3A_479 = tpu.memref_slice %arg3[%dma_wait3A_477, %dma_wait3A_478] : memref<33000x4096xf32, #tpu.memory_space<hbm>> -> memref<33000x4096xf32, #tpu.memory_space<hbm>>
    tpu.wait_indirect_dma semaphore(%arg9 : memref<!tpu.dma_semaphore, #tpu.memory_space<semaphore_mem>>) src(%dma_wait3A_479 : memref<33000x4096xf32, #tpu.memory_space<hbm>>) dst(%dma_wait3A_474 : memref<8x4096xf32, #tpu.memory_space<vmem>>)
    %dma_wait3A_480 = arith.constant 0 : i32
    %dma_wait3A_481 = arith.constant 0 : i32
    %dma_wait3A_482 = arith.constant 0 : i32
    %dma_wait3A_483 = tpu.memref_slice %arg4[%dma_wait3A_481, %dma_wait3A_482] : memref<16384x4096xf32, #tpu.memory_space<hbm>> -> memref<4x4096xf32, #tpu.memory_space<hbm>>
    %dma_wait3A_484 = arith.constant 0 : i32
    %dma_wait3A_485 = arith.constant 0 : i32
    %dma_wait3A_486 = tpu.memref_slice %arg7[%arg1, %dma_wait3A_480, %dma_wait3A_484, %dma_wait3A_485] : memref<16x2x4x4096xf32, #tpu.memory_space<vmem_shared>> -> memref<1x1x4x4096xf32, #tpu.memory_space<vmem_shared>>
    %dma_wait3A_487 = tpu.memref_squeeze %dma_wait3A_486 : memref<1x1x4x4096xf32, #tpu.memory_space<vmem_shared>> -> memref<4x4096xf32, #tpu.memory_space<vmem_shared>>
    tpu.wait_dma2 semaphore(%arg11 : memref<!tpu.dma_semaphore, #tpu.memory_space<semaphore_mem>>) src(%dma_wait3A_487 : memref<4x4096xf32, #tpu.memory_space<vmem_shared>>) dst(%dma_wait3A_483 : memref<4x4096xf32, #tpu.memory_space<hbm>>)
    %dma_start3A_488 = arith.constant 1 : i32
    %dma_start3A_489 = arith.constant 0 : i32
    %dma_start3A_490 = arith.constant 0 : i32
    %dma_start3A_491 = arith.constant 0 : i32
    %dma_start3A_492 = tpu.memref_slice %arg6[%dma_start3A_488, %dma_start3A_490, %dma_start3A_491] : memref<2x8x4096xf32, #tpu.memory_space<vmem>> -> memref<1x8x4096xf32, #tpu.memory_space<vmem>>
    %dma_start3A_493 = tpu.memref_squeeze %dma_start3A_492 : memref<1x8x4096xf32, #tpu.memory_space<vmem>> -> memref<8x4096xf32, #tpu.memory_space<vmem>>
    %dma_start3A_494 = arith.constant 0 : i32
    %dma_start3A_495 = arith.constant 0 : i32
    %dma_start3A_496 = tpu.memref_slice %dma_start3A_493[%dma_start3A_494, %dma_start3A_495] : memref<8x4096xf32, #tpu.memory_space<vmem>> -> memref<4x4096xf32, #tpu.memory_space<vmem>>
    %dma_start3A_497 = arith.constant 0 : i32
    %dma_start3A_498 = arith.constant 0 : i32
    %dma_start3A_499 = tpu.memref_slice %arg7[%arg1, %dma_start3A_489, %dma_start3A_497, %dma_start3A_498] : memref<16x2x4x4096xf32, #tpu.memory_space<vmem_shared>> -> memref<1x1x4x4096xf32, #tpu.memory_space<vmem_shared>>
    %dma_start3A_500 = tpu.memref_squeeze %dma_start3A_499 : memref<1x1x4x4096xf32, #tpu.memory_space<vmem_shared>> -> memref<4x4096xf32, #tpu.memory_space<vmem_shared>>
    %dma_start3A_501 = arith.constant 0 : i32
    %dma_start3A_502 = arith.constant 0 : i32
    %dma_start3A_503 = tpu.memref_slice %arg7[%arg1, %dma_start3A_489, %dma_start3A_501, %dma_start3A_502] : memref<16x2x4x4096xf32, #tpu.memory_space<vmem_shared>> -> memref<1x1x4x4096xf32, #tpu.memory_space<vmem_shared>>
    %dma_start3A_504 = tpu.memref_squeeze %dma_start3A_503 : memref<1x1x4x4096xf32, #tpu.memory_space<vmem_shared>> -> memref<4x4096xf32, #tpu.memory_space<vmem_shared>>
    %dma_start3A_505 = arith.constant 0 : i32
    %dma_start3A_506 = arith.constant 0 : i32
    %dma_start3A_507 = tpu.memref_slice %arg6[%dma_start3A_488, %dma_start3A_505, %dma_start3A_506] : memref<2x8x4096xf32, #tpu.memory_space<vmem>> -> memref<1x8x4096xf32, #tpu.memory_space<vmem>>
    %dma_start3A_508 = tpu.memref_squeeze %dma_start3A_507 : memref<1x8x4096xf32, #tpu.memory_space<vmem>> -> memref<8x4096xf32, #tpu.memory_space<vmem>>
    %dma_start3A_509 = arith.constant 0 : i32
    %dma_start3A_510 = arith.constant 0 : i32
    %dma_start3A_511 = tpu.memref_slice %dma_start3A_508[%dma_start3A_509, %dma_start3A_510] : memref<8x4096xf32, #tpu.memory_space<vmem>> -> memref<4x4096xf32, #tpu.memory_space<vmem>>
    tpu.enqueue_dma source(%dma_start3A_511 : memref<4x4096xf32, #tpu.memory_space<vmem>>) target(%dma_start3A_504 : memref<4x4096xf32, #tpu.memory_space<vmem_shared>>) target_semaphore(%arg10 : memref<!tpu.dma_semaphore, #tpu.memory_space<semaphore_mem>>)
    %dma_wait3A_512 = arith.constant 1 : i32
    %dma_wait3A_513 = arith.constant 0 : i32
    %dma_wait3A_514 = arith.constant 0 : i32
    %dma_wait3A_515 = arith.constant 0 : i32
    %dma_wait3A_516 = tpu.memref_slice %arg6[%dma_wait3A_512, %dma_wait3A_514, %dma_wait3A_515] : memref<2x8x4096xf32, #tpu.memory_space<vmem>> -> memref<1x8x4096xf32, #tpu.memory_space<vmem>>
    %dma_wait3A_517 = tpu.memref_squeeze %dma_wait3A_516 : memref<1x8x4096xf32, #tpu.memory_space<vmem>> -> memref<8x4096xf32, #tpu.memory_space<vmem>>
    %dma_wait3A_518 = arith.constant 0 : i32
    %dma_wait3A_519 = arith.constant 0 : i32
    %dma_wait3A_520 = tpu.memref_slice %dma_wait3A_517[%dma_wait3A_518, %dma_wait3A_519] : memref<8x4096xf32, #tpu.memory_space<vmem>> -> memref<4x4096xf32, #tpu.memory_space<vmem>>
    %dma_wait3A_521 = arith.constant 0 : i32
    %dma_wait3A_522 = arith.constant 0 : i32
    %dma_wait3A_523 = tpu.memref_slice %arg7[%arg1, %dma_wait3A_513, %dma_wait3A_521, %dma_wait3A_522] : memref<16x2x4x4096xf32, #tpu.memory_space<vmem_shared>> -> memref<1x1x4x4096xf32, #tpu.memory_space<vmem_shared>>
    %dma_wait3A_524 = tpu.memref_squeeze %dma_wait3A_523 : memref<1x1x4x4096xf32, #tpu.memory_space<vmem_shared>> -> memref<4x4096xf32, #tpu.memory_space<vmem_shared>>
    %dma_wait3A_525 = arith.constant 0 : i32
    %dma_wait3A_526 = arith.constant 0 : i32
    %dma_wait3A_527 = tpu.memref_slice %arg7[%arg1, %dma_wait3A_513, %dma_wait3A_525, %dma_wait3A_526] : memref<16x2x4x4096xf32, #tpu.memory_space<vmem_shared>> -> memref<1x1x4x4096xf32, #tpu.memory_space<vmem_shared>>
    %dma_wait3A_528 = tpu.memref_squeeze %dma_wait3A_527 : memref<1x1x4x4096xf32, #tpu.memory_space<vmem_shared>> -> memref<4x4096xf32, #tpu.memory_space<vmem_shared>>
    %dma_wait3A_529 = arith.constant 0 : i32
    %dma_wait3A_530 = arith.constant 0 : i32
    %dma_wait3A_531 = tpu.memref_slice %arg6[%dma_wait3A_512, %dma_wait3A_529, %dma_wait3A_530] : memref<2x8x4096xf32, #tpu.memory_space<vmem>> -> memref<1x8x4096xf32, #tpu.memory_space<vmem>>
    %dma_wait3A_532 = tpu.memref_squeeze %dma_wait3A_531 : memref<1x8x4096xf32, #tpu.memory_space<vmem>> -> memref<8x4096xf32, #tpu.memory_space<vmem>>
    %dma_wait3A_533 = arith.constant 0 : i32
    %dma_wait3A_534 = arith.constant 0 : i32
    %dma_wait3A_535 = tpu.memref_slice %dma_wait3A_532[%dma_wait3A_533, %dma_wait3A_534] : memref<8x4096xf32, #tpu.memory_space<vmem>> -> memref<4x4096xf32, #tpu.memory_space<vmem>>
    tpu.wait_dma2 semaphore(%arg10 : memref<!tpu.dma_semaphore, #tpu.memory_space<semaphore_mem>>) src(%dma_wait3A_535 : memref<4x4096xf32, #tpu.memory_space<vmem>>) dst(%dma_wait3A_528 : memref<4x4096xf32, #tpu.memory_space<vmem_shared>>)
    %add3A_536 = arith.constant 504 : i32
    %add3A_537 = arith.addi %mul3A_2, %add3A_536 : i32
    %add3A_538 = arith.constant 0 : i32
    %add3A_539 = arith.addi %add3A_537, %add3A_538 : i32
    %multiple_of3A_540 = tpu.assume_multiple %add3A_539, 4 : i32
    %dma_start3A_541 = arith.constant 0 : i32
    %dma_start3A_542 = arith.constant 0 : i32
    %dma_start3A_543 = tpu.memref_slice %arg4[%multiple_of3A_540, %dma_start3A_542] : memref<16384x4096xf32, #tpu.memory_space<hbm>> -> memref<4x4096xf32, #tpu.memory_space<hbm>>
    %dma_start3A_544 = arith.constant 0 : i32
    %dma_start3A_545 = arith.constant 0 : i32
    %dma_start3A_546 = tpu.memref_slice %arg7[%arg1, %dma_start3A_541, %dma_start3A_544, %dma_start3A_545] : memref<16x2x4x4096xf32, #tpu.memory_space<vmem_shared>> -> memref<1x1x4x4096xf32, #tpu.memory_space<vmem_shared>>
    %dma_start3A_547 = tpu.memref_squeeze %dma_start3A_546 : memref<1x1x4x4096xf32, #tpu.memory_space<vmem_shared>> -> memref<4x4096xf32, #tpu.memory_space<vmem_shared>>
    tpu.enqueue_dma source(%dma_start3A_547 : memref<4x4096xf32, #tpu.memory_space<vmem_shared>>) target(%dma_start3A_543 : memref<4x4096xf32, #tpu.memory_space<hbm>>) target_semaphore(%arg11 : memref<!tpu.dma_semaphore, #tpu.memory_space<semaphore_mem>>)
    %dma_wait3A_548 = arith.constant 1 : i32
    %dma_wait3A_549 = arith.constant 0 : i32
    %dma_wait3A_550 = arith.constant 0 : i32
    %dma_wait3A_551 = tpu.memref_slice %arg4[%dma_wait3A_549, %dma_wait3A_550] : memref<16384x4096xf32, #tpu.memory_space<hbm>> -> memref<4x4096xf32, #tpu.memory_space<hbm>>
    %dma_wait3A_552 = arith.constant 0 : i32
    %dma_wait3A_553 = arith.constant 0 : i32
    %dma_wait3A_554 = tpu.memref_slice %arg7[%arg1, %dma_wait3A_548, %dma_wait3A_552, %dma_wait3A_553] : memref<16x2x4x4096xf32, #tpu.memory_space<vmem_shared>> -> memref<1x1x4x4096xf32, #tpu.memory_space<vmem_shared>>
    %dma_wait3A_555 = tpu.memref_squeeze %dma_wait3A_554 : memref<1x1x4x4096xf32, #tpu.memory_space<vmem_shared>> -> memref<4x4096xf32, #tpu.memory_space<vmem_shared>>
    tpu.wait_dma2 semaphore(%arg12 : memref<!tpu.dma_semaphore, #tpu.memory_space<semaphore_mem>>) src(%dma_wait3A_555 : memref<4x4096xf32, #tpu.memory_space<vmem_shared>>) dst(%dma_wait3A_551 : memref<4x4096xf32, #tpu.memory_space<hbm>>)
    %dma_start3A_556 = arith.constant 1 : i32
    %dma_start3A_557 = arith.constant 1 : i32
    %dma_start3A_558 = arith.constant 0 : i32
    %dma_start3A_559 = arith.constant 0 : i32
    %dma_start3A_560 = tpu.memref_slice %arg6[%dma_start3A_556, %dma_start3A_558, %dma_start3A_559] : memref<2x8x4096xf32, #tpu.memory_space<vmem>> -> memref<1x8x4096xf32, #tpu.memory_space<vmem>>
    %dma_start3A_561 = tpu.memref_squeeze %dma_start3A_560 : memref<1x8x4096xf32, #tpu.memory_space<vmem>> -> memref<8x4096xf32, #tpu.memory_space<vmem>>
    %dma_start3A_562 = arith.constant 4 : i32
    %dma_start3A_563 = arith.constant 0 : i32
    %dma_start3A_564 = tpu.memref_slice %dma_start3A_561[%dma_start3A_562, %dma_start3A_563] : memref<8x4096xf32, #tpu.memory_space<vmem>> -> memref<4x4096xf32, #tpu.memory_space<vmem>>
    %dma_start3A_565 = arith.constant 0 : i32
    %dma_start3A_566 = arith.constant 0 : i32
    %dma_start3A_567 = tpu.memref_slice %arg7[%arg1, %dma_start3A_557, %dma_start3A_565, %dma_start3A_566] : memref<16x2x4x4096xf32, #tpu.memory_space<vmem_shared>> -> memref<1x1x4x4096xf32, #tpu.memory_space<vmem_shared>>
    %dma_start3A_568 = tpu.memref_squeeze %dma_start3A_567 : memref<1x1x4x4096xf32, #tpu.memory_space<vmem_shared>> -> memref<4x4096xf32, #tpu.memory_space<vmem_shared>>
    %dma_start3A_569 = arith.constant 0 : i32
    %dma_start3A_570 = arith.constant 0 : i32
    %dma_start3A_571 = tpu.memref_slice %arg7[%arg1, %dma_start3A_557, %dma_start3A_569, %dma_start3A_570] : memref<16x2x4x4096xf32, #tpu.memory_space<vmem_shared>> -> memref<1x1x4x4096xf32, #tpu.memory_space<vmem_shared>>
    %dma_start3A_572 = tpu.memref_squeeze %dma_start3A_571 : memref<1x1x4x4096xf32, #tpu.memory_space<vmem_shared>> -> memref<4x4096xf32, #tpu.memory_space<vmem_shared>>
    %dma_start3A_573 = arith.constant 0 : i32
    %dma_start3A_574 = arith.constant 0 : i32
    %dma_start3A_575 = tpu.memref_slice %arg6[%dma_start3A_556, %dma_start3A_573, %dma_start3A_574] : memref<2x8x4096xf32, #tpu.memory_space<vmem>> -> memref<1x8x4096xf32, #tpu.memory_space<vmem>>
    %dma_start3A_576 = tpu.memref_squeeze %dma_start3A_575 : memref<1x8x4096xf32, #tpu.memory_space<vmem>> -> memref<8x4096xf32, #tpu.memory_space<vmem>>
    %dma_start3A_577 = arith.constant 4 : i32
    %dma_start3A_578 = arith.constant 0 : i32
    %dma_start3A_579 = tpu.memref_slice %dma_start3A_576[%dma_start3A_577, %dma_start3A_578] : memref<8x4096xf32, #tpu.memory_space<vmem>> -> memref<4x4096xf32, #tpu.memory_space<vmem>>
    tpu.enqueue_dma source(%dma_start3A_579 : memref<4x4096xf32, #tpu.memory_space<vmem>>) target(%dma_start3A_572 : memref<4x4096xf32, #tpu.memory_space<vmem_shared>>) target_semaphore(%arg10 : memref<!tpu.dma_semaphore, #tpu.memory_space<semaphore_mem>>)
    %dma_wait3A_580 = arith.constant 1 : i32
    %dma_wait3A_581 = arith.constant 1 : i32
    %dma_wait3A_582 = arith.constant 0 : i32
    %dma_wait3A_583 = arith.constant 0 : i32
    %dma_wait3A_584 = tpu.memref_slice %arg6[%dma_wait3A_580, %dma_wait3A_582, %dma_wait3A_583] : memref<2x8x4096xf32, #tpu.memory_space<vmem>> -> memref<1x8x4096xf32, #tpu.memory_space<vmem>>
    %dma_wait3A_585 = tpu.memref_squeeze %dma_wait3A_584 : memref<1x8x4096xf32, #tpu.memory_space<vmem>> -> memref<8x4096xf32, #tpu.memory_space<vmem>>
    %dma_wait3A_586 = arith.constant 4 : i32
    %dma_wait3A_587 = arith.constant 0 : i32
    %dma_wait3A_588 = tpu.memref_slice %dma_wait3A_585[%dma_wait3A_586, %dma_wait3A_587] : memref<8x4096xf32, #tpu.memory_space<vmem>> -> memref<4x4096xf32, #tpu.memory_space<vmem>>
    %dma_wait3A_589 = arith.constant 0 : i32
    %dma_wait3A_590 = arith.constant 0 : i32
    %dma_wait3A_591 = tpu.memref_slice %arg7[%arg1, %dma_wait3A_581, %dma_wait3A_589, %dma_wait3A_590] : memref<16x2x4x4096xf32, #tpu.memory_space<vmem_shared>> -> memref<1x1x4x4096xf32, #tpu.memory_space<vmem_shared>>
    %dma_wait3A_592 = tpu.memref_squeeze %dma_wait3A_591 : memref<1x1x4x4096xf32, #tpu.memory_space<vmem_shared>> -> memref<4x4096xf32, #tpu.memory_space<vmem_shared>>
    %dma_wait3A_593 = arith.constant 0 : i32
    %dma_wait3A_594 = arith.constant 0 : i32
    %dma_wait3A_595 = tpu.memref_slice %arg7[%arg1, %dma_wait3A_581, %dma_wait3A_593, %dma_wait3A_594] : memref<16x2x4x4096xf32, #tpu.memory_space<vmem_shared>> -> memref<1x1x4x4096xf32, #tpu.memory_space<vmem_shared>>
    %dma_wait3A_596 = tpu.memref_squeeze %dma_wait3A_595 : memref<1x1x4x4096xf32, #tpu.memory_space<vmem_shared>> -> memref<4x4096xf32, #tpu.memory_space<vmem_shared>>
    %dma_wait3A_597 = arith.constant 0 : i32
    %dma_wait3A_598 = arith.constant 0 : i32
    %dma_wait3A_599 = tpu.memref_slice %arg6[%dma_wait3A_580, %dma_wait3A_597, %dma_wait3A_598] : memref<2x8x4096xf32, #tpu.memory_space<vmem>> -> memref<1x8x4096xf32, #tpu.memory_space<vmem>>
    %dma_wait3A_600 = tpu.memref_squeeze %dma_wait3A_599 : memref<1x8x4096xf32, #tpu.memory_space<vmem>> -> memref<8x4096xf32, #tpu.memory_space<vmem>>
    %dma_wait3A_601 = arith.constant 4 : i32
    %dma_wait3A_602 = arith.constant 0 : i32
    %dma_wait3A_603 = tpu.memref_slice %dma_wait3A_600[%dma_wait3A_601, %dma_wait3A_602] : memref<8x4096xf32, #tpu.memory_space<vmem>> -> memref<4x4096xf32, #tpu.memory_space<vmem>>
    tpu.wait_dma2 semaphore(%arg10 : memref<!tpu.dma_semaphore, #tpu.memory_space<semaphore_mem>>) src(%dma_wait3A_603 : memref<4x4096xf32, #tpu.memory_space<vmem>>) dst(%dma_wait3A_596 : memref<4x4096xf32, #tpu.memory_space<vmem_shared>>)
    %add3A_604 = arith.constant 504 : i32
    %add3A_605 = arith.addi %mul3A_2, %add3A_604 : i32
    %add3A_606 = arith.constant 4 : i32
    %add3A_607 = arith.addi %add3A_605, %add3A_606 : i32
    %multiple_of3A_608 = tpu.assume_multiple %add3A_607, 4 : i32
    %dma_start3A_609 = arith.constant 1 : i32
    %dma_start3A_610 = arith.constant 0 : i32
    %dma_start3A_611 = tpu.memref_slice %arg4[%multiple_of3A_608, %dma_start3A_610] : memref<16384x4096xf32, #tpu.memory_space<hbm>> -> memref<4x4096xf32, #tpu.memory_space<hbm>>
    %dma_start3A_612 = arith.constant 0 : i32
    %dma_start3A_613 = arith.constant 0 : i32
    %dma_start3A_614 = tpu.memref_slice %arg7[%arg1, %dma_start3A_609, %dma_start3A_612, %dma_start3A_613] : memref<16x2x4x4096xf32, #tpu.memory_space<vmem_shared>> -> memref<1x1x4x4096xf32, #tpu.memory_space<vmem_shared>>
    %dma_start3A_615 = tpu.memref_squeeze %dma_start3A_614 : memref<1x1x4x4096xf32, #tpu.memory_space<vmem_shared>> -> memref<4x4096xf32, #tpu.memory_space<vmem_shared>>
    tpu.enqueue_dma source(%dma_start3A_615 : memref<4x4096xf32, #tpu.memory_space<vmem_shared>>) target(%dma_start3A_611 : memref<4x4096xf32, #tpu.memory_space<hbm>>) target_semaphore(%arg12 : memref<!tpu.dma_semaphore, #tpu.memory_space<semaphore_mem>>)
    %dma_wait3A_616 = arith.constant 0 : i32
    %dma_wait3A_617 = arith.constant 0 : i32
    %dma_wait3A_618 = arith.constant 0 : i32
    %dma_wait3A_619 = tpu.memref_slice %arg4[%dma_wait3A_617, %dma_wait3A_618] : memref<16384x4096xf32, #tpu.memory_space<hbm>> -> memref<4x4096xf32, #tpu.memory_space<hbm>>
    %dma_wait3A_620 = arith.constant 0 : i32
    %dma_wait3A_621 = arith.constant 0 : i32
    %dma_wait3A_622 = tpu.memref_slice %arg7[%arg1, %dma_wait3A_616, %dma_wait3A_620, %dma_wait3A_621] : memref<16x2x4x4096xf32, #tpu.memory_space<vmem_shared>> -> memref<1x1x4x4096xf32, #tpu.memory_space<vmem_shared>>
    %dma_wait3A_623 = tpu.memref_squeeze %dma_wait3A_622 : memref<1x1x4x4096xf32, #tpu.memory_space<vmem_shared>> -> memref<4x4096xf32, #tpu.memory_space<vmem_shared>>
    tpu.wait_dma2 semaphore(%arg11 : memref<!tpu.dma_semaphore, #tpu.memory_space<semaphore_mem>>) src(%dma_wait3A_623 : memref<4x4096xf32, #tpu.memory_space<vmem_shared>>) dst(%dma_wait3A_619 : memref<4x4096xf32, #tpu.memory_space<hbm>>)
    %dma_wait3A_624 = arith.constant 1 : i32
    %dma_wait3A_625 = arith.constant 0 : i32
    %dma_wait3A_626 = arith.constant 0 : i32
    %dma_wait3A_627 = tpu.memref_slice %arg4[%dma_wait3A_625, %dma_wait3A_626] : memref<16384x4096xf32, #tpu.memory_space<hbm>> -> memref<4x4096xf32, #tpu.memory_space<hbm>>
    %dma_wait3A_628 = arith.constant 0 : i32
    %dma_wait3A_629 = arith.constant 0 : i32
    %dma_wait3A_630 = tpu.memref_slice %arg7[%arg1, %dma_wait3A_624, %dma_wait3A_628, %dma_wait3A_629] : memref<16x2x4x4096xf32, #tpu.memory_space<vmem_shared>> -> memref<1x1x4x4096xf32, #tpu.memory_space<vmem_shared>>
    %dma_wait3A_631 = tpu.memref_squeeze %dma_wait3A_630 : memref<1x1x4x4096xf32, #tpu.memory_space<vmem_shared>> -> memref<4x4096xf32, #tpu.memory_space<vmem_shared>>
    tpu.wait_dma2 semaphore(%arg12 : memref<!tpu.dma_semaphore, #tpu.memory_space<semaphore_mem>>) src(%dma_wait3A_631 : memref<4x4096xf32, #tpu.memory_space<vmem_shared>>) dst(%dma_wait3A_627 : memref<4x4096xf32, #tpu.memory_space<hbm>>)
    return
  }
}

</mosaic_0001>

<sc_bundles>
// kernel: kernel.3.cloned.1.call-start
scs
__scs_entry_jumppad:
0x0: {  	(pc) =	sbr.rel $0x88, $3  }
0x1: {  	(tag) =	ssettag $0x0;
	lr =	simm.s32 $0x1  }
0x2: {  	[smem:$0x3F9F] =	sst lr;
	_ =	strace $0xD0000000  }
0x3: {  	_ = 	snop  }
0x4: {  	_ = 	snop  }
0x5: {  	_ = 	snop  }
0x6: {  	_ = 	snop  }
0x7: {  	_ = 	snop  }
__scs_overlays_trampoline_lowered:
0x8: {  	[smem:$0x3FAE] =	sst s0  }
0x9: {  	[smem:$0x3FAF] =	sst s1  }
0xa: {  	[smem:$0x3FB0] =	sst s2  }
0xb: {  	[smem:$0x3FB1] =	sst s3  }
0xc: {  	[smem:$0x3FB2] =	sst s4  }
0xd: {  	[smem:$0x3FB3] =	sst s5  }
0xe: {  	[smem:$0x3FB4] =	sst s6  }
0xf: {  	[smem:$0x3FB5] =	sst s7  }
0x10: {  	[smem:$0x3FB6] =	sst s8  }
0x11: {  	[smem:$0x3FB7] =	sst s9;
	s0 =	simm.s32 @!p0 $0x0  }
0x12: {  	s1 =	sld [smem:$0x3F9D];
	s0 =	simm.s32 @p0 $0x1  }
0x13: {  	[smem:$0x3FB8] =	sst s0;
	s0 =	simm.s32 @!p1 $0x0  }
0x14: {  	s2 =	sld [smem:$0x3F9C];
	s0 =	simm.s32 @p1 $0x1  }
0x15: {  	[smem:$0x3FB9] =	sst s0;
	s0 =	simm.s32 @!p2 $0x0  }
0x16: {  	s3 =	sld [smem:$0x3FDB];
	s0 =	simm.s32 @p2 $0x1  }
0x17: {  	s4 =	simm.s32 $0x1BF5;
	[smem:$0x3FBB] =	sst s0  }
0x18: {  	s0 =	sld [smem:$0x3F9E];
	_ =	swait.ge [sflag:s4], $0x0  }
0x19: {  	s7 =	sld [smem:$0x3F9F]  }
0x1a: {  	s8 =	sadd.s32 $0xFFFFE003, lr  }
0x1b: {  	s9 =	sadd.s32 $0xFFFFFEF7, lr;
	s5 =	simm.s32 $0xFFFFFFFF;
	p2 =	slt.u32 s8, $0xFFFFF086  }
0x1c: {  	p1 =	slt.u32 s9, $0xF7A;
	s5 =	simm.s32 @!p2 $0x0  }
0x1d: {  	s5 =	simm.s32 @p1 $0x1;
	p0 =	seq.s32 s7, s2  }
0x1e: {  	s7 =	smul.u32 @!p0 $0xF7A, s2;
	p2 =	seq.s32 @!p0 s5, $0x0  }
0x1f: {  	s9 =	smul.u32 $0xF7A, s1;
	s8 =	simm.s32 @!p0 $0x1BF5;
	p2 =	por !p2, p0  }
0x20: {  	[sflag:s8] =	ssyncset.s32 @!p0 $0xFFFFF086;
	s6 =	sadd.s32 @!p0 s3, s7;
	s7 =	simm.s32 @!p0 $0x108  }
0x21: {  	s3 =	sadd.s32 s3, s9;
	s6 =	sadd.s32 @!p0 $0x88, s6;
	s7 =	simm.s32 @p2 $0x1082  }
0x22: {  	[simem:s7], [sflag:s8] =	dma.local @!p0 [hbm:s6], $0xF7A  }
0x23: {  	s9 =	sor.u32 $0xD0000000, s2;
	s6 =	simm.s32 $0x108;
	_ =	swait.ge @!p0 [sflag:s8], $0x0  }
0x24: {  	s3 =	sadd.s32 $0x88, s3;
	s6 =	simm.s32 @!p1 $0x1082;
	[sflag:s4] =	ssyncset.s32 $0xFFFFF086  }
0x25: {  	[simem:s6], [sflag:s4] =	dma.local [hbm:s3], $0xF7A  }
0x26: {  	[smem:$0x3F9F] =	sst s1;
	(tag) =	ssettag s2;
	_ =	strace s9  }
0x27: {  	s1 =	sld [smem:$0x3FAF]  }
0x28: {  	s2 =	sld [smem:$0x3FB0]  }
0x29: {  	s4 =	sld [smem:$0x3FB2]  }
0x2a: {  	p0 =	seq.s32 s5, $0x0;
	s5 =	sld [smem:$0x3FB3]  }
0x2b: {  	s6 =	sld [smem:$0x3FB4]  }
0x2c: {  	s7 =	sld [smem:$0x3FB5]  }
0x2d: {  	s3 =	simm.s32 $0x108;
	s8 =	sld [smem:$0x3FB6]  }
0x2e: {  	s3 =	simm.s32 @!p0 $0x1082;
	s9 =	sld [smem:$0x3FB7]  }
0x2f: {  	lr =	sadd.s32 s0, s3;
	s0 =	sld [smem:$0x3FAE]  }
0x30: {  	s3 =	sld [smem:$0x3FB1]  }
0x31: {  	[smem:$0x3FBA] =	sst s10  }
0x32: {  	s10 =	sld [smem:$0x3FB8];
	_ =	sdelay $0x3  }
0x33: {  	p0 =	seq.s32 s10, $0x1;
	s10 =	sld [smem:$0x3FBA];
	_ =	sdelay $0x3  }
0x34: {  	[smem:$0x3FBA] =	sst s10  }
0x35: {  	s10 =	sld [smem:$0x3FB9];
	_ =	sdelay $0x3  }
0x36: {  	p1 =	seq.s32 s10, $0x1;
	s10 =	sld [smem:$0x3FBA];
	_ =	sdelay $0x3  }
0x37: {  	[smem:$0x3FBA] =	sst s10  }
0x38: {  	s10 =	sld [smem:$0x3FBB]  }
0x39: {  	_ = 	snop;
	(pc) =	sbr.ind lr, $3  }
0x3a: {  	_ = 	snop  }
0x3b: {  	_ = 	snop  }
0x3c: {  	p2 =	seq.s32 s10, $0x1;
	s10 =	sld [smem:$0x3FBA]  }
0x3d: {  	_ =	shalt  }
0x3e: {  	_ =	shalt  }
0x3f: {  	_ =	shalt  }
0x40: {  	_ =	shalt  }
0x41: {  	_ =	shalt  }
0x42: {  	_ =	shalt  }
0x43: {  	_ =	shalt  }
0x44: {  	_ =	shalt  }
0x45: {  	_ =	shalt  }
0x46: {  	_ =	shalt  }
0x47: {  	_ =	shalt  }
0x48: {  	_ =	shalt  }
0x49: {  	_ =	shalt  }
0x4a: {  	_ =	shalt  }
0x4b: {  	_ =	shalt  }
0x4c: {  	_ =	shalt  }
0x4d: {  	_ =	shalt  }
0x4e: {  	_ =	shalt  }
0x4f: {  	_ =	shalt  }
0x50: {  	_ =	shalt  }
0x51: {  	_ =	shalt  }
0x52: {  	_ =	shalt  }
0x53: {  	_ =	shalt  }
0x54: {  	_ =	shalt  }
0x55: {  	_ =	shalt  }
0x56: {  	_ =	shalt  }
0x57: {  	_ =	shalt  }
0x58: {  	_ =	shalt  }
0x59: {  	_ =	shalt  }
0x5a: {  	_ =	shalt  }
0x5b: {  	_ =	shalt  }
0x5c: {  	_ =	shalt  }
0x5d: {  	_ =	shalt  }
0x5e: {  	_ =	shalt  }
0x5f: {  	_ =	shalt  }
0x60: {  	_ =	shalt  }
0x61: {  	_ =	shalt  }
0x62: {  	_ =	shalt  }
0x63: {  	_ =	shalt  }
0x64: {  	_ =	shalt  }
0x65: {  	_ =	shalt  }
0x66: {  	_ =	shalt  }
0x67: {  	_ =	shalt  }
0x68: {  	_ =	shalt  }
0x69: {  	_ =	shalt  }
0x6a: {  	_ =	shalt  }
0x6b: {  	_ =	shalt  }
0x6c: {  	_ =	shalt  }
0x6d: {  	_ =	shalt  }
0x6e: {  	_ =	shalt  }
0x6f: {  	_ =	shalt  }
0x70: {  	_ =	shalt  }
0x71: {  	_ =	shalt  }
0x72: {  	_ =	shalt  }
0x73: {  	_ =	shalt  }
0x74: {  	_ =	shalt  }
0x75: {  	_ =	shalt  }
0x76: {  	_ =	shalt  }
0x77: {  	_ =	shalt  }
0x78: {  	_ =	shalt  }
0x79: {  	_ =	shalt  }
0x7a: {  	_ =	shalt  }
0x7b: {  	_ =	shalt  }
0x7c: {  	_ =	shalt  }
0x7d: {  	_ =	shalt  }
0x7e: {  	_ =	shalt  }
0x7f: {  	_ =	shalt  }
0x80: {  	_ =	shalt  }
0x81: {  	_ =	shalt  }
0x82: {  	_ =	shalt  }
0x83: {  	_ =	shalt  }
0x84: {  	_ =	shalt  }
0x85: {  	_ =	shalt  }
0x86: {  	_ =	shalt  }
0x87: {  	_ =	shalt  }
.Lfunc_end0:
.L_simem_size_0:
called_computation_lowered:
.L_overlay_start_0:
0x88: {  	s2 =	sld [smem:$0x3FD9]  }
0x89: {  	s3 =	sld [smem:$0x3FFE];
	_ =	sdelay $0x1  }
0x8a: {  	s1 =	srdreg.scid  }
0x8b: {  	s0 =	sand.u32 $0x1, s1  }
0x8c: {  	s17 =	sshll.u32 s0, $0xA;
	s2 =	sadd.s32 s3, s2  }
0x8d: {  	s2 =	sadd.s32 s2, s17  }
0x8e: {  	[smem:$0x3FC6] =	sst s2  }
0x8f: {  	_ = 	snop  }
0x90: {  	s2 =	sld [smem:$0x3FC8]  }
0x91: {  	s18 =	sld [smem:$0x3FD0];
	(tm) =	ssettm $0x1  }
0x92: {  	s4 =	sld [smem:$0x3FFB];
	_ =	sdelay $0x3  }
0x93: {  	_ =	strace s4  }
0x94: {  	s4 =	sld [smem:$0x3FFC];
	_ =	sdelay $0x3  }
0x95: {  	_ =	strace s4  }
0x96: {  	s4 =	sld [smem:$0x3FFD];
	_ =	sdelay $0x3  }
0x97: {  	_ =	strace s4  }
0x98: {  	_ =	strace $0x8FFFFFFF  }
0x99: {  	s19 =	sld [smem:$0x3FDB];
	_ =	sdelay $0x1  }
0x9a: {  	s5 =	simm.s32 $_scs_section_size  }
0x9b: {  	s6 =	simm.s32 $_size__tile_overlayer_lowered;
	s7 =	simm.s32 $_tile_overlayer_lowered  }
0x9c: {  	s22 =	simm.s32 $0x1BFF;
	s21 =	sshll.u32 s7, $0x1;
	s4 =	sadd.s32 s5, s19  }
0x9d: {  	s8 =	simm.s32 $0x0;
	s20 =	sshll.u32 s6, $0x1;
	s6 =	sadd.s32 s21, s4  }
0x9e: {  	[timem:s8], [sflag:s22] =	dma.local [hbm:s6], s20  }
0x9f: {  	_ =	swait.ge [sflag:s22], s20  }
0xa0: {  	s5 =	ssub.s32 $0x0, s20;
	[sflag:s22] =	ssyncset.done $0x0  }
0xa1: {  	[sflag:s22] =	ssyncadd.s32 s5;
	_ =	sdelay $0x1  }
0xa2: {  	s23 =	simm.s32 $0x1B8B  }
0xa3: {  	_ =	swait.ge [sflag:s23], $0x1  }
0xa4: {  	[sflag:s23] =	ssyncset.done $0x0  }
0xa5: {  	s25 =	simm.s32 $0x1B8E;
	s24 =	sld [smem:$0x3FFE];
	[sflag:s23] =	ssyncadd.s32 $0xFFFFFFFF  }
0xa6: {  	s26 =	simm.s32 $execute0_lowered;
	[smem:$0x3FD2] =	sst s25  }
0xa7: {  	s6 =	sshll.u32 s26, $0x1;
	_ =	strace $0x80000046;
	[dreg:$0x1] =	wrdreg $0xFFFFFFFF  }
0xa8: {  	s28 =	simm.s32 $_size_execute0_lowered;
	s4 =	sadd.s32 s4, s6;
	[dreg:$0x0] =	wrdreg $0x0  }
0xa9: {  	s6 =	sshll.u32 s28, $0x1;
	[dreg:$0x2] =	wrdreg s4  }
0xaa: {  	[dreg:$0x3] =	wrdreg s6  }
0xab: {  	[dreg:$0x4] =	wrdreg $0xC0  }
0xac: {  	_ =	task [dreg:s8], $0x5FFFF  }
0xad: {  	[dreg:$0x1] =	wrdreg $0xFFFFFFFF  }
0xae: {  	[dreg:$0x0] =	wrdreg $0x60  }
0xaf: {  	[dreg:$0x2] =	wrdreg s24  }
0xb0: {  	[dreg:$0x3] =	wrdreg s2  }
0xb1: {  	[dreg:$0x4] =	wrdreg s18  }
0xb2: {  	[dreg:$0x5] =	wrdreg $0x102000  }
0xb3: {  	[dreg:$0x6] =	wrdreg $0x9  }
0xb4: {  	_ =	task.clear_ibuf [dreg:s8], $0x7FFFF;
	_ =	strace $0x90000046  }
0xb5: {  	s29 =	simm.s32 $0x9;
	_ =	strace $0x80000048  }
0xb6: {  	_ =	swait.ge [sflag:s29], $0x1  }
0xb7: {  	[sflag:s29] =	ssyncadd.s32 $0xFFFFFFFF  }
0xb8: {  	_ =	strace $0x90000048  }
0xb9: {  	_ =	sfence  }
0xba: {  	s30 =	sld [smem:$0x0];
	_ =	sdelay $0x2  }
0xbb: {  	s31 =	sshll.u32 s1, $0xD;
	s1 =	sshrl.u32 s1, $0x2  }
0xbc: {  	s3 =	sand.u32 $0x4000, s31;
	s1 =	sadd.s32 s1, s30  }
0xbd: {  	s0 =	sor.u32 s3, s0;
	s1 =	sshll.u32 s1, $0x11  }
0xbe: {  	s0 =	sor.u32 s1, s0  }
0xbf: {  	s0 =	sadd.s32 $0x8F2B, s0  }
0xc0: {  	[sflag:s0] =	ssyncadd.remote.s32 $0x1  }
0xc1: {  	_ =	sfence.sel $0xFFFF  }
0xc2: {  	[dreg:$0x0] =	wrdreg $0xFFFFFFFF;
	(pc) =	sbr.abs _section_cstart, $3  }
0xc3: {  	[dreg:$0x1] =	wrdreg $0xFFFFFFFF  }
0xc4: {  	_ =	task.clear_ibuf [dreg:s8], $0x2FFFF;
	_ =	strace $0x9FFFFFFF  }
0xc5: {  	(tm) =	ssettm $0x7FFFFFFF  }
tec
execute0_lowered:
.L_overlay_start_1:
0x0: {  	(tag) =	ssettag $0x1  }
0x1: {  	s0 =	rddreg [dreg:$0x0]  }
0x2: {  	s9 =	rddreg [dreg:$0x1]  }
0x3: {  	s2 =	rddreg [dreg:$0x2]  }
0x4: {  	s4 =	rddreg [dreg:$0x3];
	s3 =	simm.s32 $0x0  }
0x5: {  	[smem:$0x7FF] =	sst s3;
	s22 =	sadd.s32 $0x100, s9  }
0x6: {  	s23 =	sadd.s32 $0x200, s9;
	_ =	strace $0x80000047;
	[dreg:$0x7] =	wrdreg s22  }
0x7: {  	s24 =	sadd.s32 $0x300, s9;
	[dreg:$0x8] =	wrdreg s23  }
0x8: {  	s25 =	sadd.s32 $0x400, s9;
	[dreg:$0x9] =	wrdreg s24  }
0x9: {  	s26 =	sadd.s32 $0x500, s9;
	[dreg:$0xa] =	wrdreg s25  }
0xa: {  	s28 =	sadd.s32 $0x600, s9;
	[dreg:$0xb] =	wrdreg s26  }
0xb: {  	s29 =	sadd.s32 $0x700, s9;
	[dreg:$0xc] =	wrdreg s28  }
0xc: {  	s30 =	sadd.s32 $0x800, s9;
	[dreg:$0xd] =	wrdreg s29  }
0xd: {  	s31 =	sadd.s32 $0x900, s9;
	[dreg:$0xe] =	wrdreg s30  }
0xe: {  	s1 =	srdreg.scid;
	s3 =	sadd.s32 $0xA00, s9;
	[dreg:$0xf] =	wrdreg s31  }
0xf: {  	s8 =	stileid.u32;
	s10 =	sadd.s32 $0xC00, s9;
	[dreg:$0x10] =	wrdreg s3  }
0x10: {  	s1 =	sand.u32 $0x1, s1;
	s11 =	sadd.s32 $0xD00, s9;
	[dreg:$0x12] =	wrdreg s10  }
0x11: {  	s5 =	sshll.u32 s8, $0xA;
	s12 =	sadd.s32 $0xE00, s9;
	[dreg:$0x13] =	wrdreg s11  }
0x12: {  	s13 =	sadd.s32 $0xF00, s9;
	s6 =	sshll.u32 s1, $0x9;
	[dreg:$0x14] =	wrdreg s12  }
0x13: {  	s7 =	ssub.s32 $0x2, s1;
	[dreg:$0x15] =	wrdreg s13;
	s5 =	sor.u32 s6, s5  }
0x14: {  	s21 =	sshrl.u32 s7, $0x1;
	s6 =	sshrl.u32 s5, $0x3;
	s15 =	sshll.u32 s5, $0x9  }
0x15: {  	s0 =	sadd.s32 s6, s0;
	s6 =	ssub.s32 s7, s21;
	s7 =	sadd.s32 $0xB00, s9  }
0x16: {  	s5 =	sadd.s32 s2, s15;
	[dreg:$0x11] =	wrdreg s7  }
0x17: {  	s0 =	sadd.s32 $0x400, s0;
	[dreg:$0x17] =	wrdreg s5  }
0x18: {  	s19 =	sadd.s32 $0x40, s5;
	[dreg:$0x6] =	wrdreg s0  }
0x19: {  	s20 =	sadd.s32 $0x3D000, s5;
	[dreg:$0x19] =	wrdreg s19  }
0x1a: {  	s21 =	smax.u32 s6, $0x1;
	[dreg:$0x1a] =	wrdreg s20  }
0x1b: {  	s22 =	sadd.s32 $0x3D040, s5;
	[dreg:$0x1b] =	wrdreg s21  }
0x1c: {  	s23 =	sadd.s32 $0x3E000, s5;
	[dreg:$0x1c] =	wrdreg s22  }
0x1d: {  	s24 =	sadd.s32 $0x3E040, s5;
	[dreg:$0x1d] =	wrdreg s23  }
0x1e: {  	s14 =	sshll.u32 s8, $0xF;
	s25 =	sadd.s32 $0x3F000, s5;
	[dreg:$0x1e] =	wrdreg s24  }
0x1f: {  	s16 =	sshll.u32 s8, $0x13;
	s26 =	sadd.s32 $0x3F040, s5;
	[dreg:$0x1f] =	wrdreg s25  }
0x20: {  	s17 =	sadd.s32 s16, s2;
	s7 =	sadd.s32 s14, s4;
	[smem:$0x7BF] =	sst s26  }
0x21: {  	s1 =	sshll.u32 s1, $0x12;
	s18 =	sadd.s32 $0x4000, s7;
	[dreg:$0x16] =	wrdreg s7  }
0x22: {  	s0 =	sadd.s32 s1, s17;
	[dreg:$0x18] =	wrdreg s18  }
0x23: {  	s28 =	sadd.s32 $0x200, s7;
	[dreg:$0x5] =	wrdreg s0  }
0x24: {  	s29 =	sadd.s32 $0x400, s7;
	[smem:$0x7C0] =	sst s28  }
0x25: {  	s30 =	sadd.s32 $0x600, s7;
	[smem:$0x7C1] =	sst s29  }
0x26: {  	s31 =	sadd.s32 $0x800, s7;
	[smem:$0x7C2] =	sst s30  }
0x27: {  	s1 =	sadd.s32 $0xA00, s7;
	[smem:$0x7C3] =	sst s31  }
0x28: {  	s2 =	sadd.s32 $0xC00, s7;
	[smem:$0x7C4] =	sst s1  }
0x29: {  	s3 =	sadd.s32 $0xE00, s7;
	[smem:$0x7C5] =	sst s2  }
0x2a: {  	s4 =	sadd.s32 $0x1000, s7;
	[smem:$0x7C6] =	sst s3  }
0x2b: {  	s5 =	sadd.s32 $0x1200, s7;
	[smem:$0x7C7] =	sst s4  }
0x2c: {  	s6 =	sadd.s32 $0x1400, s7;
	[smem:$0x7C8] =	sst s5  }
0x2d: {  	s8 =	sadd.s32 $0x1600, s7;
	[smem:$0x7C9] =	sst s6  }
0x2e: {  	s9 =	sadd.s32 $0x1800, s7;
	[smem:$0x7CA] =	sst s8  }
0x2f: {  	s10 =	sadd.s32 $0x1A00, s7;
	[smem:$0x7CB] =	sst s9  }
0x30: {  	s11 =	sadd.s32 $0x1C00, s7;
	[smem:$0x7CC] =	sst s10  }
0x31: {  	s12 =	sadd.s32 $0x1E00, s7;
	[smem:$0x7CD] =	sst s11  }
0x32: {  	s13 =	sadd.s32 $0x2000, s7;
	[smem:$0x7CE] =	sst s12  }
0x33: {  	s14 =	sadd.s32 $0x2200, s7;
	[smem:$0x7CF] =	sst s13  }
0x34: {  	s15 =	sadd.s32 $0x2400, s7;
	[smem:$0x7D0] =	sst s14  }
0x35: {  	s16 =	sadd.s32 $0x2600, s7;
	[smem:$0x7D1] =	sst s15  }
0x36: {  	s17 =	sadd.s32 $0x2800, s7;
	[smem:$0x7D2] =	sst s16  }
0x37: {  	s19 =	sadd.s32 $0x2C00, s7;
	[smem:$0x7D3] =	sst s17  }
0x38: {  	s20 =	sadd.s32 $0x2E00, s7;
	[smem:$0x7D5] =	sst s19  }
0x39: {  	s21 =	sadd.s32 $0x3000, s7;
	[smem:$0x7D6] =	sst s20  }
0x3a: {  	s22 =	sadd.s32 $0x3200, s7;
	[smem:$0x7D7] =	sst s21  }
0x3b: {  	s23 =	sadd.s32 $0x3400, s7;
	[smem:$0x7D8] =	sst s22  }
0x3c: {  	s24 =	sadd.s32 $0x3600, s7;
	[smem:$0x7D9] =	sst s23  }
0x3d: {  	s25 =	sadd.s32 $0x3800, s7;
	[smem:$0x7DA] =	sst s24  }
0x3e: {  	s26 =	sadd.s32 $0x3A00, s7;
	[smem:$0x7DB] =	sst s25  }
0x3f: {  	s18 =	sadd.s32 $0x2A00, s7;
	[smem:$0x7DC] =	sst s26  }
0x40: {  	s28 =	sadd.s32 $0x3C00, s7;
	[smem:$0x7D4] =	sst s18  }
0x41: {  	s29 =	sadd.s32 $0x3E00, s7;
	[smem:$0x7DD] =	sst s28  }
0x42: {  	s30 =	sadd.s32 $0x4200, s7;
	[smem:$0x7DE] =	sst s29  }
0x43: {  	s31 =	sadd.s32 $0x4400, s7;
	[smem:$0x7DF] =	sst s30  }
0x44: {  	s1 =	sadd.s32 $0x4600, s7;
	[smem:$0x7E0] =	sst s31  }
0x45: {  	s2 =	sadd.s32 $0x4800, s7;
	[smem:$0x7E1] =	sst s1  }
0x46: {  	s3 =	sadd.s32 $0x4A00, s7;
	[smem:$0x7E2] =	sst s2  }
0x47: {  	s4 =	sadd.s32 $0x4C00, s7;
	[smem:$0x7E3] =	sst s3  }
0x48: {  	s5 =	sadd.s32 $0x4E00, s7;
	[smem:$0x7E4] =	sst s4  }
0x49: {  	s6 =	sadd.s32 $0x5000, s7;
	[smem:$0x7E5] =	sst s5  }
0x4a: {  	s8 =	sadd.s32 $0x5200, s7;
	[smem:$0x7E6] =	sst s6  }
0x4b: {  	s9 =	sadd.s32 $0x5400, s7;
	[smem:$0x7E7] =	sst s8  }
0x4c: {  	s10 =	sadd.s32 $0x5600, s7;
	[smem:$0x7E8] =	sst s9  }
0x4d: {  	s11 =	sadd.s32 $0x5800, s7;
	[smem:$0x7E9] =	sst s10  }
0x4e: {  	s12 =	sadd.s32 $0x5A00, s7;
	[smem:$0x7EA] =	sst s11  }
0x4f: {  	s13 =	sadd.s32 $0x5C00, s7;
	[smem:$0x7EB] =	sst s12  }
0x50: {  	s14 =	sadd.s32 $0x5E00, s7;
	[smem:$0x7EC] =	sst s13  }
0x51: {  	s15 =	sadd.s32 $0x6000, s7;
	[smem:$0x7ED] =	sst s14  }
0x52: {  	s16 =	sadd.s32 $0x6200, s7;
	[smem:$0x7EE] =	sst s15  }
0x53: {  	s17 =	sadd.s32 $0x6400, s7;
	[smem:$0x7EF] =	sst s16  }
0x54: {  	s19 =	sadd.s32 $0x6800, s7;
	[smem:$0x7F0] =	sst s17  }
0x55: {  	s20 =	sadd.s32 $0x6A00, s7;
	[smem:$0x7F2] =	sst s19  }
0x56: {  	s21 =	sadd.s32 $0x6C00, s7;
	[smem:$0x7F3] =	sst s20  }
0x57: {  	s22 =	sadd.s32 $0x6E00, s7;
	[smem:$0x7F4] =	sst s21  }
0x58: {  	s23 =	sadd.s32 $0x7000, s7;
	[smem:$0x7F5] =	sst s22  }
0x59: {  	s24 =	sadd.s32 $0x7200, s7;
	[smem:$0x7F6] =	sst s23  }
0x5a: {  	s25 =	sadd.s32 $0x7400, s7;
	[smem:$0x7F7] =	sst s24  }
0x5b: {  	s26 =	sadd.s32 $0x7600, s7;
	[smem:$0x7F8] =	sst s25  }
0x5c: {  	s18 =	sadd.s32 $0x6600, s7;
	[smem:$0x7F9] =	sst s26  }
0x5d: {  	s28 =	sadd.s32 $0x7800, s7;
	s29 =	sadd.s32 $0x7A00, s7;
	s30 =	sadd.s32 $0x7C00, s7  }
0x5e: {  	s31 =	sadd.s32 $0x7E00, s7;
	s4 =	simm.s32 $0xC200;
	[smem:$0x7F1] =	sst s18  }
0x5f: {  	s20 =	simm.s32 $0xCA00;
	s19 =	simm.s32 $0xD200;
	[smem:$0x7FA] =	sst s28  }
0x60: {  	v0 =	vlaneseq.u32;
	s21 =	simm.s32 $0xDA00;
	s23 =	simm.s32 $0xE200;
	[smem:$0x7FB] =	sst s29  }
0x61: {  	v1 =	vshrl.u32 v0, $0x3;
	s24 =	simm.s32 $0xEA00;
	s25 =	simm.s32 $0xF200;
	[smem:$0x7FC] =	sst s30  }
0x62: {  	vm0 =	vmmov $0xffff;
	v0 =	vand.u32 $0x7, v0;
	v1 =	vmul.u32 $0x8, v1;
	s26 =	simm.s32 $0xFA00;
	s1 =	simm.s32 $0x0;
	[smem:$0x7FD] =	sst s31  }
.LBB2_1:
0x63: {  	[smem:$0x7BA] =	sst s1  }
0x64: {  	s10 =	rddreg [dreg:$0x6];
	s3 =	simm.s32 $0x0;
	s0 =	simm.s32 $0x6  }
0x65: {  	[tilespmem:s3], [sflag:$0x6] =	stream.linear.gather [hbm4b:s10+s3], $0x200, $0x38;
	[tilespmem:$0x18200] =	vst v63  }
0x66: {  	_ =	swait.ge [sflag:s0], $0x200  }
0x67: {  	[sflag:s0] =	ssyncset.done $0x0  }
0x68: {  	[sflag:s0] =	ssyncadd.s32 $0xFFFFFE00  }
0x69: {  	v2 =	vld.msk [tilespmem:$0x0], $0xff;
	_ =	sdelay $0x4  }
0x6a: {  	v3 =	vshll.u32 v2, $0x5  }
0x6b: {  	v2 =	vand.u32 $0x7, v2;
	v3 =	vand.u32 $0xFFFFFF00, v3  }
0x6c: {  	v2 =	vor.u32 v2, v3  }
0x6d: {  	v2 =	vperm.xlane v2, v0;
	_ =	sdelay $0x1  }
0x6e: {  	v2 =	vadd.s32 v1, v2;
	_ =	sdelay $0x3  }
0x6f: {  	s11 =	simm.s32 $0x200;
	s5 =	rddreg [dreg:$0x1]  }
0x70: {  	[tilespmem:s11], [sflag:$0x1] =	stream.indirect_vreg.gather [hbm4b:s5+s3], $0x80, v2, vm0, $0xb8;
	[tilespmem:$0x18200] =	vst v63  }
0x71: {  	s12 =	simm.s32 $0xA00;
	s6 =	rddreg [dreg:$0x7]  }
0x72: {  	[tilespmem:s12], [sflag:$0x1] =	stream.indirect_vreg.gather [hbm4b:s6+s3], $0x80, v2, vm0, $0xb8;
	[tilespmem:$0x18200] =	vst v63  }
0x73: {  	s13 =	simm.s32 $0x1200;
	s7 =	rddreg [dreg:$0x8]  }
0x74: {  	[tilespmem:s13], [sflag:$0x1] =	stream.indirect_vreg.gather [hbm4b:s7+s3], $0x80, v2, vm0, $0xb8;
	[tilespmem:$0x18200] =	vst v63  }
0x75: {  	s14 =	simm.s32 $0x1A00;
	s8 =	rddreg [dreg:$0x9]  }
0x76: {  	[tilespmem:s14], [sflag:$0x1] =	stream.indirect_vreg.gather [hbm4b:s8+s3], $0x80, v2, vm0, $0xb8;
	[tilespmem:$0x18200] =	vst v63  }
0x77: {  	s15 =	simm.s32 $0x2200;
	s9 =	rddreg [dreg:$0xa]  }
0x78: {  	[tilespmem:s15], [sflag:$0x1] =	stream.indirect_vreg.gather [hbm4b:s9+s3], $0x80, v2, vm0, $0xb8;
	[tilespmem:$0x18200] =	vst v63  }
0x79: {  	s16 =	simm.s32 $0x2A00;
	s10 =	rddreg [dreg:$0xb]  }
0x7a: {  	[tilespmem:s16], [sflag:$0x1] =	stream.indirect_vreg.gather [hbm4b:s10+s3], $0x80, v2, vm0, $0xb8;
	[tilespmem:$0x18200] =	vst v63  }
0x7b: {  	s17 =	simm.s32 $0x3200;
	s11 =	rddreg [dreg:$0xc]  }
0x7c: {  	[tilespmem:s17], [sflag:$0x1] =	stream.indirect_vreg.gather [hbm4b:s11+s3], $0x80, v2, vm0, $0xb8;
	[tilespmem:$0x18200] =	vst v63  }
0x7d: {  	s28 =	simm.s32 $0x3A00;
	s12 =	rddreg [dreg:$0xd]  }
0x7e: {  	[tilespmem:s28], [sflag:$0x1] =	stream.indirect_vreg.gather [hbm4b:s12+s3], $0x80, v2, vm0, $0xb8;
	[tilespmem:$0x18200] =	vst v63  }
0x7f: {  	s29 =	simm.s32 $0x4200;
	s13 =	rddreg [dreg:$0xe]  }
0x80: {  	[tilespmem:s29], [sflag:$0x1] =	stream.indirect_vreg.gather [hbm4b:s13+s3], $0x80, v2, vm0, $0xb8;
	[tilespmem:$0x18200] =	vst v63  }
0x81: {  	s30 =	simm.s32 $0x4A00;
	s14 =	rddreg [dreg:$0xf]  }
0x82: {  	[tilespmem:s30], [sflag:$0x1] =	stream.indirect_vreg.gather [hbm4b:s14+s3], $0x80, v2, vm0, $0xb8;
	[tilespmem:$0x18200] =	vst v63  }
0x83: {  	s31 =	simm.s32 $0x5200;
	s15 =	rddreg [dreg:$0x10]  }
0x84: {  	[tilespmem:s31], [sflag:$0x1] =	stream.indirect_vreg.gather [hbm4b:s15+s3], $0x80, v2, vm0, $0xb8;
	[tilespmem:$0x18200] =	vst v63  }
0x85: {  	s18 =	simm.s32 $0x5A00;
	s16 =	rddreg [dreg:$0x11]  }
0x86: {  	[tilespmem:s18], [sflag:$0x1] =	stream.indirect_vreg.gather [hbm4b:s16+s3], $0x80, v2, vm0, $0xb8;
	[tilespmem:$0x18200] =	vst v63  }
0x87: {  	s1 =	simm.s32 $0x6200;
	s17 =	rddreg [dreg:$0x12]  }
0x88: {  	[tilespmem:s1], [sflag:$0x1] =	stream.indirect_vreg.gather [hbm4b:s17+s3], $0x80, v2, vm0, $0xb8;
	[tilespmem:$0x18200] =	vst v63  }
0x89: {  	s2 =	simm.s32 $0x6A00;
	s18 =	rddreg [dreg:$0x13]  }
0x8a: {  	[tilespmem:s2], [sflag:$0x1] =	stream.indirect_vreg.gather [hbm4b:s18+s3], $0x80, v2, vm0, $0xb8;
	[tilespmem:$0x18200] =	vst v63  }
0x8b: {  	s1 =	simm.s32 $0x7200;
	s2 =	rddreg [dreg:$0x14]  }
0x8c: {  	[tilespmem:s1], [sflag:$0x1] =	stream.indirect_vreg.gather [hbm4b:s2+s3], $0x80, v2, vm0, $0xb8;
	[tilespmem:$0x18200] =	vst v63  }
0x8d: {  	s0 =	rddreg [dreg:$0x15];
	s1 =	simm.s32 $0x7A00  }
0x8e: {  	[tilespmem:s1], [sflag:$0x1] =	stream.indirect_vreg.gather [hbm4b:s0+s3], $0x80, v2, vm0, $0xb8;
	[tilespmem:$0x18200] =	vst v63  }
0x8f: {  	v2 =	vld.msk [tilespmem:$0x8], $0xff;
	_ =	sdelay $0x4  }
0x90: {  	v3 =	vshll.u32 v2, $0x5  }
0x91: {  	v2 =	vand.u32 $0x7, v2;
	v3 =	vand.u32 $0xFFFFFF00, v3  }
0x92: {  	v2 =	vor.u32 v2, v3  }
0x93: {  	v2 =	vperm.xlane v2, v0;
	_ =	sdelay $0x1  }
0x94: {  	v2 =	vadd.s32 v1, v2;
	_ =	sdelay $0x3  }
0x95: {  	s1 =	simm.s32 $0x8200  }
0x96: {  	[tilespmem:s1], [sflag:$0x2] =	stream.indirect_vreg.gather [hbm4b:s5+s3], $0x80, v2, vm0, $0xb8;
	[tilespmem:$0x18200] =	vst v63  }
0x97: {  	s1 =	simm.s32 $0x8A00  }
0x98: {  	[tilespmem:s1], [sflag:$0x2] =	stream.indirect_vreg.gather [hbm4b:s6+s3], $0x80, v2, vm0, $0xb8;
	[tilespmem:$0x18200] =	vst v63  }
0x99: {  	s1 =	simm.s32 $0x9200  }
0x9a: {  	[tilespmem:s1], [sflag:$0x2] =	stream.indirect_vreg.gather [hbm4b:s7+s3], $0x80, v2, vm0, $0xb8;
	[tilespmem:$0x18200] =	vst v63  }
0x9b: {  	s1 =	simm.s32 $0x9A00  }
0x9c: {  	[tilespmem:s1], [sflag:$0x2] =	stream.indirect_vreg.gather [hbm4b:s8+s3], $0x80, v2, vm0, $0xb8;
	[tilespmem:$0x18200] =	vst v63  }
0x9d: {  	s1 =	simm.s32 $0xA200  }
0x9e: {  	[tilespmem:s1], [sflag:$0x2] =	stream.indirect_vreg.gather [hbm4b:s9+s3], $0x80, v2, vm0, $0xb8;
	[tilespmem:$0x18200] =	vst v63  }
0x9f: {  	s1 =	simm.s32 $0xAA00  }
0xa0: {  	[tilespmem:s1], [sflag:$0x2] =	stream.indirect_vreg.gather [hbm4b:s10+s3], $0x80, v2, vm0, $0xb8;
	[tilespmem:$0x18200] =	vst v63  }
0xa1: {  	s1 =	simm.s32 $0xB200  }
0xa2: {  	[tilespmem:s1], [sflag:$0x2] =	stream.indirect_vreg.gather [hbm4b:s11+s3], $0x80, v2, vm0, $0xb8;
	[tilespmem:$0x18200] =	vst v63  }
0xa3: {  	s1 =	simm.s32 $0xBA00  }
0xa4: {  	[tilespmem:s1], [sflag:$0x2] =	stream.indirect_vreg.gather [hbm4b:s12+s3], $0x80, v2, vm0, $0xb8;
	[tilespmem:$0x18200] =	vst v63  }
0xa5: {  	_ = 	snop  }
0xa6: {  	[tilespmem:s4], [sflag:$0x2] =	stream.indirect_vreg.gather [hbm4b:s13+s3], $0x80, v2, vm0, $0xb8;
	[tilespmem:$0x18200] =	vst v63  }
0xa7: {  	_ = 	snop  }
0xa8: {  	[tilespmem:s20], [sflag:$0x2] =	stream.indirect_vreg.gather [hbm4b:s14+s3], $0x80, v2, vm0, $0xb8;
	[tilespmem:$0x18200] =	vst v63  }
0xa9: {  	_ = 	snop  }
0xaa: {  	[tilespmem:s19], [sflag:$0x2] =	stream.indirect_vreg.gather [hbm4b:s15+s3], $0x80, v2, vm0, $0xb8;
	[tilespmem:$0x18200] =	vst v63  }
0xab: {  	_ = 	snop  }
0xac: {  	[tilespmem:s21], [sflag:$0x2] =	stream.indirect_vreg.gather [hbm4b:s16+s3], $0x80, v2, vm0, $0xb8;
	[tilespmem:$0x18200] =	vst v63  }
0xad: {  	_ = 	snop  }
0xae: {  	[tilespmem:s23], [sflag:$0x2] =	stream.indirect_vreg.gather [hbm4b:s17+s3], $0x80, v2, vm0, $0xb8;
	[tilespmem:$0x18200] =	vst v63  }
0xaf: {  	_ = 	snop  }
0xb0: {  	[tilespmem:s24], [sflag:$0x2] =	stream.indirect_vreg.gather [hbm4b:s18+s3], $0x80, v2, vm0, $0xb8;
	[tilespmem:$0x18200] =	vst v63  }
0xb1: {  	_ = 	snop  }
0xb2: {  	[tilespmem:s25], [sflag:$0x2] =	stream.indirect_vreg.gather [hbm4b:s2+s3], $0x80, v2, vm0, $0xb8;
	[tilespmem:$0x18200] =	vst v63  }
0xb3: {  	s25 =	simm.s32 $0x1  }
0xb4: {  	[tilespmem:s26], [sflag:$0x2] =	stream.indirect_vreg.gather [hbm4b:s0+s3], $0x80, v2, vm0, $0xb8;
	[tilespmem:$0x18200] =	vst v63  }
0xb5: {  	_ =	swait.ge [sflag:s25], $0x8000  }
0xb6: {  	[sflag:s25] =	ssyncset.done $0x0;
	s4 =	rddreg [dreg:$0x16]  }
0xb7: {  	s26 =	simm.s32 $0x200;
	s19 =	sld [smem:$0x7C0];
	[sflag:s25] =	ssyncadd.s32 $0xFFFF8000  }
0xb8: {  	[spmem:s4] =	stream.linear.scatter [tilespmem:s26], [sflag:$0x3], $0x200, $0x38;
	[tilespmem:$0x18200] =	vst v63  }
0xb9: {  	s20 =	simm.s32 $0x600;
	s21 =	sld [smem:$0x7C1]  }
0xba: {  	[spmem:s19] =	stream.linear.scatter [tilespmem:s20], [sflag:$0x3], $0x200, $0x38;
	[tilespmem:$0x18200] =	vst v63  }
0xbb: {  	s22 =	simm.s32 $0xA00;
	s23 =	sld [smem:$0x7C2]  }
0xbc: {  	[spmem:s21] =	stream.linear.scatter [tilespmem:s22], [sflag:$0x3], $0x200, $0x38;
	[tilespmem:$0x18200] =	vst v63  }
0xbd: {  	s24 =	simm.s32 $0xE00;
	s25 =	sld [smem:$0x7C3]  }
0xbe: {  	[spmem:s23] =	stream.linear.scatter [tilespmem:s24], [sflag:$0x3], $0x200, $0x38;
	[tilespmem:$0x18200] =	vst v63  }
0xbf: {  	s26 =	simm.s32 $0x1200;
	s19 =	sld [smem:$0x7C4]  }
0xc0: {  	[spmem:s25] =	stream.linear.scatter [tilespmem:s26], [sflag:$0x3], $0x200, $0x38;
	[tilespmem:$0x18200] =	vst v63  }
0xc1: {  	s20 =	simm.s32 $0x1600;
	s21 =	sld [smem:$0x7C5]  }
0xc2: {  	[spmem:s19] =	stream.linear.scatter [tilespmem:s20], [sflag:$0x3], $0x200, $0x38;
	[tilespmem:$0x18200] =	vst v63  }
0xc3: {  	s22 =	simm.s32 $0x1A00;
	s23 =	sld [smem:$0x7C6]  }
0xc4: {  	[spmem:s21] =	stream.linear.scatter [tilespmem:s22], [sflag:$0x3], $0x200, $0x38;
	[tilespmem:$0x18200] =	vst v63  }
0xc5: {  	s24 =	simm.s32 $0x1E00;
	s25 =	sld [smem:$0x7C7]  }
0xc6: {  	[spmem:s23] =	stream.linear.scatter [tilespmem:s24], [sflag:$0x3], $0x200, $0x38;
	[tilespmem:$0x18200] =	vst v63  }
0xc7: {  	s26 =	simm.s32 $0x2200;
	s19 =	sld [smem:$0x7C8]  }
0xc8: {  	[spmem:s25] =	stream.linear.scatter [tilespmem:s26], [sflag:$0x3], $0x200, $0x38;
	[tilespmem:$0x18200] =	vst v63  }
0xc9: {  	s20 =	simm.s32 $0x2600;
	s21 =	sld [smem:$0x7C9]  }
0xca: {  	[spmem:s19] =	stream.linear.scatter [tilespmem:s20], [sflag:$0x3], $0x200, $0x38;
	[tilespmem:$0x18200] =	vst v63  }
0xcb: {  	s22 =	simm.s32 $0x2A00;
	s23 =	sld [smem:$0x7CA]  }
0xcc: {  	[spmem:s21] =	stream.linear.scatter [tilespmem:s22], [sflag:$0x3], $0x200, $0x38;
	[tilespmem:$0x18200] =	vst v63  }
0xcd: {  	s24 =	simm.s32 $0x2E00;
	s25 =	sld [smem:$0x7CB]  }
0xce: {  	[spmem:s23] =	stream.linear.scatter [tilespmem:s24], [sflag:$0x3], $0x200, $0x38;
	[tilespmem:$0x18200] =	vst v63  }
0xcf: {  	s26 =	simm.s32 $0x3200;
	s19 =	sld [smem:$0x7CC]  }
0xd0: {  	[spmem:s25] =	stream.linear.scatter [tilespmem:s26], [sflag:$0x3], $0x200, $0x38;
	[tilespmem:$0x18200] =	vst v63  }
0xd1: {  	s20 =	simm.s32 $0x3600;
	s21 =	sld [smem:$0x7CD]  }
0xd2: {  	[spmem:s19] =	stream.linear.scatter [tilespmem:s20], [sflag:$0x3], $0x200, $0x38;
	[tilespmem:$0x18200] =	vst v63  }
0xd3: {  	s22 =	sld [smem:$0x7CE]  }
0xd4: {  	[spmem:s21] =	stream.linear.scatter [tilespmem:s28], [sflag:$0x3], $0x200, $0x38;
	[tilespmem:$0x18200] =	vst v63  }
0xd5: {  	s23 =	simm.s32 $0x3E00;
	s24 =	sld [smem:$0x7CF]  }
0xd6: {  	[spmem:s22] =	stream.linear.scatter [tilespmem:s23], [sflag:$0x3], $0x200, $0x38;
	[tilespmem:$0x18200] =	vst v63  }
0xd7: {  	s25 =	sld [smem:$0x7D0]  }
0xd8: {  	[spmem:s24] =	stream.linear.scatter [tilespmem:s29], [sflag:$0x3], $0x200, $0x38;
	[tilespmem:$0x18200] =	vst v63  }
0xd9: {  	s26 =	simm.s32 $0x4600;
	s19 =	sld [smem:$0x7D1]  }
0xda: {  	[spmem:s25] =	stream.linear.scatter [tilespmem:s26], [sflag:$0x3], $0x200, $0x38;
	[tilespmem:$0x18200] =	vst v63  }
0xdb: {  	s20 =	sld [smem:$0x7D2]  }
0xdc: {  	[spmem:s19] =	stream.linear.scatter [tilespmem:s30], [sflag:$0x3], $0x200, $0x38;
	[tilespmem:$0x18200] =	vst v63  }
0xdd: {  	s21 =	simm.s32 $0x4E00;
	s22 =	sld [smem:$0x7D3]  }
0xde: {  	[spmem:s20] =	stream.linear.scatter [tilespmem:s21], [sflag:$0x3], $0x200, $0x38;
	[tilespmem:$0x18200] =	vst v63  }
0xdf: {  	s23 =	sld [smem:$0x7D4]  }
0xe0: {  	[spmem:s22] =	stream.linear.scatter [tilespmem:s31], [sflag:$0x3], $0x200, $0x38;
	[tilespmem:$0x18200] =	vst v63  }
0xe1: {  	s24 =	simm.s32 $0x5600;
	s25 =	sld [smem:$0x7D5]  }
0xe2: {  	[spmem:s23] =	stream.linear.scatter [tilespmem:s24], [sflag:$0x3], $0x200, $0x38;
	[tilespmem:$0x18200] =	vst v63  }
0xe3: {  	s26 =	simm.s32 $0x5A00;
	s19 =	sld [smem:$0x7D6]  }
0xe4: {  	[spmem:s25] =	stream.linear.scatter [tilespmem:s26], [sflag:$0x3], $0x200, $0x38;
	[tilespmem:$0x18200] =	vst v63  }
0xe5: {  	s20 =	simm.s32 $0x5E00;
	s21 =	sld [smem:$0x7D7]  }
0xe6: {  	[spmem:s19] =	stream.linear.scatter [tilespmem:s20], [sflag:$0x3], $0x200, $0x38;
	[tilespmem:$0x18200] =	vst v63  }
0xe7: {  	s22 =	simm.s32 $0x6200;
	s23 =	sld [smem:$0x7D8]  }
0xe8: {  	[spmem:s21] =	stream.linear.scatter [tilespmem:s22], [sflag:$0x3], $0x200, $0x38;
	[tilespmem:$0x18200] =	vst v63  }
0xe9: {  	s24 =	simm.s32 $0x6600;
	s25 =	sld [smem:$0x7D9]  }
0xea: {  	[spmem:s23] =	stream.linear.scatter [tilespmem:s24], [sflag:$0x3], $0x200, $0x38;
	[tilespmem:$0x18200] =	vst v63  }
0xeb: {  	s26 =	simm.s32 $0x6A00;
	s20 =	sld [smem:$0x7DA]  }
0xec: {  	[spmem:s25] =	stream.linear.scatter [tilespmem:s26], [sflag:$0x3], $0x200, $0x38;
	[tilespmem:$0x18200] =	vst v63  }
0xed: {  	s21 =	simm.s32 $0x6E00;
	s22 =	sld [smem:$0x7DB]  }
0xee: {  	[spmem:s20] =	stream.linear.scatter [tilespmem:s21], [sflag:$0x3], $0x200, $0x38;
	[tilespmem:$0x18200] =	vst v63  }
0xef: {  	s23 =	simm.s32 $0x7200;
	s24 =	sld [smem:$0x7DC]  }
0xf0: {  	[spmem:s22] =	stream.linear.scatter [tilespmem:s23], [sflag:$0x3], $0x200, $0x38;
	[tilespmem:$0x18200] =	vst v63  }
0xf1: {  	s19 =	sld [smem:$0x7DD];
	s25 =	simm.s32 $0x7600  }
0xf2: {  	[spmem:s24] =	stream.linear.scatter [tilespmem:s25], [sflag:$0x3], $0x200, $0x38;
	[tilespmem:$0x18200] =	vst v63  }
0xf3: {  	s20 =	simm.s32 $0x7A00;
	s21 =	sld [smem:$0x7DE]  }
0xf4: {  	[spmem:s19] =	stream.linear.scatter [tilespmem:s20], [sflag:$0x3], $0x200, $0x38;
	[tilespmem:$0x18200] =	vst v63  }
0xf5: {  	s22 =	simm.s32 $0x7E00;
	s23 =	stileid.u32;
	s20 =	simm.s32 $0x3  }
0xf6: {  	[spmem:s21] =	stream.linear.scatter [tilespmem:s22], [sflag:$0x3], $0x200, $0x38;
	[tilespmem:$0x18200] =	vst v63  }
0xf7: {  	s1 =	sshll.u32 s23, $0x6;
	s23 =	simm.s32 $0x40;
	_ =	swait.ge [sflag:s20], $0x4000  }
0xf8: {  	s24 =	sshrl.u32 s4, $0x3;
	s19 =	sor.u32 $0x1C04, s1;
	s4 =	rddreg [dreg:$0x17]  }
0xf9: {  	s21 =	simm.s32 $0x4;
	[sflag:s20] =	ssyncset.done $0x0;
	[smem:$0x7BB] =	sst s19  }
0xfa: {  	s22 =	simm.s32 $0x80;
	[smem:$0x7BC] =	sst s24;
	[sflag:s20] =	ssyncadd.s32 $0xFFFFC000  }
0xfb: {  	[hbm:s4@s22], [sflag:s19] =	dma.strided [spmem:s24@s23], $0x800, s21, $0x10   }
0xfc: {  	s4 =	rddreg [dreg:$0x18]  }
0xfd: {  	s24 =	simm.s32 $0x400;
	s19 =	sld [smem:$0x7DF]  }
0xfe: {  	[spmem:s4] =	stream.linear.scatter [tilespmem:s24], [sflag:$0x3], $0x200, $0x38;
	[tilespmem:$0x18200] =	vst v63  }
0xff: {  	s24 =	simm.s32 $0x800  }
0x100: {  	[spmem:s19] =	stream.linear.scatter [tilespmem:s24], [sflag:$0x3], $0x200, $0x38;
	[tilespmem:$0x18200] =	vst v63  }
0x101: {  	s19 =	sld [smem:$0x7E0];
	_ =	sdelay $0x1  }
0x102: {  	s24 =	simm.s32 $0xC00  }
0x103: {  	[spmem:s19] =	stream.linear.scatter [tilespmem:s24], [sflag:$0x3], $0x200, $0x38;
	[tilespmem:$0x18200] =	vst v63  }
0x104: {  	s19 =	sld [smem:$0x7E1];
	_ =	sdelay $0x1  }
0x105: {  	s24 =	simm.s32 $0x1000  }
0x106: {  	[spmem:s19] =	stream.linear.scatter [tilespmem:s24], [sflag:$0x3], $0x200, $0x38;
	[tilespmem:$0x18200] =	vst v63  }
0x107: {  	s19 =	sld [smem:$0x7E2];
	_ =	sdelay $0x1  }
0x108: {  	s24 =	simm.s32 $0x1400  }
0x109: {  	[spmem:s19] =	stream.linear.scatter [tilespmem:s24], [sflag:$0x3], $0x200, $0x38;
	[tilespmem:$0x18200] =	vst v63  }
0x10a: {  	s19 =	sld [smem:$0x7E3];
	_ =	sdelay $0x1  }
0x10b: {  	s24 =	simm.s32 $0x1800  }
0x10c: {  	[spmem:s19] =	stream.linear.scatter [tilespmem:s24], [sflag:$0x3], $0x200, $0x38;
	[tilespmem:$0x18200] =	vst v63  }
0x10d: {  	s19 =	sld [smem:$0x7E4];
	_ =	sdelay $0x1  }
0x10e: {  	s24 =	simm.s32 $0x1C00  }
0x10f: {  	[spmem:s19] =	stream.linear.scatter [tilespmem:s24], [sflag:$0x3], $0x200, $0x38;
	[tilespmem:$0x18200] =	vst v63  }
0x110: {  	s19 =	sld [smem:$0x7E5];
	_ =	sdelay $0x1  }
0x111: {  	s24 =	simm.s32 $0x2000  }
0x112: {  	[spmem:s19] =	stream.linear.scatter [tilespmem:s24], [sflag:$0x3], $0x200, $0x38;
	[tilespmem:$0x18200] =	vst v63  }
0x113: {  	s19 =	sld [smem:$0x7E6];
	_ =	sdelay $0x1  }
0x114: {  	s24 =	simm.s32 $0x2400  }
0x115: {  	[spmem:s19] =	stream.linear.scatter [tilespmem:s24], [sflag:$0x3], $0x200, $0x38;
	[tilespmem:$0x18200] =	vst v63  }
0x116: {  	s19 =	sld [smem:$0x7E7];
	_ =	sdelay $0x1  }
0x117: {  	s24 =	simm.s32 $0x2800  }
0x118: {  	[spmem:s19] =	stream.linear.scatter [tilespmem:s24], [sflag:$0x3], $0x200, $0x38;
	[tilespmem:$0x18200] =	vst v63  }
0x119: {  	s19 =	sld [smem:$0x7E8];
	_ =	sdelay $0x1  }
0x11a: {  	s24 =	simm.s32 $0x2C00  }
0x11b: {  	[spmem:s19] =	stream.linear.scatter [tilespmem:s24], [sflag:$0x3], $0x200, $0x38;
	[tilespmem:$0x18200] =	vst v63  }
0x11c: {  	s19 =	sld [smem:$0x7E9];
	_ =	sdelay $0x1  }
0x11d: {  	s24 =	simm.s32 $0x3000  }
0x11e: {  	[spmem:s19] =	stream.linear.scatter [tilespmem:s24], [sflag:$0x3], $0x200, $0x38;
	[tilespmem:$0x18200] =	vst v63  }
0x11f: {  	s19 =	sld [smem:$0x7EA];
	_ =	sdelay $0x1  }
0x120: {  	s24 =	simm.s32 $0x3400  }
0x121: {  	[spmem:s19] =	stream.linear.scatter [tilespmem:s24], [sflag:$0x3], $0x200, $0x38;
	[tilespmem:$0x18200] =	vst v63  }
0x122: {  	s19 =	sld [smem:$0x7EB];
	_ =	sdelay $0x1  }
0x123: {  	s24 =	simm.s32 $0x3800  }
0x124: {  	[spmem:s19] =	stream.linear.scatter [tilespmem:s24], [sflag:$0x3], $0x200, $0x38;
	[tilespmem:$0x18200] =	vst v63  }
0x125: {  	s19 =	sld [smem:$0x7EC];
	_ =	sdelay $0x1  }
0x126: {  	s24 =	simm.s32 $0x3C00  }
0x127: {  	[spmem:s19] =	stream.linear.scatter [tilespmem:s24], [sflag:$0x3], $0x200, $0x38;
	[tilespmem:$0x18200] =	vst v63  }
0x128: {  	s19 =	sld [smem:$0x7ED];
	_ =	sdelay $0x1  }
0x129: {  	s24 =	simm.s32 $0x4000  }
0x12a: {  	[spmem:s19] =	stream.linear.scatter [tilespmem:s24], [sflag:$0x3], $0x200, $0x38;
	[tilespmem:$0x18200] =	vst v63  }
0x12b: {  	s19 =	sld [smem:$0x7EE];
	_ =	sdelay $0x1  }
0x12c: {  	s24 =	simm.s32 $0x4400  }
0x12d: {  	[spmem:s19] =	stream.linear.scatter [tilespmem:s24], [sflag:$0x3], $0x200, $0x38;
	[tilespmem:$0x18200] =	vst v63  }
0x12e: {  	s19 =	sld [smem:$0x7EF];
	_ =	sdelay $0x1  }
0x12f: {  	s24 =	simm.s32 $0x4800  }
0x130: {  	[spmem:s19] =	stream.linear.scatter [tilespmem:s24], [sflag:$0x3], $0x200, $0x38;
	[tilespmem:$0x18200] =	vst v63  }
0x131: {  	s19 =	sld [smem:$0x7F0];
	_ =	sdelay $0x1  }
0x132: {  	s24 =	simm.s32 $0x4C00  }
0x133: {  	[spmem:s19] =	stream.linear.scatter [tilespmem:s24], [sflag:$0x3], $0x200, $0x38;
	[tilespmem:$0x18200] =	vst v63  }
0x134: {  	s19 =	sld [smem:$0x7F1];
	_ =	sdelay $0x1  }
0x135: {  	s24 =	simm.s32 $0x5000  }
0x136: {  	[spmem:s19] =	stream.linear.scatter [tilespmem:s24], [sflag:$0x3], $0x200, $0x38;
	[tilespmem:$0x18200] =	vst v63  }
0x137: {  	s19 =	sld [smem:$0x7F2];
	_ =	sdelay $0x1  }
0x138: {  	s24 =	simm.s32 $0x5400  }
0x139: {  	[spmem:s19] =	stream.linear.scatter [tilespmem:s24], [sflag:$0x3], $0x200, $0x38;
	[tilespmem:$0x18200] =	vst v63  }
0x13a: {  	s19 =	sld [smem:$0x7F3];
	_ =	sdelay $0x1  }
0x13b: {  	s24 =	simm.s32 $0x5800  }
0x13c: {  	[spmem:s19] =	stream.linear.scatter [tilespmem:s24], [sflag:$0x3], $0x200, $0x38;
	[tilespmem:$0x18200] =	vst v63  }
0x13d: {  	s19 =	sld [smem:$0x7F4];
	_ =	sdelay $0x1  }
0x13e: {  	s24 =	simm.s32 $0x5C00  }
0x13f: {  	[spmem:s19] =	stream.linear.scatter [tilespmem:s24], [sflag:$0x3], $0x200, $0x38;
	[tilespmem:$0x18200] =	vst v63  }
0x140: {  	s19 =	sld [smem:$0x7F5];
	_ =	sdelay $0x1  }
0x141: {  	s24 =	simm.s32 $0x6000  }
0x142: {  	[spmem:s19] =	stream.linear.scatter [tilespmem:s24], [sflag:$0x3], $0x200, $0x38;
	[tilespmem:$0x18200] =	vst v63  }
0x143: {  	s19 =	sld [smem:$0x7F6];
	_ =	sdelay $0x1  }
0x144: {  	s24 =	simm.s32 $0x6400  }
0x145: {  	[spmem:s19] =	stream.linear.scatter [tilespmem:s24], [sflag:$0x3], $0x200, $0x38;
	[tilespmem:$0x18200] =	vst v63  }
0x146: {  	s19 =	sld [smem:$0x7F7];
	_ =	sdelay $0x1  }
0x147: {  	s24 =	simm.s32 $0x6800  }
0x148: {  	[spmem:s19] =	stream.linear.scatter [tilespmem:s24], [sflag:$0x3], $0x200, $0x38;
	[tilespmem:$0x18200] =	vst v63  }
0x149: {  	s19 =	sld [smem:$0x7F8];
	_ =	sdelay $0x1  }
0x14a: {  	s24 =	simm.s32 $0x6C00  }
0x14b: {  	[spmem:s19] =	stream.linear.scatter [tilespmem:s24], [sflag:$0x3], $0x200, $0x38;
	[tilespmem:$0x18200] =	vst v63  }
0x14c: {  	s19 =	sld [smem:$0x7F9];
	_ =	sdelay $0x1  }
0x14d: {  	s24 =	simm.s32 $0x7000  }
0x14e: {  	[spmem:s19] =	stream.linear.scatter [tilespmem:s24], [sflag:$0x3], $0x200, $0x38;
	[tilespmem:$0x18200] =	vst v63  }
0x14f: {  	s19 =	sld [smem:$0x7FA];
	_ =	sdelay $0x1  }
0x150: {  	s24 =	simm.s32 $0x7400  }
0x151: {  	[spmem:s19] =	stream.linear.scatter [tilespmem:s24], [sflag:$0x3], $0x200, $0x38;
	[tilespmem:$0x18200] =	vst v63  }
0x152: {  	s19 =	sld [smem:$0x7FB];
	_ =	sdelay $0x1  }
0x153: {  	s24 =	simm.s32 $0x7800  }
0x154: {  	[spmem:s19] =	stream.linear.scatter [tilespmem:s24], [sflag:$0x3], $0x200, $0x38;
	[tilespmem:$0x18200] =	vst v63  }
0x155: {  	s19 =	sld [smem:$0x7FC];
	_ =	sdelay $0x1  }
0x156: {  	s24 =	simm.s32 $0x7C00  }
0x157: {  	[spmem:s19] =	stream.linear.scatter [tilespmem:s24], [sflag:$0x3], $0x200, $0x38;
	[tilespmem:$0x18200] =	vst v63  }
0x158: {  	s19 =	sld [smem:$0x7FD];
	_ =	sdelay $0x1  }
0x159: {  	s24 =	simm.s32 $0x8000  }
0x15a: {  	[spmem:s19] =	stream.linear.scatter [tilespmem:s24], [sflag:$0x3], $0x200, $0x38;
	[tilespmem:$0x18200] =	vst v63  }
0x15b: {  	_ =	swait.ge [sflag:s20], $0x4000  }
0x15c: {  	s4 =	sshrl.u32 s4, $0x3;
	[sflag:s20] =	ssyncset.done $0x0;
	s24 =	rddreg [dreg:$0x19]  }
0x15d: {  	[smem:$0x7BE] =	sst s4;
	[sflag:s20] =	ssyncadd.s32 $0xFFFFC000;
	s20 =	sor.u32 $0x1C05, s1  }
0x15e: {  	[smem:$0x7BD] =	sst s20  }
0x15f: {  	[hbm:s24@s22], [sflag:s20] =	dma.strided [spmem:s4@s23], $0x800, s21, $0x10   }
0x160: {  	v2 =	vld.msk [tilespmem:$0x10], $0xff;
	_ =	sdelay $0x4  }
0x161: {  	v3 =	vshll.u32 v2, $0x5  }
0x162: {  	v2 =	vand.u32 $0x7, v2;
	v3 =	vand.u32 $0xFFFFFF00, v3  }
0x163: {  	v2 =	vor.u32 v2, v3  }
0x164: {  	v2 =	vperm.xlane v2, v0;
	_ =	sdelay $0x1  }
0x165: {  	v2 =	vadd.s32 v1, v2;
	_ =	sdelay $0x3  }
0x166: {  	s4 =	simm.s32 $0x200  }
0x167: {  	[tilespmem:s4], [sflag:$0x1] =	stream.indirect_vreg.gather [hbm4b:s5+s3], $0x80, v2, vm0, $0xb8;
	[tilespmem:$0x18200] =	vst v63  }
0x168: {  	s19 =	simm.s32 $0xA00  }
0x169: {  	[tilespmem:s19], [sflag:$0x1] =	stream.indirect_vreg.gather [hbm4b:s6+s3], $0x80, v2, vm0, $0xb8;
	[tilespmem:$0x18200] =	vst v63  }
0x16a: {  	s20 =	simm.s32 $0x1200  }
0x16b: {  	[tilespmem:s20], [sflag:$0x1] =	stream.indirect_vreg.gather [hbm4b:s7+s3], $0x80, v2, vm0, $0xb8;
	[tilespmem:$0x18200] =	vst v63  }
0x16c: {  	s21 =	simm.s32 $0x1A00  }
0x16d: {  	[tilespmem:s21], [sflag:$0x1] =	stream.indirect_vreg.gather [hbm4b:s8+s3], $0x80, v2, vm0, $0xb8;
	[tilespmem:$0x18200] =	vst v63  }
0x16e: {  	s22 =	simm.s32 $0x2200  }
0x16f: {  	[tilespmem:s22], [sflag:$0x1] =	stream.indirect_vreg.gather [hbm4b:s9+s3], $0x80, v2, vm0, $0xb8;
	[tilespmem:$0x18200] =	vst v63  }
0x170: {  	s23 =	simm.s32 $0x2A00  }
0x171: {  	[tilespmem:s23], [sflag:$0x1] =	stream.indirect_vreg.gather [hbm4b:s10+s3], $0x80, v2, vm0, $0xb8;
	[tilespmem:$0x18200] =	vst v63  }
0x172: {  	s24 =	simm.s32 $0x3200  }
0x173: {  	[tilespmem:s24], [sflag:$0x1] =	stream.indirect_vreg.gather [hbm4b:s11+s3], $0x80, v2, vm0, $0xb8;
	[tilespmem:$0x18200] =	vst v63  }
0x174: {  	_ = 	snop  }
0x175: {  	[tilespmem:s28], [sflag:$0x1] =	stream.indirect_vreg.gather [hbm4b:s12+s3], $0x80, v2, vm0, $0xb8;
	[tilespmem:$0x18200] =	vst v63  }
0x176: {  	_ = 	snop  }
0x177: {  	[tilespmem:s29], [sflag:$0x1] =	stream.indirect_vreg.gather [hbm4b:s13+s3], $0x80, v2, vm0, $0xb8;
	[tilespmem:$0x18200] =	vst v63  }
0x178: {  	_ = 	snop  }
0x179: {  	[tilespmem:s30], [sflag:$0x1] =	stream.indirect_vreg.gather [hbm4b:s14+s3], $0x80, v2, vm0, $0xb8;
	[tilespmem:$0x18200] =	vst v63  }
0x17a: {  	_ = 	snop  }
0x17b: {  	[tilespmem:s31], [sflag:$0x1] =	stream.indirect_vreg.gather [hbm4b:s15+s3], $0x80, v2, vm0, $0xb8;
	[tilespmem:$0x18200] =	vst v63  }
0x17c: {  	s29 =	simm.s32 $0x5A00  }
0x17d: {  	[tilespmem:s29], [sflag:$0x1] =	stream.indirect_vreg.gather [hbm4b:s16+s3], $0x80, v2, vm0, $0xb8;
	[tilespmem:$0x18200] =	vst v63  }
0x17e: {  	s30 =	simm.s32 $0x6200  }
0x17f: {  	[tilespmem:s30], [sflag:$0x1] =	stream.indirect_vreg.gather [hbm4b:s17+s3], $0x80, v2, vm0, $0xb8;
	[tilespmem:$0x18200] =	vst v63  }
0x180: {  	s31 =	simm.s32 $0x6A00  }
0x181: {  	[tilespmem:s31], [sflag:$0x1] =	stream.indirect_vreg.gather [hbm4b:s18+s3], $0x80, v2, vm0, $0xb8;
	[tilespmem:$0x18200] =	vst v63  }
0x182: {  	s26 =	simm.s32 $0x7200  }
0x183: {  	[tilespmem:s26], [sflag:$0x1] =	stream.indirect_vreg.gather [hbm4b:s2+s3], $0x80, v2, vm0, $0xb8;
	[tilespmem:$0x18200] =	vst v63  }
0x184: {  	s25 =	simm.s32 $0x7A00;
	s5 =	simm.s32 $0x0;
	s2 =	simm.s32 $0x20  }
0x185: {  	[tilespmem:s25], [sflag:$0x1] =	stream.indirect_vreg.gather [hbm4b:s0+s3], $0x80, v2, vm0, $0xb8;
	[tilespmem:$0x18200] =	vst v63  }
.LBB2_2:
0x186: {  	s0 =	simm.s32 $0x2  }
0x187: {  	_ =	swait.ge [sflag:s0], $0x8000  }
0x188: {  	[sflag:s0] =	ssyncset.done $0x0  }
0x189: {  	s3 =	simm.s32 $0x4;
	[sflag:s0] =	ssyncadd.s32 $0xFFFF8000  }
0x18a: {  	_ =	swait.ge [sflag:s3], $0x800  }
0x18b: {  	[sflag:s3] =	ssyncset.done $0x0;
	s22 =	rddreg [dreg:$0x16]  }
0x18c: {  	s1 =	simm.s32 $0x8200;
	s23 =	sld [smem:$0x7C0];
	[sflag:s3] =	ssyncadd.s32 $0xFFFFF800  }
0x18d: {  	[spmem:s22] =	stream.linear.scatter [tilespmem:s1], [sflag:$0x3], $0x200, $0x38;
	[tilespmem:$0x18200] =	vst v63  }
0x18e: {  	s24 =	simm.s32 $0x8600;
	s25 =	sld [smem:$0x7C1]  }
0x18f: {  	[spmem:s23] =	stream.linear.scatter [tilespmem:s24], [sflag:$0x3], $0x200, $0x38;
	[tilespmem:$0x18200] =	vst v63  }
0x190: {  	s10 =	simm.s32 $0x8A00;
	s26 =	sld [smem:$0x7C2]  }
0x191: {  	[spmem:s25] =	stream.linear.scatter [tilespmem:s10], [sflag:$0x3], $0x200, $0x38;
	[tilespmem:$0x18200] =	vst v63  }
0x192: {  	s28 =	simm.s32 $0x8E00;
	s29 =	sld [smem:$0x7C3]  }
0x193: {  	[spmem:s26] =	stream.linear.scatter [tilespmem:s28], [sflag:$0x3], $0x200, $0x38;
	[tilespmem:$0x18200] =	vst v63  }
0x194: {  	s11 =	simm.s32 $0x9200;
	s30 =	sld [smem:$0x7C4]  }
0x195: {  	[spmem:s29] =	stream.linear.scatter [tilespmem:s11], [sflag:$0x3], $0x200, $0x38;
	[tilespmem:$0x18200] =	vst v63  }
0x196: {  	s31 =	simm.s32 $0x9600;
	s4 =	sld [smem:$0x7C5]  }
0x197: {  	[spmem:s30] =	stream.linear.scatter [tilespmem:s31], [sflag:$0x3], $0x200, $0x38;
	[tilespmem:$0x18200] =	vst v63  }
0x198: {  	s12 =	simm.s32 $0x9A00;
	s6 =	sld [smem:$0x7C6]  }
0x199: {  	[spmem:s4] =	stream.linear.scatter [tilespmem:s12], [sflag:$0x3], $0x200, $0x38;
	[tilespmem:$0x18200] =	vst v63  }
0x19a: {  	s7 =	simm.s32 $0x9E00;
	s8 =	sld [smem:$0x7C7]  }
0x19b: {  	[spmem:s6] =	stream.linear.scatter [tilespmem:s7], [sflag:$0x3], $0x200, $0x38;
	[tilespmem:$0x18200] =	vst v63  }
0x19c: {  	s20 =	simm.s32 $0xA200;
	s9 =	sld [smem:$0x7C8]  }
0x19d: {  	[spmem:s8] =	stream.linear.scatter [tilespmem:s20], [sflag:$0x3], $0x200, $0x38;
	[tilespmem:$0x18200] =	vst v63  }
0x19e: {  	s13 =	simm.s32 $0xA600;
	s14 =	sld [smem:$0x7C9]  }
0x19f: {  	[spmem:s9] =	stream.linear.scatter [tilespmem:s13], [sflag:$0x3], $0x200, $0x38;
	[tilespmem:$0x18200] =	vst v63  }
0x1a0: {  	s15 =	sld [smem:$0x7CA];
	s13 =	simm.s32 $0xAA00  }
0x1a1: {  	[spmem:s14] =	stream.linear.scatter [tilespmem:s13], [sflag:$0x3], $0x200, $0x38;
	[tilespmem:$0x18200] =	vst v63  }
0x1a2: {  	s16 =	simm.s32 $0xAE00;
	s17 =	sld [smem:$0x7CB]  }
0x1a3: {  	[spmem:s15] =	stream.linear.scatter [tilespmem:s16], [sflag:$0x3], $0x200, $0x38;
	[tilespmem:$0x18200] =	vst v63  }
0x1a4: {  	s18 =	sld [smem:$0x7CC];
	s14 =	simm.s32 $0xB200  }
0x1a5: {  	[spmem:s17] =	stream.linear.scatter [tilespmem:s14], [sflag:$0x3], $0x200, $0x38;
	[tilespmem:$0x18200] =	vst v63  }
0x1a6: {  	s19 =	simm.s32 $0xB600;
	s21 =	sld [smem:$0x7CD]  }
0x1a7: {  	[spmem:s18] =	stream.linear.scatter [tilespmem:s19], [sflag:$0x3], $0x200, $0x38;
	[tilespmem:$0x18200] =	vst v63  }
0x1a8: {  	s22 =	sld [smem:$0x7CE];
	s15 =	simm.s32 $0xBA00  }
0x1a9: {  	[spmem:s21] =	stream.linear.scatter [tilespmem:s15], [sflag:$0x3], $0x200, $0x38;
	[tilespmem:$0x18200] =	vst v63  }
0x1aa: {  	s23 =	simm.s32 $0xBE00;
	s24 =	sld [smem:$0x7CF]  }
0x1ab: {  	[spmem:s22] =	stream.linear.scatter [tilespmem:s23], [sflag:$0x3], $0x200, $0x38;
	[tilespmem:$0x18200] =	vst v63  }
0x1ac: {  	s25 =	sld [smem:$0x7D0];
	s16 =	simm.s32 $0xC200  }
0x1ad: {  	[spmem:s24] =	stream.linear.scatter [tilespmem:s16], [sflag:$0x3], $0x200, $0x38;
	[tilespmem:$0x18200] =	vst v63  }
0x1ae: {  	s26 =	simm.s32 $0xC600;
	s28 =	sld [smem:$0x7D1]  }
0x1af: {  	[spmem:s25] =	stream.linear.scatter [tilespmem:s26], [sflag:$0x3], $0x200, $0x38;
	[tilespmem:$0x18200] =	vst v63  }
0x1b0: {  	s29 =	sld [smem:$0x7D2];
	s17 =	simm.s32 $0xCA00  }
0x1b1: {  	[spmem:s28] =	stream.linear.scatter [tilespmem:s17], [sflag:$0x3], $0x200, $0x38;
	[tilespmem:$0x18200] =	vst v63  }
0x1b2: {  	s30 =	simm.s32 $0xCE00;
	s31 =	sld [smem:$0x7D3]  }
0x1b3: {  	[spmem:s29] =	stream.linear.scatter [tilespmem:s30], [sflag:$0x3], $0x200, $0x38;
	[tilespmem:$0x18200] =	vst v63  }
0x1b4: {  	s0 =	sld [smem:$0x7D4];
	s18 =	simm.s32 $0xD200  }
0x1b5: {  	[spmem:s31] =	stream.linear.scatter [tilespmem:s18], [sflag:$0x3], $0x200, $0x38;
	[tilespmem:$0x18200] =	vst v63  }
0x1b6: {  	s4 =	simm.s32 $0xD600;
	s6 =	sld [smem:$0x7D5]  }
0x1b7: {  	[spmem:s0] =	stream.linear.scatter [tilespmem:s4], [sflag:$0x3], $0x200, $0x38;
	[tilespmem:$0x18200] =	vst v63  }
0x1b8: {  	s7 =	sld [smem:$0x7D6];
	s19 =	simm.s32 $0xDA00  }
0x1b9: {  	[spmem:s6] =	stream.linear.scatter [tilespmem:s19], [sflag:$0x3], $0x200, $0x38;
	[tilespmem:$0x18200] =	vst v63  }
0x1ba: {  	s8 =	simm.s32 $0xDE00;
	s9 =	sld [smem:$0x7D7]  }
0x1bb: {  	[spmem:s7] =	stream.linear.scatter [tilespmem:s8], [sflag:$0x3], $0x200, $0x38;
	[tilespmem:$0x18200] =	vst v63  }
0x1bc: {  	s21 =	simm.s32 $0xE200;
	s22 =	sld [smem:$0x7D8]  }
0x1bd: {  	[spmem:s9] =	stream.linear.scatter [tilespmem:s21], [sflag:$0x3], $0x200, $0x38;
	[tilespmem:$0x18200] =	vst v63  }
0x1be: {  	s23 =	simm.s32 $0xE600;
	s24 =	sld [smem:$0x7D9]  }
0x1bf: {  	[spmem:s22] =	stream.linear.scatter [tilespmem:s23], [sflag:$0x3], $0x200, $0x38;
	[tilespmem:$0x18200] =	vst v63  }
0x1c0: {  	s25 =	simm.s32 $0xEA00;
	s26 =	sld [smem:$0x7DA]  }
0x1c1: {  	[spmem:s24] =	stream.linear.scatter [tilespmem:s25], [sflag:$0x3], $0x200, $0x38;
	[tilespmem:$0x18200] =	vst v63  }
0x1c2: {  	s28 =	simm.s32 $0xEE00;
	s29 =	sld [smem:$0x7DB]  }
0x1c3: {  	[spmem:s26] =	stream.linear.scatter [tilespmem:s28], [sflag:$0x3], $0x200, $0x38;
	[tilespmem:$0x18200] =	vst v63  }
0x1c4: {  	s30 =	sld [smem:$0x7DC];
	s22 =	simm.s32 $0xF200  }
0x1c5: {  	[spmem:s29] =	stream.linear.scatter [tilespmem:s22], [sflag:$0x3], $0x200, $0x38;
	[tilespmem:$0x18200] =	vst v63  }
0x1c6: {  	s31 =	simm.s32 $0xF600;
	s4 =	sld [smem:$0x7DD]  }
0x1c7: {  	[spmem:s30] =	stream.linear.scatter [tilespmem:s31], [sflag:$0x3], $0x200, $0x38;
	[tilespmem:$0x18200] =	vst v63  }
0x1c8: {  	s6 =	simm.s32 $0xFA00;
	s7 =	sld [smem:$0x7DE]  }
0x1c9: {  	[spmem:s4] =	stream.linear.scatter [tilespmem:s6], [sflag:$0x3], $0x200, $0x38;
	[tilespmem:$0x18200] =	vst v63  }
0x1ca: {  	s1 =	simm.s32 $0x3;
	s8 =	simm.s32 $0xFE00  }
0x1cb: {  	[spmem:s7] =	stream.linear.scatter [tilespmem:s8], [sflag:$0x3], $0x200, $0x38;
	[tilespmem:$0x18200] =	vst v63  }
0x1cc: {  	_ =	swait.ge [sflag:s1], $0x4000  }
0x1cd: {  	s6 =	rddreg [dreg:$0x5]  }
0x1ce: {  	s9 =	sld [smem:$0x7BB]  }
0x1cf: {  	s4 =	sld [smem:$0x7BC]  }
0x1d0: {  	s21 =	simm.s32 $0x80;
	[sflag:s1] =	ssyncset.done $0x0;
	s6 =	sadd.s32 s5, s6  }
0x1d1: {  	s8 =	simm.s32 $0x40;
	[sflag:s1] =	ssyncadd.s32 $0xFFFFC000;
	s7 =	sadd.s32 $0x1000, s6  }
0x1d2: {  	[hbm:s7@s21], [sflag:s9] =	dma.strided [spmem:s4@s8], $0x800, s3, $0x10   }
0x1d3: {  	s21 =	simm.s32 $0x5  }
0x1d4: {  	_ =	swait.ge [sflag:s21], $0x800  }
0x1d5: {  	[sflag:s21] =	ssyncset.done $0x0;
	s25 =	rddreg [dreg:$0x18]  }
0x1d6: {  	s23 =	simm.s32 $0x8400;
	s24 =	sld [smem:$0x7DF];
	[sflag:s21] =	ssyncadd.s32 $0xFFFFF800  }
0x1d7: {  	[spmem:s25] =	stream.linear.scatter [tilespmem:s23], [sflag:$0x3], $0x200, $0x38;
	[tilespmem:$0x18200] =	vst v63  }
0x1d8: {  	s26 =	simm.s32 $0x8800;
	s21 =	sld [smem:$0x7E0]  }
0x1d9: {  	[spmem:s24] =	stream.linear.scatter [tilespmem:s26], [sflag:$0x3], $0x200, $0x38;
	[tilespmem:$0x18200] =	vst v63  }
0x1da: {  	s28 =	simm.s32 $0x8C00;
	s23 =	sld [smem:$0x7E1]  }
0x1db: {  	[spmem:s21] =	stream.linear.scatter [tilespmem:s28], [sflag:$0x3], $0x200, $0x38;
	[tilespmem:$0x18200] =	vst v63  }
0x1dc: {  	s29 =	simm.s32 $0x9000;
	s24 =	sld [smem:$0x7E2]  }
0x1dd: {  	[spmem:s23] =	stream.linear.scatter [tilespmem:s29], [sflag:$0x3], $0x200, $0x38;
	[tilespmem:$0x18200] =	vst v63  }
0x1de: {  	s30 =	simm.s32 $0x9400;
	s26 =	sld [smem:$0x7E3]  }
0x1df: {  	[spmem:s24] =	stream.linear.scatter [tilespmem:s30], [sflag:$0x3], $0x200, $0x38;
	[tilespmem:$0x18200] =	vst v63  }
0x1e0: {  	s31 =	simm.s32 $0x9800;
	s28 =	sld [smem:$0x7E4]  }
0x1e1: {  	[spmem:s26] =	stream.linear.scatter [tilespmem:s31], [sflag:$0x3], $0x200, $0x38;
	[tilespmem:$0x18200] =	vst v63  }
0x1e2: {  	s4 =	simm.s32 $0x9C00;
	s29 =	sld [smem:$0x7E5]  }
0x1e3: {  	[spmem:s28] =	stream.linear.scatter [tilespmem:s4], [sflag:$0x3], $0x200, $0x38;
	[tilespmem:$0x18200] =	vst v63  }
0x1e4: {  	s7 =	simm.s32 $0xA000;
	s30 =	sld [smem:$0x7E6]  }
0x1e5: {  	[spmem:s29] =	stream.linear.scatter [tilespmem:s7], [sflag:$0x3], $0x200, $0x38;
	[tilespmem:$0x18200] =	vst v63  }
0x1e6: {  	s8 =	simm.s32 $0xA400;
	s31 =	sld [smem:$0x7E7]  }
0x1e7: {  	[spmem:s30] =	stream.linear.scatter [tilespmem:s8], [sflag:$0x3], $0x200, $0x38;
	[tilespmem:$0x18200] =	vst v63  }
0x1e8: {  	s9 =	simm.s32 $0xA800;
	s0 =	sld [smem:$0x7E8]  }
0x1e9: {  	[spmem:s31] =	stream.linear.scatter [tilespmem:s9], [sflag:$0x3], $0x200, $0x38;
	[tilespmem:$0x18200] =	vst v63  }
0x1ea: {  	s7 =	simm.s32 $0xAC00;
	s8 =	sld [smem:$0x7E9]  }
0x1eb: {  	[spmem:s0] =	stream.linear.scatter [tilespmem:s7], [sflag:$0x3], $0x200, $0x38;
	[tilespmem:$0x18200] =	vst v63  }
0x1ec: {  	s9 =	simm.s32 $0xB000;
	s0 =	sld [smem:$0x7EA]  }
0x1ed: {  	[spmem:s8] =	stream.linear.scatter [tilespmem:s9], [sflag:$0x3], $0x200, $0x38;
	[tilespmem:$0x18200] =	vst v63  }
0x1ee: {  	s7 =	simm.s32 $0xB400;
	s8 =	sld [smem:$0x7EB]  }
0x1ef: {  	[spmem:s0] =	stream.linear.scatter [tilespmem:s7], [sflag:$0x3], $0x200, $0x38;
	[tilespmem:$0x18200] =	vst v63  }
0x1f0: {  	s9 =	simm.s32 $0xB800;
	s0 =	sld [smem:$0x7EC]  }
0x1f1: {  	[spmem:s8] =	stream.linear.scatter [tilespmem:s9], [sflag:$0x3], $0x200, $0x38;
	[tilespmem:$0x18200] =	vst v63  }
0x1f2: {  	s7 =	simm.s32 $0xBC00;
	s8 =	sld [smem:$0x7ED]  }
0x1f3: {  	[spmem:s0] =	stream.linear.scatter [tilespmem:s7], [sflag:$0x3], $0x200, $0x38;
	[tilespmem:$0x18200] =	vst v63  }
0x1f4: {  	s9 =	simm.s32 $0xC000;
	s0 =	sld [smem:$0x7EE]  }
0x1f5: {  	[spmem:s8] =	stream.linear.scatter [tilespmem:s9], [sflag:$0x3], $0x200, $0x38;
	[tilespmem:$0x18200] =	vst v63  }
0x1f6: {  	s7 =	simm.s32 $0xC400;
	s8 =	sld [smem:$0x7EF]  }
0x1f7: {  	[spmem:s0] =	stream.linear.scatter [tilespmem:s7], [sflag:$0x3], $0x200, $0x38;
	[tilespmem:$0x18200] =	vst v63  }
0x1f8: {  	s9 =	simm.s32 $0xC800;
	s0 =	sld [smem:$0x7F0]  }
0x1f9: {  	[spmem:s8] =	stream.linear.scatter [tilespmem:s9], [sflag:$0x3], $0x200, $0x38;
	[tilespmem:$0x18200] =	vst v63  }
0x1fa: {  	s7 =	simm.s32 $0xCC00;
	s8 =	sld [smem:$0x7F1]  }
0x1fb: {  	[spmem:s0] =	stream.linear.scatter [tilespmem:s7], [sflag:$0x3], $0x200, $0x38;
	[tilespmem:$0x18200] =	vst v63  }
0x1fc: {  	s9 =	simm.s32 $0xD000;
	s0 =	sld [smem:$0x7F2]  }
0x1fd: {  	[spmem:s8] =	stream.linear.scatter [tilespmem:s9], [sflag:$0x3], $0x200, $0x38;
	[tilespmem:$0x18200] =	vst v63  }
0x1fe: {  	s7 =	simm.s32 $0xD400;
	s8 =	sld [smem:$0x7F3]  }
0x1ff: {  	[spmem:s0] =	stream.linear.scatter [tilespmem:s7], [sflag:$0x3], $0x200, $0x38;
	[tilespmem:$0x18200] =	vst v63  }
0x200: {  	s9 =	simm.s32 $0xD800;
	s0 =	sld [smem:$0x7F4]  }
0x201: {  	[spmem:s8] =	stream.linear.scatter [tilespmem:s9], [sflag:$0x3], $0x200, $0x38;
	[tilespmem:$0x18200] =	vst v63  }
0x202: {  	s7 =	simm.s32 $0xDC00;
	s8 =	sld [smem:$0x7F5]  }
0x203: {  	[spmem:s0] =	stream.linear.scatter [tilespmem:s7], [sflag:$0x3], $0x200, $0x38;
	[tilespmem:$0x18200] =	vst v63  }
0x204: {  	s9 =	simm.s32 $0xE000;
	s0 =	sld [smem:$0x7F6]  }
0x205: {  	[spmem:s8] =	stream.linear.scatter [tilespmem:s9], [sflag:$0x3], $0x200, $0x38;
	[tilespmem:$0x18200] =	vst v63  }
0x206: {  	s7 =	simm.s32 $0xE400;
	s8 =	sld [smem:$0x7F7]  }
0x207: {  	[spmem:s0] =	stream.linear.scatter [tilespmem:s7], [sflag:$0x3], $0x200, $0x38;
	[tilespmem:$0x18200] =	vst v63  }
0x208: {  	s9 =	simm.s32 $0xE800;
	s0 =	sld [smem:$0x7F8]  }
0x209: {  	[spmem:s8] =	stream.linear.scatter [tilespmem:s9], [sflag:$0x3], $0x200, $0x38;
	[tilespmem:$0x18200] =	vst v63  }
0x20a: {  	s7 =	simm.s32 $0xEC00;
	s8 =	sld [smem:$0x7F9]  }
0x20b: {  	[spmem:s0] =	stream.linear.scatter [tilespmem:s7], [sflag:$0x3], $0x200, $0x38;
	[tilespmem:$0x18200] =	vst v63  }
0x20c: {  	s9 =	simm.s32 $0xF000;
	s0 =	sld [smem:$0x7FA]  }
0x20d: {  	[spmem:s8] =	stream.linear.scatter [tilespmem:s9], [sflag:$0x3], $0x200, $0x38;
	[tilespmem:$0x18200] =	vst v63  }
0x20e: {  	s7 =	simm.s32 $0xF400;
	s8 =	sld [smem:$0x7FB]  }
0x20f: {  	[spmem:s0] =	stream.linear.scatter [tilespmem:s7], [sflag:$0x3], $0x200, $0x38;
	[tilespmem:$0x18200] =	vst v63  }
0x210: {  	s9 =	simm.s32 $0xF800;
	s0 =	sld [smem:$0x7FC]  }
0x211: {  	[spmem:s8] =	stream.linear.scatter [tilespmem:s9], [sflag:$0x3], $0x200, $0x38;
	[tilespmem:$0x18200] =	vst v63  }
0x212: {  	s7 =	simm.s32 $0xFC00;
	s8 =	sld [smem:$0x7FD]  }
0x213: {  	[spmem:s0] =	stream.linear.scatter [tilespmem:s7], [sflag:$0x3], $0x200, $0x38;
	[tilespmem:$0x18200] =	vst v63  }
0x214: {  	s9 =	simm.s32 $0x10000  }
0x215: {  	[spmem:s8] =	stream.linear.scatter [tilespmem:s9], [sflag:$0x3], $0x200, $0x38;
	[tilespmem:$0x18200] =	vst v63  }
0x216: {  	_ =	swait.ge [sflag:s1], $0x4000  }
0x217: {  	s0 =	sld [smem:$0x7BD]  }
0x218: {  	s8 =	sld [smem:$0x7BE]  }
0x219: {  	s4 =	simm.s32 $0x40;
	[sflag:s1] =	ssyncset.done $0x0  }
0x21a: {  	s7 =	sadd.s32 $0x1040, s6;
	s9 =	simm.s32 $0x80;
	[sflag:s1] =	ssyncadd.s32 $0xFFFFC000  }
0x21b: {  	[hbm:s7@s9], [sflag:s0] =	dma.strided [spmem:s8@s4], $0x800, s3, $0x10   }
0x21c: {  	v2 =	vld.msk [tilespmem:s2+$0xFFFFFFF8], $0xff;
	_ =	sdelay $0x4  }
0x21d: {  	v3 =	vshll.u32 v2, $0x5  }
0x21e: {  	v2 =	vand.u32 $0x7, v2;
	v3 =	vand.u32 $0xFFFFFF00, v3  }
0x21f: {  	v2 =	vor.u32 v2, v3  }
0x220: {  	v2 =	vperm.xlane v2, v0;
	_ =	sdelay $0x1  }
0x221: {  	v2 =	vadd.s32 v1, v2;
	_ =	sdelay $0x3  }
0x222: {  	s0 =	simm.s32 $0x0;
	s7 =	simm.s32 $0x8200;
	s8 =	rddreg [dreg:$0x1]  }
0x223: {  	[tilespmem:s7], [sflag:$0x2] =	stream.indirect_vreg.gather [hbm4b:s8+s0], $0x80, v2, vm0, $0xb8;
	[tilespmem:$0x18200] =	vst v63  }
0x224: {  	s9 =	rddreg [dreg:$0x7]  }
0x225: {  	[tilespmem:s10], [sflag:$0x2] =	stream.indirect_vreg.gather [hbm4b:s9+s0], $0x80, v2, vm0, $0xb8;
	[tilespmem:$0x18200] =	vst v63  }
0x226: {  	s10 =	rddreg [dreg:$0x8]  }
0x227: {  	[tilespmem:s11], [sflag:$0x2] =	stream.indirect_vreg.gather [hbm4b:s10+s0], $0x80, v2, vm0, $0xb8;
	[tilespmem:$0x18200] =	vst v63  }
0x228: {  	s11 =	rddreg [dreg:$0x9]  }
0x229: {  	[tilespmem:s12], [sflag:$0x2] =	stream.indirect_vreg.gather [hbm4b:s11+s0], $0x80, v2, vm0, $0xb8;
	[tilespmem:$0x18200] =	vst v63  }
0x22a: {  	s12 =	rddreg [dreg:$0xa]  }
0x22b: {  	[tilespmem:s20], [sflag:$0x2] =	stream.indirect_vreg.gather [hbm4b:s12+s0], $0x80, v2, vm0, $0xb8;
	[tilespmem:$0x18200] =	vst v63  }
0x22c: {  	s20 =	rddreg [dreg:$0xb]  }
0x22d: {  	[tilespmem:s13], [sflag:$0x2] =	stream.indirect_vreg.gather [hbm4b:s20+s0], $0x80, v2, vm0, $0xb8;
	[tilespmem:$0x18200] =	vst v63  }
0x22e: {  	s13 =	rddreg [dreg:$0xc]  }
0x22f: {  	[tilespmem:s14], [sflag:$0x2] =	stream.indirect_vreg.gather [hbm4b:s13+s0], $0x80, v2, vm0, $0xb8;
	[tilespmem:$0x18200] =	vst v63  }
0x230: {  	s14 =	rddreg [dreg:$0xd]  }
0x231: {  	[tilespmem:s15], [sflag:$0x2] =	stream.indirect_vreg.gather [hbm4b:s14+s0], $0x80, v2, vm0, $0xb8;
	[tilespmem:$0x18200] =	vst v63  }
0x232: {  	s15 =	rddreg [dreg:$0xe]  }
0x233: {  	[tilespmem:s16], [sflag:$0x2] =	stream.indirect_vreg.gather [hbm4b:s15+s0], $0x80, v2, vm0, $0xb8;
	[tilespmem:$0x18200] =	vst v63  }
0x234: {  	s16 =	rddreg [dreg:$0xf]  }
0x235: {  	[tilespmem:s17], [sflag:$0x2] =	stream.indirect_vreg.gather [hbm4b:s16+s0], $0x80, v2, vm0, $0xb8;
	[tilespmem:$0x18200] =	vst v63  }
0x236: {  	s17 =	rddreg [dreg:$0x10]  }
0x237: {  	[tilespmem:s18], [sflag:$0x2] =	stream.indirect_vreg.gather [hbm4b:s17+s0], $0x80, v2, vm0, $0xb8;
	[tilespmem:$0x18200] =	vst v63  }
0x238: {  	s18 =	rddreg [dreg:$0x11]  }
0x239: {  	[tilespmem:s19], [sflag:$0x2] =	stream.indirect_vreg.gather [hbm4b:s18+s0], $0x80, v2, vm0, $0xb8;
	[tilespmem:$0x18200] =	vst v63  }
0x23a: {  	s7 =	simm.s32 $0xE200;
	s19 =	rddreg [dreg:$0x12]  }
0x23b: {  	[tilespmem:s7], [sflag:$0x2] =	stream.indirect_vreg.gather [hbm4b:s19+s0], $0x80, v2, vm0, $0xb8;
	[tilespmem:$0x18200] =	vst v63  }
0x23c: {  	s8 =	rddreg [dreg:$0x13];
	s9 =	simm.s32 $0xEA00  }
0x23d: {  	[tilespmem:s9], [sflag:$0x2] =	stream.indirect_vreg.gather [hbm4b:s8+s0], $0x80, v2, vm0, $0xb8;
	[tilespmem:$0x18200] =	vst v63  }
0x23e: {  	s10 =	rddreg [dreg:$0x14]  }
0x23f: {  	[tilespmem:s22], [sflag:$0x2] =	stream.indirect_vreg.gather [hbm4b:s10+s0], $0x80, v2, vm0, $0xb8;
	[tilespmem:$0x18200] =	vst v63  }
0x240: {  	s7 =	simm.s32 $0xFA00;
	s8 =	simm.s32 $0x1;
	s22 =	rddreg [dreg:$0x15]  }
0x241: {  	[tilespmem:s7], [sflag:$0x2] =	stream.indirect_vreg.gather [hbm4b:s22+s0], $0x80, v2, vm0, $0xb8;
	[tilespmem:$0x18200] =	vst v63  }
0x242: {  	_ =	swait.ge [sflag:s8], $0x8000  }
0x243: {  	[sflag:s8] =	ssyncset.done $0x0  }
0x244: {  	[sflag:s8] =	ssyncadd.s32 $0xFFFF8000  }
0x245: {  	_ =	swait.ge [sflag:s3], $0x800  }
0x246: {  	[sflag:s3] =	ssyncset.done $0x0;
	s10 =	rddreg [dreg:$0x16]  }
0x247: {  	s9 =	simm.s32 $0x200;
	s8 =	sld [smem:$0x7C0];
	[sflag:s3] =	ssyncadd.s32 $0xFFFFF800  }
0x248: {  	[spmem:s10] =	stream.linear.scatter [tilespmem:s9], [sflag:$0x3], $0x200, $0x38;
	[tilespmem:$0x18200] =	vst v63  }
0x249: {  	s4 =	simm.s32 $0x600;
	s10 =	sld [smem:$0x7C1]  }
0x24a: {  	[spmem:s8] =	stream.linear.scatter [tilespmem:s4], [sflag:$0x3], $0x200, $0x38;
	[tilespmem:$0x18200] =	vst v63  }
0x24b: {  	s9 =	simm.s32 $0xA00;
	s8 =	sld [smem:$0x7C2]  }
0x24c: {  	[spmem:s10] =	stream.linear.scatter [tilespmem:s9], [sflag:$0x3], $0x200, $0x38;
	[tilespmem:$0x18200] =	vst v63  }
0x24d: {  	s4 =	simm.s32 $0xE00;
	s10 =	sld [smem:$0x7C3]  }
0x24e: {  	[spmem:s8] =	stream.linear.scatter [tilespmem:s4], [sflag:$0x3], $0x200, $0x38;
	[tilespmem:$0x18200] =	vst v63  }
0x24f: {  	s9 =	simm.s32 $0x1200;
	s8 =	sld [smem:$0x7C4]  }
0x250: {  	[spmem:s10] =	stream.linear.scatter [tilespmem:s9], [sflag:$0x3], $0x200, $0x38;
	[tilespmem:$0x18200] =	vst v63  }
0x251: {  	s4 =	simm.s32 $0x1600;
	s10 =	sld [smem:$0x7C5]  }
0x252: {  	[spmem:s8] =	stream.linear.scatter [tilespmem:s4], [sflag:$0x3], $0x200, $0x38;
	[tilespmem:$0x18200] =	vst v63  }
0x253: {  	s9 =	simm.s32 $0x1A00;
	s8 =	sld [smem:$0x7C6]  }
0x254: {  	[spmem:s10] =	stream.linear.scatter [tilespmem:s9], [sflag:$0x3], $0x200, $0x38;
	[tilespmem:$0x18200] =	vst v63  }
0x255: {  	s4 =	simm.s32 $0x1E00;
	s10 =	sld [smem:$0x7C7]  }
0x256: {  	[spmem:s8] =	stream.linear.scatter [tilespmem:s4], [sflag:$0x3], $0x200, $0x38;
	[tilespmem:$0x18200] =	vst v63  }
0x257: {  	s9 =	simm.s32 $0x2200;
	s8 =	sld [smem:$0x7C8]  }
0x258: {  	[spmem:s10] =	stream.linear.scatter [tilespmem:s9], [sflag:$0x3], $0x200, $0x38;
	[tilespmem:$0x18200] =	vst v63  }
0x259: {  	s4 =	simm.s32 $0x2600;
	s10 =	sld [smem:$0x7C9]  }
0x25a: {  	[spmem:s8] =	stream.linear.scatter [tilespmem:s4], [sflag:$0x3], $0x200, $0x38;
	[tilespmem:$0x18200] =	vst v63  }
0x25b: {  	s9 =	simm.s32 $0x2A00;
	s8 =	sld [smem:$0x7CA]  }
0x25c: {  	[spmem:s10] =	stream.linear.scatter [tilespmem:s9], [sflag:$0x3], $0x200, $0x38;
	[tilespmem:$0x18200] =	vst v63  }
0x25d: {  	s4 =	simm.s32 $0x2E00;
	s10 =	sld [smem:$0x7CB]  }
0x25e: {  	[spmem:s8] =	stream.linear.scatter [tilespmem:s4], [sflag:$0x3], $0x200, $0x38;
	[tilespmem:$0x18200] =	vst v63  }
0x25f: {  	s9 =	simm.s32 $0x3200;
	s8 =	sld [smem:$0x7CC]  }
0x260: {  	[spmem:s10] =	stream.linear.scatter [tilespmem:s9], [sflag:$0x3], $0x200, $0x38;
	[tilespmem:$0x18200] =	vst v63  }
0x261: {  	s4 =	simm.s32 $0x3600;
	s10 =	sld [smem:$0x7CD]  }
0x262: {  	[spmem:s8] =	stream.linear.scatter [tilespmem:s4], [sflag:$0x3], $0x200, $0x38;
	[tilespmem:$0x18200] =	vst v63  }
0x263: {  	s9 =	simm.s32 $0x3A00;
	s8 =	sld [smem:$0x7CE]  }
0x264: {  	[spmem:s10] =	stream.linear.scatter [tilespmem:s9], [sflag:$0x3], $0x200, $0x38;
	[tilespmem:$0x18200] =	vst v63  }
0x265: {  	s4 =	simm.s32 $0x3E00;
	s10 =	sld [smem:$0x7CF]  }
0x266: {  	[spmem:s8] =	stream.linear.scatter [tilespmem:s4], [sflag:$0x3], $0x200, $0x38;
	[tilespmem:$0x18200] =	vst v63  }
0x267: {  	s9 =	simm.s32 $0x4200;
	s8 =	sld [smem:$0x7D0]  }
0x268: {  	[spmem:s10] =	stream.linear.scatter [tilespmem:s9], [sflag:$0x3], $0x200, $0x38;
	[tilespmem:$0x18200] =	vst v63  }
0x269: {  	s4 =	simm.s32 $0x4600;
	s10 =	sld [smem:$0x7D1]  }
0x26a: {  	[spmem:s8] =	stream.linear.scatter [tilespmem:s4], [sflag:$0x3], $0x200, $0x38;
	[tilespmem:$0x18200] =	vst v63  }
0x26b: {  	s9 =	simm.s32 $0x4A00;
	s8 =	sld [smem:$0x7D2]  }
0x26c: {  	[spmem:s10] =	stream.linear.scatter [tilespmem:s9], [sflag:$0x3], $0x200, $0x38;
	[tilespmem:$0x18200] =	vst v63  }
0x26d: {  	s4 =	simm.s32 $0x4E00;
	s10 =	sld [smem:$0x7D3]  }
0x26e: {  	[spmem:s8] =	stream.linear.scatter [tilespmem:s4], [sflag:$0x3], $0x200, $0x38;
	[tilespmem:$0x18200] =	vst v63  }
0x26f: {  	s9 =	simm.s32 $0x5200;
	s8 =	sld [smem:$0x7D4]  }
0x270: {  	[spmem:s10] =	stream.linear.scatter [tilespmem:s9], [sflag:$0x3], $0x200, $0x38;
	[tilespmem:$0x18200] =	vst v63  }
0x271: {  	s4 =	simm.s32 $0x5600;
	s10 =	sld [smem:$0x7D5]  }
0x272: {  	[spmem:s8] =	stream.linear.scatter [tilespmem:s4], [sflag:$0x3], $0x200, $0x38;
	[tilespmem:$0x18200] =	vst v63  }
0x273: {  	s9 =	simm.s32 $0x5A00;
	s8 =	sld [smem:$0x7D6]  }
0x274: {  	[spmem:s10] =	stream.linear.scatter [tilespmem:s9], [sflag:$0x3], $0x200, $0x38;
	[tilespmem:$0x18200] =	vst v63  }
0x275: {  	s4 =	simm.s32 $0x5E00;
	s10 =	sld [smem:$0x7D7]  }
0x276: {  	[spmem:s8] =	stream.linear.scatter [tilespmem:s4], [sflag:$0x3], $0x200, $0x38;
	[tilespmem:$0x18200] =	vst v63  }
0x277: {  	s9 =	simm.s32 $0x6200;
	s8 =	sld [smem:$0x7D8]  }
0x278: {  	[spmem:s10] =	stream.linear.scatter [tilespmem:s9], [sflag:$0x3], $0x200, $0x38;
	[tilespmem:$0x18200] =	vst v63  }
0x279: {  	s4 =	simm.s32 $0x6600;
	s10 =	sld [smem:$0x7D9]  }
0x27a: {  	[spmem:s8] =	stream.linear.scatter [tilespmem:s4], [sflag:$0x3], $0x200, $0x38;
	[tilespmem:$0x18200] =	vst v63  }
0x27b: {  	s9 =	simm.s32 $0x6A00;
	s8 =	sld [smem:$0x7DA]  }
0x27c: {  	[spmem:s10] =	stream.linear.scatter [tilespmem:s9], [sflag:$0x3], $0x200, $0x38;
	[tilespmem:$0x18200] =	vst v63  }
0x27d: {  	s4 =	simm.s32 $0x6E00;
	s10 =	sld [smem:$0x7DB]  }
0x27e: {  	[spmem:s8] =	stream.linear.scatter [tilespmem:s4], [sflag:$0x3], $0x200, $0x38;
	[tilespmem:$0x18200] =	vst v63  }
0x27f: {  	s9 =	simm.s32 $0x7200;
	s8 =	sld [smem:$0x7DC]  }
0x280: {  	[spmem:s10] =	stream.linear.scatter [tilespmem:s9], [sflag:$0x3], $0x200, $0x38;
	[tilespmem:$0x18200] =	vst v63  }
0x281: {  	s4 =	simm.s32 $0x7600;
	s10 =	sld [smem:$0x7DD]  }
0x282: {  	[spmem:s8] =	stream.linear.scatter [tilespmem:s4], [sflag:$0x3], $0x200, $0x38;
	[tilespmem:$0x18200] =	vst v63  }
0x283: {  	s9 =	simm.s32 $0x7A00  }
0x284: {  	[spmem:s10] =	stream.linear.scatter [tilespmem:s9], [sflag:$0x3], $0x200, $0x38;
	[tilespmem:$0x18200] =	vst v63  }
0x285: {  	s9 =	sld [smem:$0x7DE];
	_ =	sdelay $0x1  }
0x286: {  	s8 =	simm.s32 $0x7E00  }
0x287: {  	[spmem:s9] =	stream.linear.scatter [tilespmem:s8], [sflag:$0x3], $0x200, $0x38;
	[tilespmem:$0x18200] =	vst v63  }
0x288: {  	_ =	swait.ge [sflag:s1], $0x4000  }
0x289: {  	s4 =	sld [smem:$0x7BB]  }
0x28a: {  	s8 =	sld [smem:$0x7BC]  }
0x28b: {  	s7 =	sadd.s32 $0x2000, s6;
	[sflag:s1] =	ssyncset.done $0x0  }
0x28c: {  	s10 =	simm.s32 $0x80;
	s9 =	simm.s32 $0x40;
	[sflag:s1] =	ssyncadd.s32 $0xFFFFC000  }
0x28d: {  	[hbm:s7@s10], [sflag:s4] =	dma.strided [spmem:s8@s9], $0x800, s3, $0x10   }
0x28e: {  	s10 =	simm.s32 $0x5  }
0x28f: {  	_ =	swait.ge [sflag:s10], $0x800  }
0x290: {  	[sflag:s10] =	ssyncset.done $0x0  }
0x291: {  	s4 =	simm.s32 $0x400;
	s9 =	sld [smem:$0x7DF];
	[sflag:s10] =	ssyncadd.s32 $0xFFFFF800  }
0x292: {  	[spmem:s25] =	stream.linear.scatter [tilespmem:s4], [sflag:$0x3], $0x200, $0x38;
	[tilespmem:$0x18200] =	vst v63  }
0x293: {  	s8 =	simm.s32 $0x800  }
0x294: {  	[spmem:s9] =	stream.linear.scatter [tilespmem:s8], [sflag:$0x3], $0x200, $0x38;
	[tilespmem:$0x18200] =	vst v63  }
0x295: {  	s10 =	simm.s32 $0xC00  }
0x296: {  	[spmem:s21] =	stream.linear.scatter [tilespmem:s10], [sflag:$0x3], $0x200, $0x38;
	[tilespmem:$0x18200] =	vst v63  }
0x297: {  	s21 =	simm.s32 $0x1000  }
0x298: {  	[spmem:s23] =	stream.linear.scatter [tilespmem:s21], [sflag:$0x3], $0x200, $0x38;
	[tilespmem:$0x18200] =	vst v63  }
0x299: {  	s25 =	simm.s32 $0x1400  }
0x29a: {  	[spmem:s24] =	stream.linear.scatter [tilespmem:s25], [sflag:$0x3], $0x200, $0x38;
	[tilespmem:$0x18200] =	vst v63  }
0x29b: {  	s7 =	simm.s32 $0x1800  }
0x29c: {  	[spmem:s26] =	stream.linear.scatter [tilespmem:s7], [sflag:$0x3], $0x200, $0x38;
	[tilespmem:$0x18200] =	vst v63  }
0x29d: {  	s8 =	simm.s32 $0x1C00  }
0x29e: {  	[spmem:s28] =	stream.linear.scatter [tilespmem:s8], [sflag:$0x3], $0x200, $0x38;
	[tilespmem:$0x18200] =	vst v63  }
0x29f: {  	s9 =	simm.s32 $0x2000  }
0x2a0: {  	[spmem:s29] =	stream.linear.scatter [tilespmem:s9], [sflag:$0x3], $0x200, $0x38;
	[tilespmem:$0x18200] =	vst v63  }
0x2a1: {  	s10 =	simm.s32 $0x2400  }
0x2a2: {  	[spmem:s30] =	stream.linear.scatter [tilespmem:s10], [sflag:$0x3], $0x200, $0x38;
	[tilespmem:$0x18200] =	vst v63  }
0x2a3: {  	s21 =	simm.s32 $0x2800;
	s24 =	sld [smem:$0x7E8]  }
0x2a4: {  	[spmem:s31] =	stream.linear.scatter [tilespmem:s21], [sflag:$0x3], $0x200, $0x38;
	[tilespmem:$0x18200] =	vst v63  }
0x2a5: {  	s23 =	simm.s32 $0x2C00;
	s26 =	sld [smem:$0x7E9]  }
0x2a6: {  	[spmem:s24] =	stream.linear.scatter [tilespmem:s23], [sflag:$0x3], $0x200, $0x38;
	[tilespmem:$0x18200] =	vst v63  }
0x2a7: {  	s25 =	simm.s32 $0x3000;
	s29 =	sld [smem:$0x7EA]  }
0x2a8: {  	[spmem:s26] =	stream.linear.scatter [tilespmem:s25], [sflag:$0x3], $0x200, $0x38;
	[tilespmem:$0x18200] =	vst v63  }
0x2a9: {  	s28 =	simm.s32 $0x3400;
	s31 =	sld [smem:$0x7EB]  }
0x2aa: {  	[spmem:s29] =	stream.linear.scatter [tilespmem:s28], [sflag:$0x3], $0x200, $0x38;
	[tilespmem:$0x18200] =	vst v63  }
0x2ab: {  	s9 =	sld [smem:$0x7EC];
	s30 =	simm.s32 $0x3800  }
0x2ac: {  	[spmem:s31] =	stream.linear.scatter [tilespmem:s30], [sflag:$0x3], $0x200, $0x38;
	[tilespmem:$0x18200] =	vst v63  }
0x2ad: {  	s8 =	simm.s32 $0x3C00;
	s21 =	sld [smem:$0x7ED]  }
0x2ae: {  	[spmem:s9] =	stream.linear.scatter [tilespmem:s8], [sflag:$0x3], $0x200, $0x38;
	[tilespmem:$0x18200] =	vst v63  }
0x2af: {  	s10 =	simm.s32 $0x4000;
	s24 =	sld [smem:$0x7EE]  }
0x2b0: {  	[spmem:s21] =	stream.linear.scatter [tilespmem:s10], [sflag:$0x3], $0x200, $0x38;
	[tilespmem:$0x18200] =	vst v63  }
0x2b1: {  	s23 =	simm.s32 $0x4400;
	s26 =	sld [smem:$0x7EF]  }
0x2b2: {  	[spmem:s24] =	stream.linear.scatter [tilespmem:s23], [sflag:$0x3], $0x200, $0x38;
	[tilespmem:$0x18200] =	vst v63  }
0x2b3: {  	s25 =	simm.s32 $0x4800;
	s29 =	sld [smem:$0x7F0]  }
0x2b4: {  	[spmem:s26] =	stream.linear.scatter [tilespmem:s25], [sflag:$0x3], $0x200, $0x38;
	[tilespmem:$0x18200] =	vst v63  }
0x2b5: {  	s28 =	simm.s32 $0x4C00;
	s31 =	sld [smem:$0x7F1]  }
0x2b6: {  	[spmem:s29] =	stream.linear.scatter [tilespmem:s28], [sflag:$0x3], $0x200, $0x38;
	[tilespmem:$0x18200] =	vst v63  }
0x2b7: {  	s30 =	simm.s32 $0x5000;
	s9 =	sld [smem:$0x7F2]  }
0x2b8: {  	[spmem:s31] =	stream.linear.scatter [tilespmem:s30], [sflag:$0x3], $0x200, $0x38;
	[tilespmem:$0x18200] =	vst v63  }
0x2b9: {  	s8 =	simm.s32 $0x5400;
	s21 =	sld [smem:$0x7F3]  }
0x2ba: {  	[spmem:s9] =	stream.linear.scatter [tilespmem:s8], [sflag:$0x3], $0x200, $0x38;
	[tilespmem:$0x18200] =	vst v63  }
0x2bb: {  	s10 =	simm.s32 $0x5800;
	s24 =	sld [smem:$0x7F4]  }
0x2bc: {  	[spmem:s21] =	stream.linear.scatter [tilespmem:s10], [sflag:$0x3], $0x200, $0x38;
	[tilespmem:$0x18200] =	vst v63  }
0x2bd: {  	s23 =	simm.s32 $0x5C00;
	s26 =	sld [smem:$0x7F5]  }
0x2be: {  	[spmem:s24] =	stream.linear.scatter [tilespmem:s23], [sflag:$0x3], $0x200, $0x38;
	[tilespmem:$0x18200] =	vst v63  }
0x2bf: {  	s25 =	simm.s32 $0x6000;
	s29 =	sld [smem:$0x7F6]  }
0x2c0: {  	[spmem:s26] =	stream.linear.scatter [tilespmem:s25], [sflag:$0x3], $0x200, $0x38;
	[tilespmem:$0x18200] =	vst v63  }
0x2c1: {  	s28 =	simm.s32 $0x6400;
	s31 =	sld [smem:$0x7F7]  }
0x2c2: {  	[spmem:s29] =	stream.linear.scatter [tilespmem:s28], [sflag:$0x3], $0x200, $0x38;
	[tilespmem:$0x18200] =	vst v63  }
0x2c3: {  	s30 =	simm.s32 $0x6800;
	s9 =	sld [smem:$0x7F8]  }
0x2c4: {  	[spmem:s31] =	stream.linear.scatter [tilespmem:s30], [sflag:$0x3], $0x200, $0x38;
	[tilespmem:$0x18200] =	vst v63  }
0x2c5: {  	s8 =	simm.s32 $0x6C00;
	s21 =	sld [smem:$0x7F9]  }
0x2c6: {  	[spmem:s9] =	stream.linear.scatter [tilespmem:s8], [sflag:$0x3], $0x200, $0x38;
	[tilespmem:$0x18200] =	vst v63  }
0x2c7: {  	s10 =	simm.s32 $0x7000;
	s24 =	sld [smem:$0x7FA]  }
0x2c8: {  	[spmem:s21] =	stream.linear.scatter [tilespmem:s10], [sflag:$0x3], $0x200, $0x38;
	[tilespmem:$0x18200] =	vst v63  }
0x2c9: {  	s23 =	simm.s32 $0x7400;
	s26 =	sld [smem:$0x7FB]  }
0x2ca: {  	[spmem:s24] =	stream.linear.scatter [tilespmem:s23], [sflag:$0x3], $0x200, $0x38;
	[tilespmem:$0x18200] =	vst v63  }
0x2cb: {  	s25 =	simm.s32 $0x7800;
	s29 =	sld [smem:$0x7FC]  }
0x2cc: {  	[spmem:s26] =	stream.linear.scatter [tilespmem:s25], [sflag:$0x3], $0x200, $0x38;
	[tilespmem:$0x18200] =	vst v63  }
0x2cd: {  	s28 =	simm.s32 $0x7C00;
	s31 =	sld [smem:$0x7FD]  }
0x2ce: {  	[spmem:s29] =	stream.linear.scatter [tilespmem:s28], [sflag:$0x3], $0x200, $0x38;
	[tilespmem:$0x18200] =	vst v63  }
0x2cf: {  	s30 =	simm.s32 $0x8000  }
0x2d0: {  	[spmem:s31] =	stream.linear.scatter [tilespmem:s30], [sflag:$0x3], $0x200, $0x38;
	[tilespmem:$0x18200] =	vst v63  }
0x2d1: {  	_ =	swait.ge [sflag:s1], $0x4000  }
0x2d2: {  	s8 =	sld [smem:$0x7BE]  }
0x2d3: {  	s9 =	sld [smem:$0x7BD]  }
0x2d4: {  	s6 =	sadd.s32 $0x2040, s6;
	[sflag:s1] =	ssyncset.done $0x0  }
0x2d5: {  	s10 =	simm.s32 $0x40;
	s21 =	simm.s32 $0x80;
	[sflag:s1] =	ssyncadd.s32 $0xFFFFC000  }
0x2d6: {  	[hbm:s6@s21], [sflag:s9] =	dma.strided [spmem:s8@s10], $0x800, s3, $0x10   }
0x2d7: {  	v2 =	vld.msk [tilespmem:s2+$0x0], $0xff;
	_ =	sdelay $0x4  }
0x2d8: {  	v3 =	vshll.u32 v2, $0x5  }
0x2d9: {  	v2 =	vand.u32 $0x7, v2;
	v3 =	vand.u32 $0xFFFFFF00, v3  }
0x2da: {  	v2 =	vor.u32 v2, v3  }
0x2db: {  	v2 =	vperm.xlane v2, v0;
	_ =	sdelay $0x1  }
0x2dc: {  	v2 =	vadd.s32 v1, v2;
	_ =	sdelay $0x3  }
0x2dd: {  	s23 =	simm.s32 $0x200;
	s1 =	rddreg [dreg:$0x1]  }
0x2de: {  	[tilespmem:s23], [sflag:$0x1] =	stream.indirect_vreg.gather [hbm4b:s1+s0], $0x80, v2, vm0, $0xb8;
	[tilespmem:$0x18200] =	vst v63  }
0x2df: {  	s25 =	simm.s32 $0xA00;
	s24 =	rddreg [dreg:$0x7]  }
0x2e0: {  	[tilespmem:s25], [sflag:$0x1] =	stream.indirect_vreg.gather [hbm4b:s24+s0], $0x80, v2, vm0, $0xb8;
	[tilespmem:$0x18200] =	vst v63  }
0x2e1: {  	s28 =	simm.s32 $0x1200;
	s26 =	rddreg [dreg:$0x8]  }
0x2e2: {  	[tilespmem:s28], [sflag:$0x1] =	stream.indirect_vreg.gather [hbm4b:s26+s0], $0x80, v2, vm0, $0xb8;
	[tilespmem:$0x18200] =	vst v63  }
0x2e3: {  	s29 =	simm.s32 $0x1A00  }
0x2e4: {  	[tilespmem:s29], [sflag:$0x1] =	stream.indirect_vreg.gather [hbm4b:s11+s0], $0x80, v2, vm0, $0xb8;
	[tilespmem:$0x18200] =	vst v63  }
0x2e5: {  	s30 =	simm.s32 $0x2200  }
0x2e6: {  	[tilespmem:s30], [sflag:$0x1] =	stream.indirect_vreg.gather [hbm4b:s12+s0], $0x80, v2, vm0, $0xb8;
	[tilespmem:$0x18200] =	vst v63  }
0x2e7: {  	s31 =	simm.s32 $0x2A00  }
0x2e8: {  	[tilespmem:s31], [sflag:$0x1] =	stream.indirect_vreg.gather [hbm4b:s20+s0], $0x80, v2, vm0, $0xb8;
	[tilespmem:$0x18200] =	vst v63  }
0x2e9: {  	p0 =	sne.s32 s5, $0x3A000;
	s3 =	simm.s32 $0x3200  }
0x2ea: {  	[tilespmem:s3], [sflag:$0x1] =	stream.indirect_vreg.gather [hbm4b:s13+s0], $0x80, v2, vm0, $0xb8;
	[tilespmem:$0x18200] =	vst v63  }
0x2eb: {  	s5 =	sadd.s32 $0x2000, s5;
	s4 =	simm.s32 $0x200;
	s8 =	simm.s32 $0x3A00  }
0x2ec: {  	[tilespmem:s8], [sflag:$0x1] =	stream.indirect_vreg.gather [hbm4b:s14+s0], $0x80, v2, vm0, $0xb8;
	[tilespmem:$0x18200] =	vst v63  }
0x2ed: {  	s7 =	simm.s32 $0x1200;
	s6 =	simm.s32 $0xA00;
	s20 =	simm.s32 $0x4200  }
0x2ee: {  	[tilespmem:s20], [sflag:$0x1] =	stream.indirect_vreg.gather [hbm4b:s15+s0], $0x80, v2, vm0, $0xb8;
	[tilespmem:$0x18200] =	vst v63  }
0x2ef: {  	s9 =	simm.s32 $0x1A00;
	s10 =	simm.s32 $0x2200;
	s21 =	simm.s32 $0x4A00  }
0x2f0: {  	[tilespmem:s21], [sflag:$0x1] =	stream.indirect_vreg.gather [hbm4b:s16+s0], $0x80, v2, vm0, $0xb8;
	[tilespmem:$0x18200] =	vst v63  }
0x2f1: {  	s2 =	sadd.s32 $0x10, s2;
	s23 =	simm.s32 $0x5200;
	s24 =	simm.s32 $0x5A00  }
0x2f2: {  	[tilespmem:s23], [sflag:$0x1] =	stream.indirect_vreg.gather [hbm4b:s17+s0], $0x80, v2, vm0, $0xb8;
	[tilespmem:$0x18200] =	vst v63  }
0x2f3: {  	s25 =	simm.s32 $0x6200;
	s26 =	rddreg [dreg:$0x13];
	s28 =	simm.s32 $0x6A00  }
0x2f4: {  	[tilespmem:s24], [sflag:$0x1] =	stream.indirect_vreg.gather [hbm4b:s18+s0], $0x80, v2, vm0, $0xb8;
	[tilespmem:$0x18200] =	vst v63  }
0x2f5: {  	s11 =	simm.s32 $0x2A00;
	s29 =	rddreg [dreg:$0x14];
	s12 =	simm.s32 $0x3200  }
0x2f6: {  	[tilespmem:s25], [sflag:$0x1] =	stream.indirect_vreg.gather [hbm4b:s19+s0], $0x80, v2, vm0, $0xb8;
	[tilespmem:$0x18200] =	vst v63  }
0x2f7: {  	s30 =	simm.s32 $0x7200;
	s31 =	simm.s32 $0x7A00;
	s13 =	simm.s32 $0x3A00  }
0x2f8: {  	[tilespmem:s28], [sflag:$0x1] =	stream.indirect_vreg.gather [hbm4b:s26+s0], $0x80, v2, vm0, $0xb8;
	[tilespmem:$0x18200] =	vst v63  }
.Ltmp0:
0x2f9: {  	s14 =	simm.s32 $0x4200;
	s8 =	simm.s32 $0x7A00;
	(pc) =	sbr.rel @p0 .LBB2_2-.Ltmp0, $4  }
0x2fa: {  	s15 =	simm.s32 $0x4A00;
	s20 =	simm.s32 $0x7200;
	s16 =	simm.s32 $0x5200  }
0x2fb: {  	[tilespmem:s30], [sflag:$0x1] =	stream.indirect_vreg.gather [hbm4b:s29+s0], $0x80, v2, vm0, $0xb8;
	[tilespmem:$0x18200] =	vst v63  }
0x2fc: {  	s17 =	simm.s32 $0x5A00;
	s18 =	simm.s32 $0x6200;
	s19 =	simm.s32 $0x6A00  }
0x2fd: {  	[tilespmem:s31], [sflag:$0x1] =	stream.indirect_vreg.gather [hbm4b:s22+s0], $0x80, v2, vm0, $0xb8;
	[tilespmem:$0x18200] =	vst v63  }
0x2fe: {  	s0 =	simm.s32 $0x2  }
0x2ff: {  	_ =	swait.ge [sflag:s0], $0x8000  }
0x300: {  	[sflag:s0] =	ssyncset.done $0x0  }
0x301: {  	s22 =	simm.s32 $0x4;
	[sflag:s0] =	ssyncadd.s32 $0xFFFF8000  }
0x302: {  	_ =	swait.ge [sflag:s22], $0x800  }
0x303: {  	[sflag:s22] =	ssyncset.done $0x0;
	s26 =	rddreg [dreg:$0x16]  }
0x304: {  	s1 =	simm.s32 $0x8200;
	s28 =	sld [smem:$0x7C0];
	[sflag:s22] =	ssyncadd.s32 $0xFFFFF800  }
0x305: {  	[spmem:s26] =	stream.linear.scatter [tilespmem:s1], [sflag:$0x3], $0x200, $0x38;
	[tilespmem:$0x18200] =	vst v63  }
0x306: {  	s29 =	simm.s32 $0x8600;
	s30 =	sld [smem:$0x7C1]  }
0x307: {  	[spmem:s28] =	stream.linear.scatter [tilespmem:s29], [sflag:$0x3], $0x200, $0x38;
	[tilespmem:$0x18200] =	vst v63  }
0x308: {  	s31 =	simm.s32 $0x8A00;
	s2 =	sld [smem:$0x7C2]  }
0x309: {  	[spmem:s30] =	stream.linear.scatter [tilespmem:s31], [sflag:$0x3], $0x200, $0x38;
	[tilespmem:$0x18200] =	vst v63  }
0x30a: {  	s3 =	simm.s32 $0x8E00;
	s5 =	sld [smem:$0x7C3]  }
0x30b: {  	[spmem:s2] =	stream.linear.scatter [tilespmem:s3], [sflag:$0x3], $0x200, $0x38;
	[tilespmem:$0x18200] =	vst v63  }
0x30c: {  	s21 =	simm.s32 $0x9200;
	s23 =	sld [smem:$0x7C4]  }
0x30d: {  	[spmem:s5] =	stream.linear.scatter [tilespmem:s21], [sflag:$0x3], $0x200, $0x38;
	[tilespmem:$0x18200] =	vst v63  }
0x30e: {  	s24 =	simm.s32 $0x9600;
	s25 =	sld [smem:$0x7C5]  }
0x30f: {  	[spmem:s23] =	stream.linear.scatter [tilespmem:s24], [sflag:$0x3], $0x200, $0x38;
	[tilespmem:$0x18200] =	vst v63  }
0x310: {  	s26 =	simm.s32 $0x9A00;
	s28 =	sld [smem:$0x7C6]  }
0x311: {  	[spmem:s25] =	stream.linear.scatter [tilespmem:s26], [sflag:$0x3], $0x200, $0x38;
	[tilespmem:$0x18200] =	vst v63  }
0x312: {  	s29 =	simm.s32 $0x9E00;
	s30 =	sld [smem:$0x7C7]  }
0x313: {  	[spmem:s28] =	stream.linear.scatter [tilespmem:s29], [sflag:$0x3], $0x200, $0x38;
	[tilespmem:$0x18200] =	vst v63  }
0x314: {  	s31 =	simm.s32 $0xA200;
	s2 =	sld [smem:$0x7C8]  }
0x315: {  	[spmem:s30] =	stream.linear.scatter [tilespmem:s31], [sflag:$0x3], $0x200, $0x38;
	[tilespmem:$0x18200] =	vst v63  }
0x316: {  	s3 =	simm.s32 $0xA600;
	s5 =	sld [smem:$0x7C9]  }
0x317: {  	[spmem:s2] =	stream.linear.scatter [tilespmem:s3], [sflag:$0x3], $0x200, $0x38;
	[tilespmem:$0x18200] =	vst v63  }
0x318: {  	s21 =	simm.s32 $0xAA00;
	s23 =	sld [smem:$0x7CA]  }
0x319: {  	[spmem:s5] =	stream.linear.scatter [tilespmem:s21], [sflag:$0x3], $0x200, $0x38;
	[tilespmem:$0x18200] =	vst v63  }
0x31a: {  	s24 =	simm.s32 $0xAE00;
	s25 =	sld [smem:$0x7CB]  }
0x31b: {  	[spmem:s23] =	stream.linear.scatter [tilespmem:s24], [sflag:$0x3], $0x200, $0x38;
	[tilespmem:$0x18200] =	vst v63  }
0x31c: {  	s26 =	simm.s32 $0xB200;
	s28 =	sld [smem:$0x7CC]  }
0x31d: {  	[spmem:s25] =	stream.linear.scatter [tilespmem:s26], [sflag:$0x3], $0x200, $0x38;
	[tilespmem:$0x18200] =	vst v63  }
0x31e: {  	s29 =	simm.s32 $0xB600;
	s30 =	sld [smem:$0x7CD]  }
0x31f: {  	[spmem:s28] =	stream.linear.scatter [tilespmem:s29], [sflag:$0x3], $0x200, $0x38;
	[tilespmem:$0x18200] =	vst v63  }
0x320: {  	s0 =	sld [smem:$0x7CE];
	s31 =	simm.s32 $0xBA00  }
0x321: {  	[spmem:s30] =	stream.linear.scatter [tilespmem:s31], [sflag:$0x3], $0x200, $0x38;
	[tilespmem:$0x18200] =	vst v63  }
0x322: {  	s2 =	simm.s32 $0xBE00;
	s3 =	sld [smem:$0x7CF]  }
0x323: {  	[spmem:s0] =	stream.linear.scatter [tilespmem:s2], [sflag:$0x3], $0x200, $0x38;
	[tilespmem:$0x18200] =	vst v63  }
0x324: {  	s5 =	simm.s32 $0xC200;
	s21 =	sld [smem:$0x7D0]  }
0x325: {  	[spmem:s3] =	stream.linear.scatter [tilespmem:s5], [sflag:$0x3], $0x200, $0x38;
	[tilespmem:$0x18200] =	vst v63  }
0x326: {  	s23 =	simm.s32 $0xC600;
	s24 =	sld [smem:$0x7D1]  }
0x327: {  	[spmem:s21] =	stream.linear.scatter [tilespmem:s23], [sflag:$0x3], $0x200, $0x38;
	[tilespmem:$0x18200] =	vst v63  }
0x328: {  	s25 =	simm.s32 $0xCA00;
	s23 =	sld [smem:$0x7D2]  }
0x329: {  	[spmem:s24] =	stream.linear.scatter [tilespmem:s25], [sflag:$0x3], $0x200, $0x38;
	[tilespmem:$0x18200] =	vst v63  }
0x32a: {  	s26 =	simm.s32 $0xCE00;
	s24 =	sld [smem:$0x7D3]  }
0x32b: {  	[spmem:s23] =	stream.linear.scatter [tilespmem:s26], [sflag:$0x3], $0x200, $0x38;
	[tilespmem:$0x18200] =	vst v63  }
0x32c: {  	s28 =	simm.s32 $0xD200;
	s25 =	sld [smem:$0x7D4]  }
0x32d: {  	[spmem:s24] =	stream.linear.scatter [tilespmem:s28], [sflag:$0x3], $0x200, $0x38;
	[tilespmem:$0x18200] =	vst v63  }
0x32e: {  	s29 =	simm.s32 $0xD600;
	s26 =	sld [smem:$0x7D5]  }
0x32f: {  	[spmem:s25] =	stream.linear.scatter [tilespmem:s29], [sflag:$0x3], $0x200, $0x38;
	[tilespmem:$0x18200] =	vst v63  }
0x330: {  	s30 =	simm.s32 $0xDA00;
	s28 =	sld [smem:$0x7D6]  }
0x331: {  	[spmem:s26] =	stream.linear.scatter [tilespmem:s30], [sflag:$0x3], $0x200, $0x38;
	[tilespmem:$0x18200] =	vst v63  }
0x332: {  	s31 =	simm.s32 $0xDE00;
	s29 =	sld [smem:$0x7D7]  }
0x333: {  	[spmem:s28] =	stream.linear.scatter [tilespmem:s31], [sflag:$0x3], $0x200, $0x38;
	[tilespmem:$0x18200] =	vst v63  }
0x334: {  	s1 =	simm.s32 $0xE200;
	s30 =	sld [smem:$0x7D8]  }
0x335: {  	[spmem:s29] =	stream.linear.scatter [tilespmem:s1], [sflag:$0x3], $0x200, $0x38;
	[tilespmem:$0x18200] =	vst v63  }
0x336: {  	s2 =	simm.s32 $0xE600;
	s31 =	sld [smem:$0x7D9]  }
0x337: {  	[spmem:s30] =	stream.linear.scatter [tilespmem:s2], [sflag:$0x3], $0x200, $0x38;
	[tilespmem:$0x18200] =	vst v63  }
0x338: {  	s3 =	simm.s32 $0xEA00;
	s5 =	sld [smem:$0x7DA]  }
0x339: {  	[spmem:s31] =	stream.linear.scatter [tilespmem:s3], [sflag:$0x3], $0x200, $0x38;
	[tilespmem:$0x18200] =	vst v63  }
0x33a: {  	s21 =	simm.s32 $0xEE00;
	s2 =	sld [smem:$0x7DB]  }
0x33b: {  	[spmem:s5] =	stream.linear.scatter [tilespmem:s21], [sflag:$0x3], $0x200, $0x38;
	[tilespmem:$0x18200] =	vst v63  }
0x33c: {  	s3 =	simm.s32 $0xF200;
	s5 =	sld [smem:$0x7DC]  }
0x33d: {  	[spmem:s2] =	stream.linear.scatter [tilespmem:s3], [sflag:$0x3], $0x200, $0x38;
	[tilespmem:$0x18200] =	vst v63  }
0x33e: {  	s21 =	simm.s32 $0xF600;
	s2 =	sld [smem:$0x7DD]  }
0x33f: {  	[spmem:s5] =	stream.linear.scatter [tilespmem:s21], [sflag:$0x3], $0x200, $0x38;
	[tilespmem:$0x18200] =	vst v63  }
0x340: {  	s3 =	simm.s32 $0xFA00;
	s5 =	sld [smem:$0x7DE]  }
0x341: {  	[spmem:s2] =	stream.linear.scatter [tilespmem:s3], [sflag:$0x3], $0x200, $0x38;
	[tilespmem:$0x18200] =	vst v63  }
0x342: {  	s21 =	simm.s32 $0xFE00  }
0x343: {  	[spmem:s5] =	stream.linear.scatter [tilespmem:s21], [sflag:$0x3], $0x200, $0x38;
	[tilespmem:$0x18200] =	vst v63  }
0x344: {  	s5 =	simm.s32 $0x3  }
0x345: {  	_ =	swait.ge [sflag:s5], $0x4000  }
0x346: {  	s1 =	sld [smem:$0x7BB]  }
0x347: {  	s3 =	sld [smem:$0x7BC]  }
0x348: {  	s2 =	simm.s32 $0x40;
	[sflag:s5] =	ssyncset.done $0x0  }
0x349: {  	s21 =	simm.s32 $0x80;
	s0 =	rddreg [dreg:$0x1a];
	[sflag:s5] =	ssyncadd.s32 $0xFFFFC000  }
0x34a: {  	[hbm:s0@s21], [sflag:s1] =	dma.strided [spmem:s3@s2], $0x800, s22, $0x10   }
0x34b: {  	s2 =	simm.s32 $0x5  }
0x34c: {  	_ =	swait.ge [sflag:s2], $0x800  }
0x34d: {  	[sflag:s2] =	ssyncset.done $0x0  }
0x34e: {  	s0 =	rddreg [dreg:$0x18];
	[sflag:s2] =	ssyncadd.s32 $0xFFFFF800;
	s2 =	simm.s32 $0x8400  }
0x34f: {  	[spmem:s0] =	stream.linear.scatter [tilespmem:s2], [sflag:$0x3], $0x200, $0x38;
	[tilespmem:$0x18200] =	vst v63  }
0x350: {  	s0 =	sld [smem:$0x7DF];
	_ =	sdelay $0x1  }
0x351: {  	s2 =	simm.s32 $0x8800  }
0x352: {  	[spmem:s0] =	stream.linear.scatter [tilespmem:s2], [sflag:$0x3], $0x200, $0x38;
	[tilespmem:$0x18200] =	vst v63  }
0x353: {  	s0 =	sld [smem:$0x7E0];
	_ =	sdelay $0x1  }
0x354: {  	s2 =	simm.s32 $0x8C00  }
0x355: {  	[spmem:s0] =	stream.linear.scatter [tilespmem:s2], [sflag:$0x3], $0x200, $0x38;
	[tilespmem:$0x18200] =	vst v63  }
0x356: {  	s0 =	sld [smem:$0x7E1];
	_ =	sdelay $0x1  }
0x357: {  	s2 =	simm.s32 $0x9000  }
0x358: {  	[spmem:s0] =	stream.linear.scatter [tilespmem:s2], [sflag:$0x3], $0x200, $0x38;
	[tilespmem:$0x18200] =	vst v63  }
0x359: {  	s0 =	sld [smem:$0x7E2];
	_ =	sdelay $0x1  }
0x35a: {  	s2 =	simm.s32 $0x9400  }
0x35b: {  	[spmem:s0] =	stream.linear.scatter [tilespmem:s2], [sflag:$0x3], $0x200, $0x38;
	[tilespmem:$0x18200] =	vst v63  }
0x35c: {  	s0 =	sld [smem:$0x7E3];
	_ =	sdelay $0x1  }
0x35d: {  	s2 =	simm.s32 $0x9800  }
0x35e: {  	[spmem:s0] =	stream.linear.scatter [tilespmem:s2], [sflag:$0x3], $0x200, $0x38;
	[tilespmem:$0x18200] =	vst v63  }
0x35f: {  	s0 =	sld [smem:$0x7E4];
	_ =	sdelay $0x1  }
0x360: {  	s2 =	simm.s32 $0x9C00  }
0x361: {  	[spmem:s0] =	stream.linear.scatter [tilespmem:s2], [sflag:$0x3], $0x200, $0x38;
	[tilespmem:$0x18200] =	vst v63  }
0x362: {  	s0 =	sld [smem:$0x7E5];
	_ =	sdelay $0x1  }
0x363: {  	s2 =	simm.s32 $0xA000  }
0x364: {  	[spmem:s0] =	stream.linear.scatter [tilespmem:s2], [sflag:$0x3], $0x200, $0x38;
	[tilespmem:$0x18200] =	vst v63  }
0x365: {  	s0 =	sld [smem:$0x7E6];
	_ =	sdelay $0x1  }
0x366: {  	s2 =	simm.s32 $0xA400  }
0x367: {  	[spmem:s0] =	stream.linear.scatter [tilespmem:s2], [sflag:$0x3], $0x200, $0x38;
	[tilespmem:$0x18200] =	vst v63  }
0x368: {  	s0 =	sld [smem:$0x7E7];
	_ =	sdelay $0x1  }
0x369: {  	s2 =	simm.s32 $0xA800  }
0x36a: {  	[spmem:s0] =	stream.linear.scatter [tilespmem:s2], [sflag:$0x3], $0x200, $0x38;
	[tilespmem:$0x18200] =	vst v63  }
0x36b: {  	s0 =	sld [smem:$0x7E8];
	_ =	sdelay $0x1  }
0x36c: {  	s2 =	simm.s32 $0xAC00  }
0x36d: {  	[spmem:s0] =	stream.linear.scatter [tilespmem:s2], [sflag:$0x3], $0x200, $0x38;
	[tilespmem:$0x18200] =	vst v63  }
0x36e: {  	s0 =	sld [smem:$0x7E9];
	_ =	sdelay $0x1  }
0x36f: {  	s2 =	simm.s32 $0xB000  }
0x370: {  	[spmem:s0] =	stream.linear.scatter [tilespmem:s2], [sflag:$0x3], $0x200, $0x38;
	[tilespmem:$0x18200] =	vst v63  }
0x371: {  	s0 =	sld [smem:$0x7EA];
	_ =	sdelay $0x1  }
0x372: {  	s2 =	simm.s32 $0xB400  }
0x373: {  	[spmem:s0] =	stream.linear.scatter [tilespmem:s2], [sflag:$0x3], $0x200, $0x38;
	[tilespmem:$0x18200] =	vst v63  }
0x374: {  	s0 =	sld [smem:$0x7EB];
	_ =	sdelay $0x1  }
0x375: {  	s2 =	simm.s32 $0xB800  }
0x376: {  	[spmem:s0] =	stream.linear.scatter [tilespmem:s2], [sflag:$0x3], $0x200, $0x38;
	[tilespmem:$0x18200] =	vst v63  }
0x377: {  	s0 =	sld [smem:$0x7EC];
	_ =	sdelay $0x1  }
0x378: {  	s2 =	simm.s32 $0xBC00  }
0x379: {  	[spmem:s0] =	stream.linear.scatter [tilespmem:s2], [sflag:$0x3], $0x200, $0x38;
	[tilespmem:$0x18200] =	vst v63  }
0x37a: {  	s0 =	sld [smem:$0x7ED];
	_ =	sdelay $0x1  }
0x37b: {  	s2 =	simm.s32 $0xC000  }
0x37c: {  	[spmem:s0] =	stream.linear.scatter [tilespmem:s2], [sflag:$0x3], $0x200, $0x38;
	[tilespmem:$0x18200] =	vst v63  }
0x37d: {  	s0 =	sld [smem:$0x7EE];
	_ =	sdelay $0x1  }
0x37e: {  	s2 =	simm.s32 $0xC400  }
0x37f: {  	[spmem:s0] =	stream.linear.scatter [tilespmem:s2], [sflag:$0x3], $0x200, $0x38;
	[tilespmem:$0x18200] =	vst v63  }
0x380: {  	s0 =	sld [smem:$0x7EF];
	_ =	sdelay $0x1  }
0x381: {  	s2 =	simm.s32 $0xC800  }
0x382: {  	[spmem:s0] =	stream.linear.scatter [tilespmem:s2], [sflag:$0x3], $0x200, $0x38;
	[tilespmem:$0x18200] =	vst v63  }
0x383: {  	s0 =	sld [smem:$0x7F0];
	_ =	sdelay $0x1  }
0x384: {  	s2 =	simm.s32 $0xCC00  }
0x385: {  	[spmem:s0] =	stream.linear.scatter [tilespmem:s2], [sflag:$0x3], $0x200, $0x38;
	[tilespmem:$0x18200] =	vst v63  }
0x386: {  	s0 =	sld [smem:$0x7F1];
	_ =	sdelay $0x1  }
0x387: {  	s2 =	simm.s32 $0xD000  }
0x388: {  	[spmem:s0] =	stream.linear.scatter [tilespmem:s2], [sflag:$0x3], $0x200, $0x38;
	[tilespmem:$0x18200] =	vst v63  }
0x389: {  	s0 =	sld [smem:$0x7F2];
	_ =	sdelay $0x1  }
0x38a: {  	s2 =	simm.s32 $0xD400  }
0x38b: {  	[spmem:s0] =	stream.linear.scatter [tilespmem:s2], [sflag:$0x3], $0x200, $0x38;
	[tilespmem:$0x18200] =	vst v63  }
0x38c: {  	s0 =	sld [smem:$0x7F3];
	_ =	sdelay $0x1  }
0x38d: {  	s2 =	simm.s32 $0xD800  }
0x38e: {  	[spmem:s0] =	stream.linear.scatter [tilespmem:s2], [sflag:$0x3], $0x200, $0x38;
	[tilespmem:$0x18200] =	vst v63  }
0x38f: {  	s0 =	sld [smem:$0x7F4];
	_ =	sdelay $0x1  }
0x390: {  	s2 =	simm.s32 $0xDC00  }
0x391: {  	[spmem:s0] =	stream.linear.scatter [tilespmem:s2], [sflag:$0x3], $0x200, $0x38;
	[tilespmem:$0x18200] =	vst v63  }
0x392: {  	s0 =	sld [smem:$0x7F5];
	_ =	sdelay $0x1  }
0x393: {  	s2 =	simm.s32 $0xE000  }
0x394: {  	[spmem:s0] =	stream.linear.scatter [tilespmem:s2], [sflag:$0x3], $0x200, $0x38;
	[tilespmem:$0x18200] =	vst v63  }
0x395: {  	s0 =	sld [smem:$0x7F6];
	_ =	sdelay $0x1  }
0x396: {  	s2 =	simm.s32 $0xE400  }
0x397: {  	[spmem:s0] =	stream.linear.scatter [tilespmem:s2], [sflag:$0x3], $0x200, $0x38;
	[tilespmem:$0x18200] =	vst v63  }
0x398: {  	s0 =	sld [smem:$0x7F7];
	_ =	sdelay $0x1  }
0x399: {  	s2 =	simm.s32 $0xE800  }
0x39a: {  	[spmem:s0] =	stream.linear.scatter [tilespmem:s2], [sflag:$0x3], $0x200, $0x38;
	[tilespmem:$0x18200] =	vst v63  }
0x39b: {  	s0 =	sld [smem:$0x7F8];
	_ =	sdelay $0x1  }
0x39c: {  	s2 =	simm.s32 $0xEC00  }
0x39d: {  	[spmem:s0] =	stream.linear.scatter [tilespmem:s2], [sflag:$0x3], $0x200, $0x38;
	[tilespmem:$0x18200] =	vst v63  }
0x39e: {  	s0 =	sld [smem:$0x7F9];
	_ =	sdelay $0x1  }
0x39f: {  	s2 =	simm.s32 $0xF000  }
0x3a0: {  	[spmem:s0] =	stream.linear.scatter [tilespmem:s2], [sflag:$0x3], $0x200, $0x38;
	[tilespmem:$0x18200] =	vst v63  }
0x3a1: {  	s0 =	sld [smem:$0x7FA];
	_ =	sdelay $0x1  }
0x3a2: {  	s2 =	simm.s32 $0xF400  }
0x3a3: {  	[spmem:s0] =	stream.linear.scatter [tilespmem:s2], [sflag:$0x3], $0x200, $0x38;
	[tilespmem:$0x18200] =	vst v63  }
0x3a4: {  	s0 =	sld [smem:$0x7FB];
	_ =	sdelay $0x1  }
0x3a5: {  	s2 =	simm.s32 $0xF800  }
0x3a6: {  	[spmem:s0] =	stream.linear.scatter [tilespmem:s2], [sflag:$0x3], $0x200, $0x38;
	[tilespmem:$0x18200] =	vst v63  }
0x3a7: {  	s0 =	sld [smem:$0x7FC];
	_ =	sdelay $0x1  }
0x3a8: {  	s2 =	simm.s32 $0xFC00  }
0x3a9: {  	[spmem:s0] =	stream.linear.scatter [tilespmem:s2], [sflag:$0x3], $0x200, $0x38;
	[tilespmem:$0x18200] =	vst v63  }
0x3aa: {  	s0 =	sld [smem:$0x7FD];
	_ =	sdelay $0x1  }
0x3ab: {  	s2 =	simm.s32 $0x10000  }
0x3ac: {  	[spmem:s0] =	stream.linear.scatter [tilespmem:s2], [sflag:$0x3], $0x200, $0x38;
	[tilespmem:$0x18200] =	vst v63  }
0x3ad: {  	_ =	swait.ge [sflag:s5], $0x4000  }
0x3ae: {  	s1 =	sld [smem:$0x7BD]  }
0x3af: {  	s2 =	sld [smem:$0x7BE]  }
0x3b0: {  	s3 =	simm.s32 $0x80;
	[sflag:s5] =	ssyncset.done $0x0  }
0x3b1: {  	s21 =	simm.s32 $0x40;
	s0 =	rddreg [dreg:$0x1c];
	[sflag:s5] =	ssyncadd.s32 $0xFFFFC000  }
0x3b2: {  	[hbm:s0@s3], [sflag:s1] =	dma.strided [spmem:s2@s21], $0x800, s22, $0x10   }
0x3b3: {  	v2 =	vld.msk [tilespmem:$0x1F8], $0xff;
	_ =	sdelay $0x4  }
0x3b4: {  	v3 =	vshll.u32 v2, $0x5  }
0x3b5: {  	v2 =	vand.u32 $0x7, v2;
	v3 =	vand.u32 $0xFFFFFF00, v3  }
0x3b6: {  	v2 =	vor.u32 v2, v3  }
0x3b7: {  	v2 =	vperm.xlane v2, v0;
	_ =	sdelay $0x1  }
0x3b8: {  	v2 =	vadd.s32 v1, v2;
	_ =	sdelay $0x3  }
0x3b9: {  	s3 =	simm.s32 $0x0;
	s21 =	simm.s32 $0x8200;
	s1 =	rddreg [dreg:$0x1]  }
0x3ba: {  	[tilespmem:s21], [sflag:$0x2] =	stream.indirect_vreg.gather [hbm4b:s1+s3], $0x80, v2, vm0, $0xb8;
	[tilespmem:$0x18200] =	vst v63  }
0x3bb: {  	s2 =	rddreg [dreg:$0x7];
	s21 =	simm.s32 $0x8A00  }
0x3bc: {  	[tilespmem:s21], [sflag:$0x2] =	stream.indirect_vreg.gather [hbm4b:s2+s3], $0x80, v2, vm0, $0xb8;
	[tilespmem:$0x18200] =	vst v63  }
0x3bd: {  	s2 =	rddreg [dreg:$0x8];
	s21 =	simm.s32 $0x9200  }
0x3be: {  	[tilespmem:s21], [sflag:$0x2] =	stream.indirect_vreg.gather [hbm4b:s2+s3], $0x80, v2, vm0, $0xb8;
	[tilespmem:$0x18200] =	vst v63  }
0x3bf: {  	s2 =	rddreg [dreg:$0x9];
	s21 =	simm.s32 $0x9A00  }
0x3c0: {  	[tilespmem:s21], [sflag:$0x2] =	stream.indirect_vreg.gather [hbm4b:s2+s3], $0x80, v2, vm0, $0xb8;
	[tilespmem:$0x18200] =	vst v63  }
0x3c1: {  	s2 =	rddreg [dreg:$0xa];
	s21 =	simm.s32 $0xA200  }
0x3c2: {  	[tilespmem:s21], [sflag:$0x2] =	stream.indirect_vreg.gather [hbm4b:s2+s3], $0x80, v2, vm0, $0xb8;
	[tilespmem:$0x18200] =	vst v63  }
0x3c3: {  	s2 =	rddreg [dreg:$0xb];
	s21 =	simm.s32 $0xAA00  }
0x3c4: {  	[tilespmem:s21], [sflag:$0x2] =	stream.indirect_vreg.gather [hbm4b:s2+s3], $0x80, v2, vm0, $0xb8;
	[tilespmem:$0x18200] =	vst v63  }
0x3c5: {  	s2 =	rddreg [dreg:$0xc];
	s21 =	simm.s32 $0xB200  }
0x3c6: {  	[tilespmem:s21], [sflag:$0x2] =	stream.indirect_vreg.gather [hbm4b:s2+s3], $0x80, v2, vm0, $0xb8;
	[tilespmem:$0x18200] =	vst v63  }
0x3c7: {  	s2 =	rddreg [dreg:$0xd];
	s21 =	simm.s32 $0xBA00  }
0x3c8: {  	[tilespmem:s21], [sflag:$0x2] =	stream.indirect_vreg.gather [hbm4b:s2+s3], $0x80, v2, vm0, $0xb8;
	[tilespmem:$0x18200] =	vst v63  }
0x3c9: {  	s2 =	rddreg [dreg:$0xe];
	s21 =	simm.s32 $0xC200  }
0x3ca: {  	[tilespmem:s21], [sflag:$0x2] =	stream.indirect_vreg.gather [hbm4b:s2+s3], $0x80, v2, vm0, $0xb8;
	[tilespmem:$0x18200] =	vst v63  }
0x3cb: {  	s2 =	rddreg [dreg:$0xf];
	s21 =	simm.s32 $0xCA00  }
0x3cc: {  	[tilespmem:s21], [sflag:$0x2] =	stream.indirect_vreg.gather [hbm4b:s2+s3], $0x80, v2, vm0, $0xb8;
	[tilespmem:$0x18200] =	vst v63  }
0x3cd: {  	s2 =	rddreg [dreg:$0x10];
	s21 =	simm.s32 $0xD200  }
0x3ce: {  	[tilespmem:s21], [sflag:$0x2] =	stream.indirect_vreg.gather [hbm4b:s2+s3], $0x80, v2, vm0, $0xb8;
	[tilespmem:$0x18200] =	vst v63  }
0x3cf: {  	s2 =	rddreg [dreg:$0x11];
	s21 =	simm.s32 $0xDA00  }
0x3d0: {  	[tilespmem:s21], [sflag:$0x2] =	stream.indirect_vreg.gather [hbm4b:s2+s3], $0x80, v2, vm0, $0xb8;
	[tilespmem:$0x18200] =	vst v63  }
0x3d1: {  	s2 =	rddreg [dreg:$0x12];
	s21 =	simm.s32 $0xE200  }
0x3d2: {  	[tilespmem:s21], [sflag:$0x2] =	stream.indirect_vreg.gather [hbm4b:s2+s3], $0x80, v2, vm0, $0xb8;
	[tilespmem:$0x18200] =	vst v63  }
0x3d3: {  	s2 =	rddreg [dreg:$0x13];
	s21 =	simm.s32 $0xEA00  }
0x3d4: {  	[tilespmem:s21], [sflag:$0x2] =	stream.indirect_vreg.gather [hbm4b:s2+s3], $0x80, v2, vm0, $0xb8;
	[tilespmem:$0x18200] =	vst v63  }
0x3d5: {  	s2 =	rddreg [dreg:$0x14];
	s21 =	simm.s32 $0xF200  }
0x3d6: {  	[tilespmem:s21], [sflag:$0x2] =	stream.indirect_vreg.gather [hbm4b:s2+s3], $0x80, v2, vm0, $0xb8;
	[tilespmem:$0x18200] =	vst v63  }
0x3d7: {  	s1 =	rddreg [dreg:$0x15];
	s2 =	simm.s32 $0xFA00  }
0x3d8: {  	[tilespmem:s2], [sflag:$0x2] =	stream.indirect_vreg.gather [hbm4b:s1+s3], $0x80, v2, vm0, $0xb8;
	[tilespmem:$0x18200] =	vst v63  }
0x3d9: {  	s3 =	simm.s32 $0x1  }
0x3da: {  	_ =	swait.ge [sflag:s3], $0x8000  }
0x3db: {  	[sflag:s3] =	ssyncset.done $0x0  }
0x3dc: {  	[sflag:s3] =	ssyncadd.s32 $0xFFFF8000  }
0x3dd: {  	_ =	swait.ge [sflag:s22], $0x800  }
0x3de: {  	[sflag:s22] =	ssyncset.done $0x0;
	s21 =	rddreg [dreg:$0x16]  }
0x3df: {  	s3 =	sld [smem:$0x7C0];
	[sflag:s22] =	ssyncadd.s32 $0xFFFFF800  }
0x3e0: {  	[spmem:s21] =	stream.linear.scatter [tilespmem:s4], [sflag:$0x3], $0x200, $0x38;
	[tilespmem:$0x18200] =	vst v63  }
0x3e1: {  	s4 =	simm.s32 $0x600  }
0x3e2: {  	[spmem:s3] =	stream.linear.scatter [tilespmem:s4], [sflag:$0x3], $0x200, $0x38;
	[tilespmem:$0x18200] =	vst v63  }
0x3e3: {  	s4 =	sld [smem:$0x7C1];
	_ =	sdelay $0x1  }
0x3e4: {  	s1 =	sld [smem:$0x7C2]  }
0x3e5: {  	[spmem:s4] =	stream.linear.scatter [tilespmem:s6], [sflag:$0x3], $0x200, $0x38;
	[tilespmem:$0x18200] =	vst v63  }
0x3e6: {  	s6 =	simm.s32 $0xE00  }
0x3e7: {  	[spmem:s1] =	stream.linear.scatter [tilespmem:s6], [sflag:$0x3], $0x200, $0x38;
	[tilespmem:$0x18200] =	vst v63  }
0x3e8: {  	s6 =	sld [smem:$0x7C3];
	_ =	sdelay $0x2  }
0x3e9: {  	[spmem:s6] =	stream.linear.scatter [tilespmem:s7], [sflag:$0x3], $0x200, $0x38;
	[tilespmem:$0x18200] =	vst v63  }
0x3ea: {  	s7 =	sld [smem:$0x7C4];
	_ =	sdelay $0x1  }
0x3eb: {  	s2 =	simm.s32 $0x1600  }
0x3ec: {  	[spmem:s7] =	stream.linear.scatter [tilespmem:s2], [sflag:$0x3], $0x200, $0x38;
	[tilespmem:$0x18200] =	vst v63  }
0x3ed: {  	s2 =	sld [smem:$0x7C5];
	_ =	sdelay $0x2  }
0x3ee: {  	[spmem:s2] =	stream.linear.scatter [tilespmem:s9], [sflag:$0x3], $0x200, $0x38;
	[tilespmem:$0x18200] =	vst v63  }
0x3ef: {  	s9 =	sld [smem:$0x7C6];
	_ =	sdelay $0x1  }
0x3f0: {  	s0 =	simm.s32 $0x1E00  }
0x3f1: {  	[spmem:s9] =	stream.linear.scatter [tilespmem:s0], [sflag:$0x3], $0x200, $0x38;
	[tilespmem:$0x18200] =	vst v63  }
0x3f2: {  	s0 =	sld [smem:$0x7C7];
	_ =	sdelay $0x2  }
0x3f3: {  	[spmem:s0] =	stream.linear.scatter [tilespmem:s10], [sflag:$0x3], $0x200, $0x38;
	[tilespmem:$0x18200] =	vst v63  }
0x3f4: {  	s10 =	sld [smem:$0x7C8];
	_ =	sdelay $0x1  }
0x3f5: {  	s0 =	simm.s32 $0x2600  }
0x3f6: {  	[spmem:s10] =	stream.linear.scatter [tilespmem:s0], [sflag:$0x3], $0x200, $0x38;
	[tilespmem:$0x18200] =	vst v63  }
0x3f7: {  	s0 =	sld [smem:$0x7C9];
	_ =	sdelay $0x2  }
0x3f8: {  	[spmem:s0] =	stream.linear.scatter [tilespmem:s11], [sflag:$0x3], $0x200, $0x38;
	[tilespmem:$0x18200] =	vst v63  }
0x3f9: {  	s11 =	sld [smem:$0x7CA];
	_ =	sdelay $0x1  }
0x3fa: {  	s0 =	simm.s32 $0x2E00  }
0x3fb: {  	[spmem:s11] =	stream.linear.scatter [tilespmem:s0], [sflag:$0x3], $0x200, $0x38;
	[tilespmem:$0x18200] =	vst v63  }
0x3fc: {  	s0 =	sld [smem:$0x7CB];
	_ =	sdelay $0x2  }
0x3fd: {  	[spmem:s0] =	stream.linear.scatter [tilespmem:s12], [sflag:$0x3], $0x200, $0x38;
	[tilespmem:$0x18200] =	vst v63  }
0x3fe: {  	s12 =	sld [smem:$0x7CC];
	_ =	sdelay $0x1  }
0x3ff: {  	s0 =	simm.s32 $0x3600  }
0x400: {  	[spmem:s12] =	stream.linear.scatter [tilespmem:s0], [sflag:$0x3], $0x200, $0x38;
	[tilespmem:$0x18200] =	vst v63  }
0x401: {  	s0 =	sld [smem:$0x7CD];
	_ =	sdelay $0x2  }
0x402: {  	[spmem:s0] =	stream.linear.scatter [tilespmem:s13], [sflag:$0x3], $0x200, $0x38;
	[tilespmem:$0x18200] =	vst v63  }
0x403: {  	s13 =	sld [smem:$0x7CE];
	_ =	sdelay $0x1  }
0x404: {  	s0 =	simm.s32 $0x3E00  }
0x405: {  	[spmem:s13] =	stream.linear.scatter [tilespmem:s0], [sflag:$0x3], $0x200, $0x38;
	[tilespmem:$0x18200] =	vst v63  }
0x406: {  	s13 =	sld [smem:$0x7CF];
	_ =	sdelay $0x2  }
0x407: {  	[spmem:s13] =	stream.linear.scatter [tilespmem:s14], [sflag:$0x3], $0x200, $0x38;
	[tilespmem:$0x18200] =	vst v63  }
0x408: {  	s13 =	sld [smem:$0x7D0];
	_ =	sdelay $0x1  }
0x409: {  	s14 =	simm.s32 $0x4600  }
0x40a: {  	[spmem:s13] =	stream.linear.scatter [tilespmem:s14], [sflag:$0x3], $0x200, $0x38;
	[tilespmem:$0x18200] =	vst v63  }
0x40b: {  	s14 =	sld [smem:$0x7D1];
	_ =	sdelay $0x2  }
0x40c: {  	[spmem:s14] =	stream.linear.scatter [tilespmem:s15], [sflag:$0x3], $0x200, $0x38;
	[tilespmem:$0x18200] =	vst v63  }
0x40d: {  	s15 =	simm.s32 $0x4E00  }
0x40e: {  	[spmem:s23] =	stream.linear.scatter [tilespmem:s15], [sflag:$0x3], $0x200, $0x38;
	[tilespmem:$0x18200] =	vst v63  }
0x40f: {  	_ = 	snop  }
0x410: {  	[spmem:s24] =	stream.linear.scatter [tilespmem:s16], [sflag:$0x3], $0x200, $0x38;
	[tilespmem:$0x18200] =	vst v63  }
0x411: {  	s16 =	simm.s32 $0x5600  }
0x412: {  	[spmem:s25] =	stream.linear.scatter [tilespmem:s16], [sflag:$0x3], $0x200, $0x38;
	[tilespmem:$0x18200] =	vst v63  }
0x413: {  	_ = 	snop  }
0x414: {  	[spmem:s26] =	stream.linear.scatter [tilespmem:s17], [sflag:$0x3], $0x200, $0x38;
	[tilespmem:$0x18200] =	vst v63  }
0x415: {  	s17 =	simm.s32 $0x5E00  }
0x416: {  	[spmem:s28] =	stream.linear.scatter [tilespmem:s17], [sflag:$0x3], $0x200, $0x38;
	[tilespmem:$0x18200] =	vst v63  }
0x417: {  	_ = 	snop  }
0x418: {  	[spmem:s29] =	stream.linear.scatter [tilespmem:s18], [sflag:$0x3], $0x200, $0x38;
	[tilespmem:$0x18200] =	vst v63  }
0x419: {  	s15 =	simm.s32 $0x6600  }
0x41a: {  	[spmem:s30] =	stream.linear.scatter [tilespmem:s15], [sflag:$0x3], $0x200, $0x38;
	[tilespmem:$0x18200] =	vst v63  }
0x41b: {  	s15 =	sld [smem:$0x7DA]  }
0x41c: {  	[spmem:s31] =	stream.linear.scatter [tilespmem:s19], [sflag:$0x3], $0x200, $0x38;
	[tilespmem:$0x18200] =	vst v63  }
0x41d: {  	s16 =	simm.s32 $0x6E00;
	s17 =	sld [smem:$0x7DB]  }
0x41e: {  	[spmem:s15] =	stream.linear.scatter [tilespmem:s16], [sflag:$0x3], $0x200, $0x38;
	[tilespmem:$0x18200] =	vst v63  }
0x41f: {  	s19 =	sld [smem:$0x7DC]  }
0x420: {  	[spmem:s17] =	stream.linear.scatter [tilespmem:s20], [sflag:$0x3], $0x200, $0x38;
	[tilespmem:$0x18200] =	vst v63  }
0x421: {  	s18 =	simm.s32 $0x7600;
	s20 =	sld [smem:$0x7DD]  }
0x422: {  	[spmem:s19] =	stream.linear.scatter [tilespmem:s18], [sflag:$0x3], $0x200, $0x38;
	[tilespmem:$0x18200] =	vst v63  }
0x423: {  	s17 =	sld [smem:$0x7DE]  }
0x424: {  	[spmem:s20] =	stream.linear.scatter [tilespmem:s8], [sflag:$0x3], $0x200, $0x38;
	[tilespmem:$0x18200] =	vst v63  }
0x425: {  	s16 =	simm.s32 $0x7E00  }
0x426: {  	[spmem:s17] =	stream.linear.scatter [tilespmem:s16], [sflag:$0x3], $0x200, $0x38;
	[tilespmem:$0x18200] =	vst v63  }
0x427: {  	_ =	swait.ge [sflag:s5], $0x4000  }
0x428: {  	s8 =	sld [smem:$0x7BC]  }
0x429: {  	s19 =	sld [smem:$0x7BB]  }
0x42a: {  	s20 =	simm.s32 $0x40;
	[sflag:s5] =	ssyncset.done $0x0  }
0x42b: {  	s16 =	simm.s32 $0x80;
	s18 =	rddreg [dreg:$0x1d];
	[sflag:s5] =	ssyncadd.s32 $0xFFFFC000  }
0x42c: {  	[hbm:s18@s16], [sflag:s19] =	dma.strided [spmem:s8@s20], $0x800, s22, $0x10   }
0x42d: {  	s20 =	simm.s32 $0x5  }
0x42e: {  	_ =	swait.ge [sflag:s20], $0x800  }
0x42f: {  	[sflag:s20] =	ssyncset.done $0x0;
	s17 =	rddreg [dreg:$0x18]  }
0x430: {  	s16 =	simm.s32 $0x400;
	s19 =	sld [smem:$0x7DF];
	[sflag:s20] =	ssyncadd.s32 $0xFFFFF800  }
0x431: {  	[spmem:s17] =	stream.linear.scatter [tilespmem:s16], [sflag:$0x3], $0x200, $0x38;
	[tilespmem:$0x18200] =	vst v63  }
0x432: {  	s18 =	simm.s32 $0x800;
	s16 =	sld [smem:$0x7E0]  }
0x433: {  	[spmem:s19] =	stream.linear.scatter [tilespmem:s18], [sflag:$0x3], $0x200, $0x38;
	[tilespmem:$0x18200] =	vst v63  }
0x434: {  	s20 =	simm.s32 $0xC00;
	s19 =	sld [smem:$0x7E1]  }
0x435: {  	[spmem:s16] =	stream.linear.scatter [tilespmem:s20], [sflag:$0x3], $0x200, $0x38;
	[tilespmem:$0x18200] =	vst v63  }
0x436: {  	s18 =	simm.s32 $0x1000;
	s16 =	sld [smem:$0x7E2]  }
0x437: {  	[spmem:s19] =	stream.linear.scatter [tilespmem:s18], [sflag:$0x3], $0x200, $0x38;
	[tilespmem:$0x18200] =	vst v63  }
0x438: {  	s20 =	simm.s32 $0x1400;
	s19 =	sld [smem:$0x7E3]  }
0x439: {  	[spmem:s16] =	stream.linear.scatter [tilespmem:s20], [sflag:$0x3], $0x200, $0x38;
	[tilespmem:$0x18200] =	vst v63  }
0x43a: {  	s18 =	simm.s32 $0x1800;
	s16 =	sld [smem:$0x7E4]  }
0x43b: {  	[spmem:s19] =	stream.linear.scatter [tilespmem:s18], [sflag:$0x3], $0x200, $0x38;
	[tilespmem:$0x18200] =	vst v63  }
0x43c: {  	s20 =	simm.s32 $0x1C00;
	s19 =	sld [smem:$0x7E5]  }
0x43d: {  	[spmem:s16] =	stream.linear.scatter [tilespmem:s20], [sflag:$0x3], $0x200, $0x38;
	[tilespmem:$0x18200] =	vst v63  }
0x43e: {  	s18 =	simm.s32 $0x2000;
	s16 =	sld [smem:$0x7E6]  }
0x43f: {  	[spmem:s19] =	stream.linear.scatter [tilespmem:s18], [sflag:$0x3], $0x200, $0x38;
	[tilespmem:$0x18200] =	vst v63  }
0x440: {  	s20 =	simm.s32 $0x2400;
	s19 =	sld [smem:$0x7E7]  }
0x441: {  	[spmem:s16] =	stream.linear.scatter [tilespmem:s20], [sflag:$0x3], $0x200, $0x38;
	[tilespmem:$0x18200] =	vst v63  }
0x442: {  	s18 =	simm.s32 $0x2800;
	s16 =	sld [smem:$0x7E8]  }
0x443: {  	[spmem:s19] =	stream.linear.scatter [tilespmem:s18], [sflag:$0x3], $0x200, $0x38;
	[tilespmem:$0x18200] =	vst v63  }
0x444: {  	s20 =	simm.s32 $0x2C00;
	s19 =	sld [smem:$0x7E9]  }
0x445: {  	[spmem:s16] =	stream.linear.scatter [tilespmem:s20], [sflag:$0x3], $0x200, $0x38;
	[tilespmem:$0x18200] =	vst v63  }
0x446: {  	s18 =	simm.s32 $0x3000;
	s16 =	sld [smem:$0x7EA]  }
0x447: {  	[spmem:s19] =	stream.linear.scatter [tilespmem:s18], [sflag:$0x3], $0x200, $0x38;
	[tilespmem:$0x18200] =	vst v63  }
0x448: {  	s20 =	simm.s32 $0x3400;
	s19 =	sld [smem:$0x7EB]  }
0x449: {  	[spmem:s16] =	stream.linear.scatter [tilespmem:s20], [sflag:$0x3], $0x200, $0x38;
	[tilespmem:$0x18200] =	vst v63  }
0x44a: {  	s18 =	simm.s32 $0x3800;
	s16 =	sld [smem:$0x7EC]  }
0x44b: {  	[spmem:s19] =	stream.linear.scatter [tilespmem:s18], [sflag:$0x3], $0x200, $0x38;
	[tilespmem:$0x18200] =	vst v63  }
0x44c: {  	s20 =	simm.s32 $0x3C00;
	s19 =	sld [smem:$0x7ED]  }
0x44d: {  	[spmem:s16] =	stream.linear.scatter [tilespmem:s20], [sflag:$0x3], $0x200, $0x38;
	[tilespmem:$0x18200] =	vst v63  }
0x44e: {  	s18 =	simm.s32 $0x4000;
	s16 =	sld [smem:$0x7EE]  }
0x44f: {  	[spmem:s19] =	stream.linear.scatter [tilespmem:s18], [sflag:$0x3], $0x200, $0x38;
	[tilespmem:$0x18200] =	vst v63  }
0x450: {  	s20 =	simm.s32 $0x4400;
	s19 =	sld [smem:$0x7EF]  }
0x451: {  	[spmem:s16] =	stream.linear.scatter [tilespmem:s20], [sflag:$0x3], $0x200, $0x38;
	[tilespmem:$0x18200] =	vst v63  }
0x452: {  	s18 =	simm.s32 $0x4800;
	s16 =	sld [smem:$0x7F0]  }
0x453: {  	[spmem:s19] =	stream.linear.scatter [tilespmem:s18], [sflag:$0x3], $0x200, $0x38;
	[tilespmem:$0x18200] =	vst v63  }
0x454: {  	s20 =	simm.s32 $0x4C00;
	s19 =	sld [smem:$0x7F1]  }
0x455: {  	[spmem:s16] =	stream.linear.scatter [tilespmem:s20], [sflag:$0x3], $0x200, $0x38;
	[tilespmem:$0x18200] =	vst v63  }
0x456: {  	s18 =	simm.s32 $0x5000;
	s16 =	sld [smem:$0x7F2]  }
0x457: {  	[spmem:s19] =	stream.linear.scatter [tilespmem:s18], [sflag:$0x3], $0x200, $0x38;
	[tilespmem:$0x18200] =	vst v63  }
0x458: {  	s20 =	simm.s32 $0x5400;
	s19 =	sld [smem:$0x7F3]  }
0x459: {  	[spmem:s16] =	stream.linear.scatter [tilespmem:s20], [sflag:$0x3], $0x200, $0x38;
	[tilespmem:$0x18200] =	vst v63  }
0x45a: {  	s18 =	simm.s32 $0x5800;
	s16 =	sld [smem:$0x7F4]  }
0x45b: {  	[spmem:s19] =	stream.linear.scatter [tilespmem:s18], [sflag:$0x3], $0x200, $0x38;
	[tilespmem:$0x18200] =	vst v63  }
0x45c: {  	s20 =	simm.s32 $0x5C00;
	s19 =	sld [smem:$0x7F5]  }
0x45d: {  	[spmem:s16] =	stream.linear.scatter [tilespmem:s20], [sflag:$0x3], $0x200, $0x38;
	[tilespmem:$0x18200] =	vst v63  }
0x45e: {  	s18 =	simm.s32 $0x6000;
	s16 =	sld [smem:$0x7F6]  }
0x45f: {  	[spmem:s19] =	stream.linear.scatter [tilespmem:s18], [sflag:$0x3], $0x200, $0x38;
	[tilespmem:$0x18200] =	vst v63  }
0x460: {  	s20 =	simm.s32 $0x6400;
	s19 =	sld [smem:$0x7F7]  }
0x461: {  	[spmem:s16] =	stream.linear.scatter [tilespmem:s20], [sflag:$0x3], $0x200, $0x38;
	[tilespmem:$0x18200] =	vst v63  }
0x462: {  	s18 =	simm.s32 $0x6800;
	s16 =	sld [smem:$0x7F8]  }
0x463: {  	[spmem:s19] =	stream.linear.scatter [tilespmem:s18], [sflag:$0x3], $0x200, $0x38;
	[tilespmem:$0x18200] =	vst v63  }
0x464: {  	s20 =	simm.s32 $0x6C00;
	s19 =	sld [smem:$0x7F9]  }
0x465: {  	[spmem:s16] =	stream.linear.scatter [tilespmem:s20], [sflag:$0x3], $0x200, $0x38;
	[tilespmem:$0x18200] =	vst v63  }
0x466: {  	s18 =	simm.s32 $0x7000;
	s16 =	sld [smem:$0x7FA]  }
0x467: {  	[spmem:s19] =	stream.linear.scatter [tilespmem:s18], [sflag:$0x3], $0x200, $0x38;
	[tilespmem:$0x18200] =	vst v63  }
0x468: {  	s20 =	simm.s32 $0x7400;
	s19 =	sld [smem:$0x7FB]  }
0x469: {  	[spmem:s16] =	stream.linear.scatter [tilespmem:s20], [sflag:$0x3], $0x200, $0x38;
	[tilespmem:$0x18200] =	vst v63  }
0x46a: {  	s18 =	simm.s32 $0x7800;
	s16 =	sld [smem:$0x7FC]  }
0x46b: {  	[spmem:s19] =	stream.linear.scatter [tilespmem:s18], [sflag:$0x3], $0x200, $0x38;
	[tilespmem:$0x18200] =	vst v63  }
0x46c: {  	s20 =	simm.s32 $0x7C00  }
0x46d: {  	[spmem:s16] =	stream.linear.scatter [tilespmem:s20], [sflag:$0x3], $0x200, $0x38;
	[tilespmem:$0x18200] =	vst v63  }
0x46e: {  	s20 =	sld [smem:$0x7FD];
	_ =	sdelay $0x1  }
0x46f: {  	s19 =	simm.s32 $0x8000  }
0x470: {  	[spmem:s20] =	stream.linear.scatter [tilespmem:s19], [sflag:$0x3], $0x200, $0x38;
	[tilespmem:$0x18200] =	vst v63  }
0x471: {  	_ =	swait.ge [sflag:s5], $0x4000  }
0x472: {  	s20 =	sld [smem:$0x7BE]  }
0x473: {  	s16 =	sld [smem:$0x7BD]  }
0x474: {  	s18 =	simm.s32 $0x80;
	[sflag:s5] =	ssyncset.done $0x0  }
0x475: {  	s19 =	simm.s32 $0x40;
	s0 =	rddreg [dreg:$0x1e];
	[sflag:s5] =	ssyncadd.s32 $0xFFFFC000  }
0x476: {  	[hbm:s0@s18], [sflag:s16] =	dma.strided [spmem:s20@s19], $0x800, s22, $0x10   }
0x477: {  	s16 =	simm.s32 $0x2  }
0x478: {  	_ =	swait.ge [sflag:s16], $0x8000  }
0x479: {  	[sflag:s16] =	ssyncset.done $0x0  }
0x47a: {  	[sflag:s16] =	ssyncadd.s32 $0xFFFF8000  }
0x47b: {  	_ =	swait.ge [sflag:s22], $0x800  }
0x47c: {  	[sflag:s22] =	ssyncset.done $0x0  }
0x47d: {  	s18 =	simm.s32 $0x8200;
	[sflag:s22] =	ssyncadd.s32 $0xFFFFF800  }
0x47e: {  	[spmem:s21] =	stream.linear.scatter [tilespmem:s18], [sflag:$0x3], $0x200, $0x38;
	[tilespmem:$0x18200] =	vst v63  }
0x47f: {  	s19 =	simm.s32 $0x8600  }
0x480: {  	[spmem:s3] =	stream.linear.scatter [tilespmem:s19], [sflag:$0x3], $0x200, $0x38;
	[tilespmem:$0x18200] =	vst v63  }
0x481: {  	s20 =	simm.s32 $0x8A00  }
0x482: {  	[spmem:s4] =	stream.linear.scatter [tilespmem:s20], [sflag:$0x3], $0x200, $0x38;
	[tilespmem:$0x18200] =	vst v63  }
0x483: {  	s21 =	simm.s32 $0x8E00  }
0x484: {  	[spmem:s1] =	stream.linear.scatter [tilespmem:s21], [sflag:$0x3], $0x200, $0x38;
	[tilespmem:$0x18200] =	vst v63  }
0x485: {  	s3 =	simm.s32 $0x9200  }
0x486: {  	[spmem:s6] =	stream.linear.scatter [tilespmem:s3], [sflag:$0x3], $0x200, $0x38;
	[tilespmem:$0x18200] =	vst v63  }
0x487: {  	s4 =	simm.s32 $0x9600  }
0x488: {  	[spmem:s7] =	stream.linear.scatter [tilespmem:s4], [sflag:$0x3], $0x200, $0x38;
	[tilespmem:$0x18200] =	vst v63  }
0x489: {  	s6 =	simm.s32 $0x9A00  }
0x48a: {  	[spmem:s2] =	stream.linear.scatter [tilespmem:s6], [sflag:$0x3], $0x200, $0x38;
	[tilespmem:$0x18200] =	vst v63  }
0x48b: {  	s16 =	sld [smem:$0x7C7];
	s7 =	simm.s32 $0x9E00  }
0x48c: {  	[spmem:s9] =	stream.linear.scatter [tilespmem:s7], [sflag:$0x3], $0x200, $0x38;
	[tilespmem:$0x18200] =	vst v63  }
0x48d: {  	s18 =	simm.s32 $0xA200  }
0x48e: {  	[spmem:s16] =	stream.linear.scatter [tilespmem:s18], [sflag:$0x3], $0x200, $0x38;
	[tilespmem:$0x18200] =	vst v63  }
0x48f: {  	s19 =	simm.s32 $0xA600;
	s20 =	sld [smem:$0x7C9]  }
0x490: {  	[spmem:s10] =	stream.linear.scatter [tilespmem:s19], [sflag:$0x3], $0x200, $0x38;
	[tilespmem:$0x18200] =	vst v63  }
0x491: {  	s21 =	simm.s32 $0xAA00  }
0x492: {  	[spmem:s20] =	stream.linear.scatter [tilespmem:s21], [sflag:$0x3], $0x200, $0x38;
	[tilespmem:$0x18200] =	vst v63  }
0x493: {  	s3 =	sld [smem:$0x7CB];
	s2 =	simm.s32 $0xAE00  }
0x494: {  	[spmem:s11] =	stream.linear.scatter [tilespmem:s2], [sflag:$0x3], $0x200, $0x38;
	[tilespmem:$0x18200] =	vst v63  }
0x495: {  	s4 =	simm.s32 $0xB200  }
0x496: {  	[spmem:s3] =	stream.linear.scatter [tilespmem:s4], [sflag:$0x3], $0x200, $0x38;
	[tilespmem:$0x18200] =	vst v63  }
0x497: {  	s6 =	simm.s32 $0xB600;
	s7 =	sld [smem:$0x7CD]  }
0x498: {  	[spmem:s12] =	stream.linear.scatter [tilespmem:s6], [sflag:$0x3], $0x200, $0x38;
	[tilespmem:$0x18200] =	vst v63  }
0x499: {  	s9 =	simm.s32 $0xBA00;
	s11 =	sld [smem:$0x7CE]  }
0x49a: {  	[spmem:s7] =	stream.linear.scatter [tilespmem:s9], [sflag:$0x3], $0x200, $0x38;
	[tilespmem:$0x18200] =	vst v63  }
0x49b: {  	s10 =	simm.s32 $0xBE00;
	s12 =	sld [smem:$0x7CF]  }
0x49c: {  	[spmem:s11] =	stream.linear.scatter [tilespmem:s10], [sflag:$0x3], $0x200, $0x38;
	[tilespmem:$0x18200] =	vst v63  }
0x49d: {  	s16 =	simm.s32 $0xC200  }
0x49e: {  	[spmem:s12] =	stream.linear.scatter [tilespmem:s16], [sflag:$0x3], $0x200, $0x38;
	[tilespmem:$0x18200] =	vst v63  }
0x49f: {  	s18 =	simm.s32 $0xC600  }
0x4a0: {  	[spmem:s13] =	stream.linear.scatter [tilespmem:s18], [sflag:$0x3], $0x200, $0x38;
	[tilespmem:$0x18200] =	vst v63  }
0x4a1: {  	s19 =	simm.s32 $0xCA00  }
0x4a2: {  	[spmem:s14] =	stream.linear.scatter [tilespmem:s19], [sflag:$0x3], $0x200, $0x38;
	[tilespmem:$0x18200] =	vst v63  }
0x4a3: {  	s21 =	simm.s32 $0xCE00  }
0x4a4: {  	[spmem:s23] =	stream.linear.scatter [tilespmem:s21], [sflag:$0x3], $0x200, $0x38;
	[tilespmem:$0x18200] =	vst v63  }
0x4a5: {  	s23 =	simm.s32 $0xD200  }
0x4a6: {  	[spmem:s24] =	stream.linear.scatter [tilespmem:s23], [sflag:$0x3], $0x200, $0x38;
	[tilespmem:$0x18200] =	vst v63  }
0x4a7: {  	s24 =	simm.s32 $0xD600  }
0x4a8: {  	[spmem:s25] =	stream.linear.scatter [tilespmem:s24], [sflag:$0x3], $0x200, $0x38;
	[tilespmem:$0x18200] =	vst v63  }
0x4a9: {  	s25 =	simm.s32 $0xDA00  }
0x4aa: {  	[spmem:s26] =	stream.linear.scatter [tilespmem:s25], [sflag:$0x3], $0x200, $0x38;
	[tilespmem:$0x18200] =	vst v63  }
0x4ab: {  	s26 =	simm.s32 $0xDE00  }
0x4ac: {  	[spmem:s28] =	stream.linear.scatter [tilespmem:s26], [sflag:$0x3], $0x200, $0x38;
	[tilespmem:$0x18200] =	vst v63  }
0x4ad: {  	s28 =	simm.s32 $0xE200  }
0x4ae: {  	[spmem:s29] =	stream.linear.scatter [tilespmem:s28], [sflag:$0x3], $0x200, $0x38;
	[tilespmem:$0x18200] =	vst v63  }
0x4af: {  	s29 =	simm.s32 $0xE600  }
0x4b0: {  	[spmem:s30] =	stream.linear.scatter [tilespmem:s29], [sflag:$0x3], $0x200, $0x38;
	[tilespmem:$0x18200] =	vst v63  }
0x4b1: {  	s1 =	simm.s32 $0xEA00  }
0x4b2: {  	[spmem:s31] =	stream.linear.scatter [tilespmem:s1], [sflag:$0x3], $0x200, $0x38;
	[tilespmem:$0x18200] =	vst v63  }
0x4b3: {  	s2 =	simm.s32 $0xEE00;
	s3 =	sld [smem:$0x7DB]  }
0x4b4: {  	[spmem:s15] =	stream.linear.scatter [tilespmem:s2], [sflag:$0x3], $0x200, $0x38;
	[tilespmem:$0x18200] =	vst v63  }
0x4b5: {  	s6 =	simm.s32 $0xF200;
	s9 =	sld [smem:$0x7DC]  }
0x4b6: {  	[spmem:s3] =	stream.linear.scatter [tilespmem:s6], [sflag:$0x3], $0x200, $0x38;
	[tilespmem:$0x18200] =	vst v63  }
0x4b7: {  	s7 =	simm.s32 $0xF600;
	s10 =	sld [smem:$0x7DD]  }
0x4b8: {  	[spmem:s9] =	stream.linear.scatter [tilespmem:s7], [sflag:$0x3], $0x200, $0x38;
	[tilespmem:$0x18200] =	vst v63  }
0x4b9: {  	s11 =	simm.s32 $0xFA00;
	s13 =	sld [smem:$0x7DE]  }
0x4ba: {  	[spmem:s10] =	stream.linear.scatter [tilespmem:s11], [sflag:$0x3], $0x200, $0x38;
	[tilespmem:$0x18200] =	vst v63  }
0x4bb: {  	s12 =	simm.s32 $0xFE00  }
0x4bc: {  	[spmem:s13] =	stream.linear.scatter [tilespmem:s12], [sflag:$0x3], $0x200, $0x38;
	[tilespmem:$0x18200] =	vst v63  }
0x4bd: {  	_ =	swait.ge [sflag:s5], $0x4000  }
0x4be: {  	s18 =	sld [smem:$0x7BB]  }
0x4bf: {  	s16 =	simm.s32 $0x40;
	s28 =	simm.s32 $0x5;
	[sflag:s5] =	ssyncset.done $0x0  }
0x4c0: {  	s15 =	simm.s32 $0x80;
	s14 =	rddreg [dreg:$0x1f];
	[sflag:s5] =	ssyncadd.s32 $0xFFFFC000  }
0x4c1: {  	[hbm:s14@s15], [sflag:s18] =	dma.strided [spmem:s8@s16], $0x800, s22, $0x10   }
0x4c2: {  	_ =	swait.ge [sflag:s28], $0x800  }
0x4c3: {  	[sflag:s28] =	ssyncset.done $0x0  }
0x4c4: {  	s29 =	simm.s32 $0x8400;
	s31 =	sld [smem:$0x7DF];
	[sflag:s28] =	ssyncadd.s32 $0xFFFFF800  }
0x4c5: {  	[spmem:s17] =	stream.linear.scatter [tilespmem:s29], [sflag:$0x3], $0x200, $0x38;
	[tilespmem:$0x18200] =	vst v63  }
0x4c6: {  	s30 =	simm.s32 $0x8800;
	s8 =	sld [smem:$0x7E0]  }
0x4c7: {  	[spmem:s31] =	stream.linear.scatter [tilespmem:s30], [sflag:$0x3], $0x200, $0x38;
	[tilespmem:$0x18200] =	vst v63  }
0x4c8: {  	s7 =	simm.s32 $0x8C00;
	s10 =	sld [smem:$0x7E1]  }
0x4c9: {  	[spmem:s8] =	stream.linear.scatter [tilespmem:s7], [sflag:$0x3], $0x200, $0x38;
	[tilespmem:$0x18200] =	vst v63  }
0x4ca: {  	s9 =	simm.s32 $0x9000;
	s12 =	sld [smem:$0x7E2]  }
0x4cb: {  	[spmem:s10] =	stream.linear.scatter [tilespmem:s9], [sflag:$0x3], $0x200, $0x38;
	[tilespmem:$0x18200] =	vst v63  }
0x4cc: {  	s11 =	simm.s32 $0x9400;
	s14 =	sld [smem:$0x7E3]  }
0x4cd: {  	[spmem:s12] =	stream.linear.scatter [tilespmem:s11], [sflag:$0x3], $0x200, $0x38;
	[tilespmem:$0x18200] =	vst v63  }
0x4ce: {  	s13 =	simm.s32 $0x9800;
	s16 =	sld [smem:$0x7E4]  }
0x4cf: {  	[spmem:s14] =	stream.linear.scatter [tilespmem:s13], [sflag:$0x3], $0x200, $0x38;
	[tilespmem:$0x18200] =	vst v63  }
0x4d0: {  	s15 =	simm.s32 $0x9C00;
	s18 =	sld [smem:$0x7E5]  }
0x4d1: {  	[spmem:s16] =	stream.linear.scatter [tilespmem:s15], [sflag:$0x3], $0x200, $0x38;
	[tilespmem:$0x18200] =	vst v63  }
0x4d2: {  	s17 =	simm.s32 $0xA000;
	s29 =	sld [smem:$0x7E6]  }
0x4d3: {  	[spmem:s18] =	stream.linear.scatter [tilespmem:s17], [sflag:$0x3], $0x200, $0x38;
	[tilespmem:$0x18200] =	vst v63  }
0x4d4: {  	s28 =	simm.s32 $0xA400;
	s31 =	sld [smem:$0x7E7]  }
0x4d5: {  	[spmem:s29] =	stream.linear.scatter [tilespmem:s28], [sflag:$0x3], $0x200, $0x38;
	[tilespmem:$0x18200] =	vst v63  }
0x4d6: {  	s30 =	simm.s32 $0xA800;
	s8 =	sld [smem:$0x7E8]  }
0x4d7: {  	[spmem:s31] =	stream.linear.scatter [tilespmem:s30], [sflag:$0x3], $0x200, $0x38;
	[tilespmem:$0x18200] =	vst v63  }
0x4d8: {  	s7 =	simm.s32 $0xAC00;
	s10 =	sld [smem:$0x7E9]  }
0x4d9: {  	[spmem:s8] =	stream.linear.scatter [tilespmem:s7], [sflag:$0x3], $0x200, $0x38;
	[tilespmem:$0x18200] =	vst v63  }
0x4da: {  	s9 =	simm.s32 $0xB000;
	s12 =	sld [smem:$0x7EA]  }
0x4db: {  	[spmem:s10] =	stream.linear.scatter [tilespmem:s9], [sflag:$0x3], $0x200, $0x38;
	[tilespmem:$0x18200] =	vst v63  }
0x4dc: {  	s11 =	simm.s32 $0xB400;
	s14 =	sld [smem:$0x7EB]  }
0x4dd: {  	[spmem:s12] =	stream.linear.scatter [tilespmem:s11], [sflag:$0x3], $0x200, $0x38;
	[tilespmem:$0x18200] =	vst v63  }
0x4de: {  	s13 =	simm.s32 $0xB800;
	s16 =	sld [smem:$0x7EC]  }
0x4df: {  	[spmem:s14] =	stream.linear.scatter [tilespmem:s13], [sflag:$0x3], $0x200, $0x38;
	[tilespmem:$0x18200] =	vst v63  }
0x4e0: {  	s15 =	simm.s32 $0xBC00;
	s18 =	sld [smem:$0x7ED]  }
0x4e1: {  	[spmem:s16] =	stream.linear.scatter [tilespmem:s15], [sflag:$0x3], $0x200, $0x38;
	[tilespmem:$0x18200] =	vst v63  }
0x4e2: {  	s17 =	simm.s32 $0xC000;
	s29 =	sld [smem:$0x7EE]  }
0x4e3: {  	[spmem:s18] =	stream.linear.scatter [tilespmem:s17], [sflag:$0x3], $0x200, $0x38;
	[tilespmem:$0x18200] =	vst v63  }
0x4e4: {  	s28 =	simm.s32 $0xC400;
	s31 =	sld [smem:$0x7EF]  }
0x4e5: {  	[spmem:s29] =	stream.linear.scatter [tilespmem:s28], [sflag:$0x3], $0x200, $0x38;
	[tilespmem:$0x18200] =	vst v63  }
0x4e6: {  	s30 =	simm.s32 $0xC800;
	s8 =	sld [smem:$0x7F0]  }
0x4e7: {  	[spmem:s31] =	stream.linear.scatter [tilespmem:s30], [sflag:$0x3], $0x200, $0x38;
	[tilespmem:$0x18200] =	vst v63  }
0x4e8: {  	s7 =	simm.s32 $0xCC00;
	s10 =	sld [smem:$0x7F1]  }
0x4e9: {  	[spmem:s8] =	stream.linear.scatter [tilespmem:s7], [sflag:$0x3], $0x200, $0x38;
	[tilespmem:$0x18200] =	vst v63  }
0x4ea: {  	s9 =	simm.s32 $0xD000;
	s12 =	sld [smem:$0x7F2]  }
0x4eb: {  	[spmem:s10] =	stream.linear.scatter [tilespmem:s9], [sflag:$0x3], $0x200, $0x38;
	[tilespmem:$0x18200] =	vst v63  }
0x4ec: {  	s11 =	simm.s32 $0xD400;
	s14 =	sld [smem:$0x7F3]  }
0x4ed: {  	[spmem:s12] =	stream.linear.scatter [tilespmem:s11], [sflag:$0x3], $0x200, $0x38;
	[tilespmem:$0x18200] =	vst v63  }
0x4ee: {  	s13 =	simm.s32 $0xD800;
	s16 =	sld [smem:$0x7F4]  }
0x4ef: {  	[spmem:s14] =	stream.linear.scatter [tilespmem:s13], [sflag:$0x3], $0x200, $0x38;
	[tilespmem:$0x18200] =	vst v63  }
0x4f0: {  	s15 =	simm.s32 $0xDC00;
	s18 =	sld [smem:$0x7F5]  }
0x4f1: {  	[spmem:s16] =	stream.linear.scatter [tilespmem:s15], [sflag:$0x3], $0x200, $0x38;
	[tilespmem:$0x18200] =	vst v63  }
0x4f2: {  	s17 =	simm.s32 $0xE000;
	s29 =	sld [smem:$0x7F6]  }
0x4f3: {  	[spmem:s18] =	stream.linear.scatter [tilespmem:s17], [sflag:$0x3], $0x200, $0x38;
	[tilespmem:$0x18200] =	vst v63  }
0x4f4: {  	s28 =	simm.s32 $0xE400;
	s31 =	sld [smem:$0x7F7]  }
0x4f5: {  	[spmem:s29] =	stream.linear.scatter [tilespmem:s28], [sflag:$0x3], $0x200, $0x38;
	[tilespmem:$0x18200] =	vst v63  }
0x4f6: {  	s30 =	simm.s32 $0xE800;
	s7 =	sld [smem:$0x7F8]  }
0x4f7: {  	[spmem:s31] =	stream.linear.scatter [tilespmem:s30], [sflag:$0x3], $0x200, $0x38;
	[tilespmem:$0x18200] =	vst v63  }
0x4f8: {  	s1 =	simm.s32 $0xEC00;
	s9 =	sld [smem:$0x7F9]  }
0x4f9: {  	[spmem:s7] =	stream.linear.scatter [tilespmem:s1], [sflag:$0x3], $0x200, $0x38;
	[tilespmem:$0x18200] =	vst v63  }
0x4fa: {  	s8 =	simm.s32 $0xF000;
	s11 =	sld [smem:$0x7FA]  }
0x4fb: {  	[spmem:s9] =	stream.linear.scatter [tilespmem:s8], [sflag:$0x3], $0x200, $0x38;
	[tilespmem:$0x18200] =	vst v63  }
0x4fc: {  	s10 =	simm.s32 $0xF400;
	s13 =	sld [smem:$0x7FB]  }
0x4fd: {  	[spmem:s11] =	stream.linear.scatter [tilespmem:s10], [sflag:$0x3], $0x200, $0x38;
	[tilespmem:$0x18200] =	vst v63  }
0x4fe: {  	s12 =	simm.s32 $0xF800;
	s15 =	sld [smem:$0x7FC]  }
0x4ff: {  	[spmem:s13] =	stream.linear.scatter [tilespmem:s12], [sflag:$0x3], $0x200, $0x38;
	[tilespmem:$0x18200] =	vst v63  }
0x500: {  	s14 =	simm.s32 $0xFC00;
	s17 =	sld [smem:$0x7FD]  }
0x501: {  	[spmem:s15] =	stream.linear.scatter [tilespmem:s14], [sflag:$0x3], $0x200, $0x38;
	[tilespmem:$0x18200] =	vst v63  }
0x502: {  	s16 =	simm.s32 $0x10000  }
0x503: {  	[spmem:s17] =	stream.linear.scatter [tilespmem:s16], [sflag:$0x3], $0x200, $0x38;
	[tilespmem:$0x18200] =	vst v63  }
0x504: {  	_ =	swait.ge [sflag:s5], $0x4000  }
0x505: {  	s18 =	sld [smem:$0x7BF]  }
0x506: {  	s28 =	sld [smem:$0x7BE]  }
0x507: {  	s29 =	sld [smem:$0x7BD]  }
0x508: {  	[sflag:s5] =	ssyncset.done $0x0  }
0x509: {  	s6 =	simm.s32 $0x40;
	s3 =	simm.s32 $0x80;
	[sflag:s5] =	ssyncadd.s32 $0xFFFFC000  }
0x50a: {  	[hbm:s18@s3], [sflag:s29] =	dma.strided [spmem:s28@s6], $0x800, s22, $0x10   }
0x50b: {  	_ =	swait.ge [sflag:s22], $0x800  }
0x50c: {  	[sflag:s22] =	ssyncset.done $0x0  }
0x50d: {  	s2 =	simm.s32 $0x5;
	[sflag:s22] =	ssyncadd.s32 $0xFFFFF800  }
0x50e: {  	_ =	swait.ge [sflag:s2], $0x800  }
0x50f: {  	s30 =	sld [smem:$0x7BA];
	_ =	sdelay $0x2  }
0x510: {  	s31 =	rddreg [dreg:$0x1b];
	s1 =	sadd.s32 $0x1, s30  }
0x511: {  	p0 =	sne.s32 s1, s31  }
.Ltmp1:
0x512: {  	_ = 	snop;
	(pc) =	sbr.rel @p0 .LBB2_1-.Ltmp1, $4  }
0x513: {  	s20 =	simm.s32 $0xCA00  }
0x514: {  	s4 =	simm.s32 $0xC200;
	s19 =	simm.s32 $0xD200;
	s21 =	simm.s32 $0xDA00  }
0x515: {  	s23 =	simm.s32 $0xE200;
	s24 =	simm.s32 $0xEA00;
	[sflag:s2] =	ssyncset.done $0x0  }
0x516: {  	s25 =	simm.s32 $0xF200;
	s26 =	simm.s32 $0xFA00;
	[sflag:s2] =	ssyncadd.s32 $0xFFFFF800  }
0x517: {  	_ =	sfence.sel $0x180000  }
0x518: {  	[bflag:$0x0] =	sbarrier.arrive $0xFFFF  }
0x519: {  	_ =	strace $0x90000047  }
0x51a: {  	s0 =	stileid.u32;
	[bflag:$0x2] =	sbarrier.arrive $0xFFFF  }
0x51b: {  	p0 =	sne.s32 s0, $0x0;
	s0 =	rddreg [dreg:$0x4]  }
0x51c: {  	s0 =	sadd.s32 @!p0 $0x100000, s0  }
0x51d: {  	[sflag:s0] =	ssyncadd.tile.s32 @!p0 $0x1;
	_ =	shalt  }
.Lfunc_end2:
_tile_overlayer_lowered:
.L_overlay_start_2:
0x51e: {  	(tag) =	ssettag $0x2  }
0x51f: {  	s0 =	rddreg [dreg:$0x0];
	s2 =	stileid.u32  }
0x520: {  	s1 =	rddreg [dreg:$0x1];
	p0 =	sne.s32 s2, $0x0  }
0x521: {  	s3 =	rddreg [dreg:$0x2];
	[bflag:$0x3] =	sbarrier.arrive $0xFFFF;
	s2 =	simm.s32 @!p0 $0x1C06  }
0x522: {  	[timem:s3], [sflag:s2] =	dma.local @!p0 [hbm:s0], s1  }
0x523: {  	s0 =	simm.s32 @!p0 $0x6  }
0x524: {  	_ =	swait.ge @!p0 [sflag:s0], s1  }
0x525: {  	s1 =	ssub.s32 @!p0 $0x0, s1;
	[sflag:s0] =	ssyncset.done @!p0 $0x0  }
0x526: {  	[sflag:s0] =	ssyncadd.s32 @!p0 s1  }
0x527: {  	[bflag:$0x3] =	sbarrier.arrive $0xFFFF  }
0x528: {  	_ =	shalt  }

</sc_bundles>
